<compile_context>
chip_gen: v7x
topology: tpu7x:2x2x1
jax: 0.10.2.dev20260603
libtpu: 0.0.44.dev20260713+nightly
codegen_flags: <defaults>
</compile_context>

<pallas_src>
import jax
import jax.numpy as jnp
from jax import lax
from jax.experimental import pallas as pl
from jax.experimental.pallas import tpu as pltpu
from jax.experimental.pallas import tpu_sc as plsc

B, C, H, W = 16, 256, 64, 64
HW = H * W
NC, NS, L = 2, 16, 16
NW = NC * NS
CPW = C // NW
VPR = HW // L
NBUF = 2
GROUPS = B


def _body(x_hbm, tab_hbm, out_hbm, tab_v, pos_v, xg0, xg1, sin, sout):
    wid = lax.axis_index("s") * NC + lax.axis_index("c")
    c_base = wid * CPW
    xg = (xg0, xg1)

    pltpu.sync_copy(tab_hbm, tab_v)

    lane = jnp.arange(L, dtype=jnp.int32)

    for r in range(CPW):
        c = c_base + r
        cvec = jnp.full((L,), c, dtype=jnp.int32)
        is_col = cvec < 128

        @plsc.parallel_loop(0, VPR, unroll=4)
        def _pos(v, r=r, cvec=cvec, is_col=is_col):
            hw = v * L + lane
            idx = jnp.where(
                is_col,
                (hw & 63) * 128 + cvec,
                8192 + (hw >> 6) * 128 + cvec - 128,
            )
            val = plsc.load_gather(tab_v, [idx])
            pos_v[r, pl.ds(v * L, L)] = val

    def start_in(s, g):
        pltpu.make_async_copy(
            x_hbm.at[g, pl.ds(c_base, CPW), :], xg[s], sin.at[s]
        ).start()

    def wait_in(s, g):
        pltpu.make_async_copy(
            x_hbm.at[g, pl.ds(c_base, CPW), :], xg[s], sin.at[s]
        ).wait()

    def start_out(s, g):
        pltpu.make_async_copy(
            xg[s], out_hbm.at[g, pl.ds(c_base, CPW), :], sout.at[s]
        ).start()

    def wait_out(s, g):
        pltpu.make_async_copy(
            xg[s], out_hbm.at[g, pl.ds(c_base, CPW), :], sout.at[s]
        ).wait()

    for s in range(NBUF):
        start_in(s, s)

    @pl.loop(0, GROUPS // NBUF)
    def _pair(t):
        for s in range(NBUF):
            g = t * NBUF + s
            wait_in(s, g)

            for r in range(CPW):

                @plsc.parallel_loop(0, VPR, unroll=8)
                def _add(v, s=s, r=r):
                    sl = pl.ds(v * L, L)
                    xg[s][r, sl] = xg[s][r, sl] + pos_v[r, sl]

            start_out(s, g)

            @pl.when(g + NBUF < GROUPS)
            def _(s=s, g=g):
                wait_out(s, g)
                start_in(s, g + NBUF)

    for s in range(NBUF):
        wait_out(s, GROUPS - NBUF + s)


def _run(x3, table):
    kern = pl.kernel(
        _body,
        out_type=jax.ShapeDtypeStruct((B, C, HW), jnp.float32),
        mesh=plsc.VectorSubcoreMesh(core_axis_name="c", subcore_axis_name="s"),
        compiler_params=pltpu.CompilerParams(
            needs_layout_passes=False, use_tc_tiling_on_sc=True
        ),
        scratch_types=[
            pltpu.VMEM((128 * 128,), jnp.float32),
            pltpu.VMEM((CPW, HW), jnp.float32),
            pltpu.VMEM((CPW, HW), jnp.float32),
            pltpu.VMEM((CPW, HW), jnp.float32),
            pltpu.SemaphoreType.DMA((NBUF,)),
            pltpu.SemaphoreType.DMA((NBUF,)),
        ],
    )
    return kern(x3, table)


def kernel(x, row_embed, col_embed):
    table = jnp.concatenate([col_embed, row_embed], axis=0).reshape(-1)
    out = _run(x.reshape(B, C, HW), table)
    return out.reshape(B, C, H, W)

# --- scband reference (transcript-rebuilt; emitter-appended) ---
"""Pipeline reference for scband-position-embedding-learned-24481313587929 (READ-ONLY COPY).

The authoritative reference and input builder live on the scoring server;
editing this copy changes nothing except your own understanding.
"""

import jax, jax.numpy as jnp
import numpy as np


def setup_inputs(seed: int = 0) -> dict:
    key = jax.random.key(seed)
    k1, k2, k3 = jax.random.split(key, 3)
    B, C, H, W = 16, 256, 64, 64
    x = jax.random.normal(k1, (B, C, H, W), dtype=jnp.float32)
    # nn.Embedding(resolution[0], num_pos_feats // 2) with uniform_ init -> U[0,1)
    row_embed = jax.random.uniform(k2, (64, 128), dtype=jnp.float32)
    col_embed = jax.random.uniform(k3, (64, 128), dtype=jnp.float32)
    return {"x": x, "row_embed": row_embed, "col_embed": col_embed}


def reference(x, row_embed, col_embed):
    h, w = x.shape[-2], x.shape[-1]
    i = jnp.arange(w)
    j = jnp.arange(h)
    x_emb = jnp.take(col_embed, i, axis=0)  # [w, C//2]
    y_emb = jnp.take(row_embed, j, axis=0)  # [h, C//2]
    # cat([x_emb broadcast over rows, y_emb broadcast over cols], dim=-1)
    x_part = jnp.broadcast_to(x_emb[None, :, :], (h, w, x_emb.shape[-1]))
    y_part = jnp.broadcast_to(y_emb[:, None, :], (h, w, y_emb.shape[-1]))
    pos = jnp.concatenate([x_part, y_part], axis=-1)  # [h, w, C]
    pos = jnp.transpose(pos, (2, 0, 1))[None, :, :, :]  # [1, C, h, w]
    pos = jnp.broadcast_to(pos, x.shape)
    return x + pos

if __name__ == "__main__":
    import jax
    _d = setup_inputs()
    print(jax.jit(kernel)(*tuple(_d.values())))

</pallas_src>

<mosaic_0001>
#map = affine_map<(d0, d1) -> (0, 0, 0)>
#map1 = affine_map<(d0, d1) -> (0)>
module attributes {stable_mosaic.version = 14 : i64} {
  func.func @_body(%arg0: i32, %arg1: i32, %arg2: memref<16x256x4096xf32, #tpu.memory_space<hbm>>, %arg3: memref<16384xf32, #tpu.memory_space<hbm>>, %arg4: memref<16x256x4096xf32, #tpu.memory_space<hbm>>, %arg5: memref<16384xf32, #tpu.memory_space<vmem>>, %arg6: memref<8x4096xf32, #tpu.memory_space<vmem>>, %arg7: memref<8x4096xf32, #tpu.memory_space<vmem>>, %arg8: memref<8x4096xf32, #tpu.memory_space<vmem>>, %arg9: memref<2x!tpu.dma_semaphore, #tpu.memory_space<semaphore_mem>>, %arg10: memref<2x!tpu.dma_semaphore, #tpu.memory_space<semaphore_mem>>) attributes {dimension_semantics = [#tpu.dimension_semantics<core_parallel>, #tpu.dimension_semantics<subcore_parallel>], iteration_bounds = array<i64: 2, 16>, scalar_prefetch = 0 : i64, scratch_operands = 6 : i64, tpu.core_type = #tpu.core_type<sc_vector_subcore>, window_params = [{transform_indices = #map}, {transform_indices = #map1}, {transform_indices = #map}]} {
    %mul3A = arith.constant 2 : i32
    %mul3A_0 = arith.muli %arg1, %mul3A : i32
    %add3A = arith.addi %mul3A_0, %arg0 : i32
    %mul3A_1 = arith.constant 8 : i32
    %mul3A_2 = arith.muli %add3A, %mul3A_1 : i32
    "tpu.region"() ({
      %run_scoped3A = tpu.sem_alloc : memref<!tpu.dma_semaphore, #tpu.memory_space<semaphore_mem>>
      tpu.enqueue_dma source(%arg3 : memref<16384xf32, #tpu.memory_space<hbm>>) target(%arg5 : memref<16384xf32, #tpu.memory_space<vmem>>) target_semaphore(%run_scoped3A : memref<!tpu.dma_semaphore, #tpu.memory_space<semaphore_mem>>)
      tpu.wait_dma2 semaphore(%run_scoped3A : memref<!tpu.dma_semaphore, #tpu.memory_space<semaphore_mem>>) src(%arg3 : memref<16384xf32, #tpu.memory_space<hbm>>) dst(%arg5 : memref<16384xf32, #tpu.memory_space<vmem>>)
      tpu.yield
    }) : () -> ()
    %iota3A = tpu.iota {dimensions = array<i32: 0>} : vector<16xi32>
    %add3A_3 = arith.constant 0 : i32
    %add3A_4 = arith.addi %mul3A_2, %add3A_3 : i32
    %broadcast_in_dim3A = vector.broadcast %add3A_4 : i32 to vector<16xi32>
    %lt3A = arith.constant 128 : i32
    %lt3A_5 = vector.broadcast %lt3A : i32 to vector<16xi32>
    %lt3A_6 = arith.cmpi slt, %broadcast_in_dim3A, %lt3A_5 : vector<16xi32>
    %parallel_loop3A = arith.constant 0 : i32
    %parallel_loop3A_7 = arith.constant 256 : i32
    %parallel_loop3A_8 = arith.constant 1 : i32
    scf.for %parallel_loop3A_114 = %parallel_loop3A to %parallel_loop3A_7 step %parallel_loop3A_8  : i32 {
      %parallel_loop3A_115 = arith.constant 16 : i32
      %parallel_loop3A_116 = arith.muli %parallel_loop3A_114, %parallel_loop3A_115 : i32
      %parallel_loop3A_117 = vector.broadcast %parallel_loop3A_116 : i32 to vector<16xi32>
      %parallel_loop3A_118 = arith.addi %parallel_loop3A_117, %iota3A : vector<16xi32>
      %parallel_loop3A_119 = arith.constant 63 : i32
      %parallel_loop3A_120 = vector.broadcast %parallel_loop3A_119 : i32 to vector<16xi32>
      %parallel_loop3A_121 = arith.andi %parallel_loop3A_118, %parallel_loop3A_120 : vector<16xi32>
      %parallel_loop3A_122 = arith.constant 128 : i32
      %parallel_loop3A_123 = vector.broadcast %parallel_loop3A_122 : i32 to vector<16xi32>
      %parallel_loop3A_124 = arith.muli %parallel_loop3A_121, %parallel_loop3A_123 : vector<16xi32>
      %parallel_loop3A_125 = arith.addi %parallel_loop3A_124, %broadcast_in_dim3A : vector<16xi32>
      %parallel_loop3A_126 = arith.constant 6 : i32
      %parallel_loop3A_127 = vector.broadcast %parallel_loop3A_126 : i32 to vector<16xi32>
      %parallel_loop3A_128 = arith.shrsi %parallel_loop3A_118, %parallel_loop3A_127 : vector<16xi32>
      %parallel_loop3A_129 = arith.constant 128 : i32
      %parallel_loop3A_130 = vector.broadcast %parallel_loop3A_129 : i32 to vector<16xi32>
      %parallel_loop3A_131 = arith.muli %parallel_loop3A_128, %parallel_loop3A_130 : vector<16xi32>
      %parallel_loop3A_132 = arith.constant 8192 : i32
      %parallel_loop3A_133 = vector.broadcast %parallel_loop3A_132 : i32 to vector<16xi32>
      %parallel_loop3A_134 = arith.addi %parallel_loop3A_133, %parallel_loop3A_131 : vector<16xi32>
      %parallel_loop3A_135 = arith.addi %parallel_loop3A_134, %broadcast_in_dim3A : vector<16xi32>
      %parallel_loop3A_136 = arith.constant 128 : i32
      %parallel_loop3A_137 = vector.broadcast %parallel_loop3A_136 : i32 to vector<16xi32>
      %parallel_loop3A_138 = arith.subi %parallel_loop3A_135, %parallel_loop3A_137 : vector<16xi32>
      %parallel_loop3A_139 = arith.select %lt3A_6, %parallel_loop3A_125, %parallel_loop3A_138 : vector<16xi1>, vector<16xi32>
      %parallel_loop3A_140 = tpu.vector_load_idx %arg5[%parallel_loop3A_139] : memref<16384xf32, #tpu.memory_space<vmem>>[vector<16xi32>], vector<16xf32>,
      %parallel_loop3A_141 = arith.constant 16 : i32
      %parallel_loop3A_142 = arith.muli %parallel_loop3A_114, %parallel_loop3A_141 : i32
      %parallel_loop3A_143 = arith.constant 0 : i32
      %parallel_loop3A_144 = arith.index_cast %parallel_loop3A_143 : i32 to index
      %parallel_loop3A_145 = arith.index_cast %parallel_loop3A_142 : i32 to index
      %parallel_loop3A_146 = tpu.vector_load %arg6[%parallel_loop3A_144, %parallel_loop3A_145] {strides = array<i32>} : memref<8x4096xf32, #tpu.memory_space<vmem>>, vector<16xf32>,
      tpu.vector_store %arg6[%parallel_loop3A_144, %parallel_loop3A_145], %parallel_loop3A_140 {strides = array<i32>} : memref<8x4096xf32, #tpu.memory_space<vmem>>, vector<16xf32>,
    } {sc.loop_unroll_factor = 4 : i64, sc.parallel_access}
    %add3A_9 = arith.constant 1 : i32
    %add3A_10 = arith.addi %mul3A_2, %add3A_9 : i32
    %broadcast_in_dim3A_11 = vector.broadcast %add3A_10 : i32 to vector<16xi32>
    %lt3A_12 = arith.constant 128 : i32
    %lt3A_13 = vector.broadcast %lt3A_12 : i32 to vector<16xi32>
    %lt3A_14 = arith.cmpi slt, %broadcast_in_dim3A_11, %lt3A_13 : vector<16xi32>
    %parallel_loop3A_15 = arith.constant 0 : i32
    %parallel_loop3A_16 = arith.constant 256 : i32
    %parallel_loop3A_17 = arith.constant 1 : i32
    scf.for %parallel_loop3A_114 = %parallel_loop3A_15 to %parallel_loop3A_16 step %parallel_loop3A_17  : i32 {
      %parallel_loop3A_115 = arith.constant 16 : i32
      %parallel_loop3A_116 = arith.muli %parallel_loop3A_114, %parallel_loop3A_115 : i32
      %parallel_loop3A_117 = vector.broadcast %parallel_loop3A_116 : i32 to vector<16xi32>
      %parallel_loop3A_118 = arith.addi %parallel_loop3A_117, %iota3A : vector<16xi32>
      %parallel_loop3A_119 = arith.constant 63 : i32
      %parallel_loop3A_120 = vector.broadcast %parallel_loop3A_119 : i32 to vector<16xi32>
      %parallel_loop3A_121 = arith.andi %parallel_loop3A_118, %parallel_loop3A_120 : vector<16xi32>
      %parallel_loop3A_122 = arith.constant 128 : i32
      %parallel_loop3A_123 = vector.broadcast %parallel_loop3A_122 : i32 to vector<16xi32>
      %parallel_loop3A_124 = arith.muli %parallel_loop3A_121, %parallel_loop3A_123 : vector<16xi32>
      %parallel_loop3A_125 = arith.addi %parallel_loop3A_124, %broadcast_in_dim3A_11 : vector<16xi32>
      %parallel_loop3A_126 = arith.constant 6 : i32
      %parallel_loop3A_127 = vector.broadcast %parallel_loop3A_126 : i32 to vector<16xi32>
      %parallel_loop3A_128 = arith.shrsi %parallel_loop3A_118, %parallel_loop3A_127 : vector<16xi32>
      %parallel_loop3A_129 = arith.constant 128 : i32
      %parallel_loop3A_130 = vector.broadcast %parallel_loop3A_129 : i32 to vector<16xi32>
      %parallel_loop3A_131 = arith.muli %parallel_loop3A_128, %parallel_loop3A_130 : vector<16xi32>
      %parallel_loop3A_132 = arith.constant 8192 : i32
      %parallel_loop3A_133 = vector.broadcast %parallel_loop3A_132 : i32 to vector<16xi32>
      %parallel_loop3A_134 = arith.addi %parallel_loop3A_133, %parallel_loop3A_131 : vector<16xi32>
      %parallel_loop3A_135 = arith.addi %parallel_loop3A_134, %broadcast_in_dim3A_11 : vector<16xi32>
      %parallel_loop3A_136 = arith.constant 128 : i32
      %parallel_loop3A_137 = vector.broadcast %parallel_loop3A_136 : i32 to vector<16xi32>
      %parallel_loop3A_138 = arith.subi %parallel_loop3A_135, %parallel_loop3A_137 : vector<16xi32>
      %parallel_loop3A_139 = arith.select %lt3A_14, %parallel_loop3A_125, %parallel_loop3A_138 : vector<16xi1>, vector<16xi32>
      %parallel_loop3A_140 = tpu.vector_load_idx %arg5[%parallel_loop3A_139] : memref<16384xf32, #tpu.memory_space<vmem>>[vector<16xi32>], vector<16xf32>,
      %parallel_loop3A_141 = arith.constant 16 : i32
      %parallel_loop3A_142 = arith.muli %parallel_loop3A_114, %parallel_loop3A_141 : i32
      %parallel_loop3A_143 = arith.constant 1 : i32
      %parallel_loop3A_144 = arith.index_cast %parallel_loop3A_143 : i32 to index
      %parallel_loop3A_145 = arith.index_cast %parallel_loop3A_142 : i32 to index
      %parallel_loop3A_146 = tpu.vector_load %arg6[%parallel_loop3A_144, %parallel_loop3A_145] {strides = array<i32>} : memref<8x4096xf32, #tpu.memory_space<vmem>>, vector<16xf32>,
      tpu.vector_store %arg6[%parallel_loop3A_144, %parallel_loop3A_145], %parallel_loop3A_140 {strides = array<i32>} : memref<8x4096xf32, #tpu.memory_space<vmem>>, vector<16xf32>,
    } {sc.loop_unroll_factor = 4 : i64, sc.parallel_access}
    %add3A_18 = arith.constant 2 : i32
    %add3A_19 = arith.addi %mul3A_2, %add3A_18 : i32
    %broadcast_in_dim3A_20 = vector.broadcast %add3A_19 : i32 to vector<16xi32>
    %lt3A_21 = arith.constant 128 : i32
    %lt3A_22 = vector.broadcast %lt3A_21 : i32 to vector<16xi32>
    %lt3A_23 = arith.cmpi slt, %broadcast_in_dim3A_20, %lt3A_22 : vector<16xi32>
    %parallel_loop3A_24 = arith.constant 0 : i32
    %parallel_loop3A_25 = arith.constant 256 : i32
    %parallel_loop3A_26 = arith.constant 1 : i32
    scf.for %parallel_loop3A_114 = %parallel_loop3A_24 to %parallel_loop3A_25 step %parallel_loop3A_26  : i32 {
      %parallel_loop3A_115 = arith.constant 16 : i32
      %parallel_loop3A_116 = arith.muli %parallel_loop3A_114, %parallel_loop3A_115 : i32
      %parallel_loop3A_117 = vector.broadcast %parallel_loop3A_116 : i32 to vector<16xi32>
      %parallel_loop3A_118 = arith.addi %parallel_loop3A_117, %iota3A : vector<16xi32>
      %parallel_loop3A_119 = arith.constant 63 : i32
      %parallel_loop3A_120 = vector.broadcast %parallel_loop3A_119 : i32 to vector<16xi32>
      %parallel_loop3A_121 = arith.andi %parallel_loop3A_118, %parallel_loop3A_120 : vector<16xi32>
      %parallel_loop3A_122 = arith.constant 128 : i32
      %parallel_loop3A_123 = vector.broadcast %parallel_loop3A_122 : i32 to vector<16xi32>
      %parallel_loop3A_124 = arith.muli %parallel_loop3A_121, %parallel_loop3A_123 : vector<16xi32>
      %parallel_loop3A_125 = arith.addi %parallel_loop3A_124, %broadcast_in_dim3A_20 : vector<16xi32>
      %parallel_loop3A_126 = arith.constant 6 : i32
      %parallel_loop3A_127 = vector.broadcast %parallel_loop3A_126 : i32 to vector<16xi32>
      %parallel_loop3A_128 = arith.shrsi %parallel_loop3A_118, %parallel_loop3A_127 : vector<16xi32>
      %parallel_loop3A_129 = arith.constant 128 : i32
      %parallel_loop3A_130 = vector.broadcast %parallel_loop3A_129 : i32 to vector<16xi32>
      %parallel_loop3A_131 = arith.muli %parallel_loop3A_128, %parallel_loop3A_130 : vector<16xi32>
      %parallel_loop3A_132 = arith.constant 8192 : i32
      %parallel_loop3A_133 = vector.broadcast %parallel_loop3A_132 : i32 to vector<16xi32>
      %parallel_loop3A_134 = arith.addi %parallel_loop3A_133, %parallel_loop3A_131 : vector<16xi32>
      %parallel_loop3A_135 = arith.addi %parallel_loop3A_134, %broadcast_in_dim3A_20 : vector<16xi32>
      %parallel_loop3A_136 = arith.constant 128 : i32
      %parallel_loop3A_137 = vector.broadcast %parallel_loop3A_136 : i32 to vector<16xi32>
      %parallel_loop3A_138 = arith.subi %parallel_loop3A_135, %parallel_loop3A_137 : vector<16xi32>
      %parallel_loop3A_139 = arith.select %lt3A_23, %parallel_loop3A_125, %parallel_loop3A_138 : vector<16xi1>, vector<16xi32>
      %parallel_loop3A_140 = tpu.vector_load_idx %arg5[%parallel_loop3A_139] : memref<16384xf32, #tpu.memory_space<vmem>>[vector<16xi32>], vector<16xf32>,
      %parallel_loop3A_141 = arith.constant 16 : i32
      %parallel_loop3A_142 = arith.muli %parallel_loop3A_114, %parallel_loop3A_141 : i32
      %parallel_loop3A_143 = arith.constant 2 : i32
      %parallel_loop3A_144 = arith.index_cast %parallel_loop3A_143 : i32 to index
      %parallel_loop3A_145 = arith.index_cast %parallel_loop3A_142 : i32 to index
      %parallel_loop3A_146 = tpu.vector_load %arg6[%parallel_loop3A_144, %parallel_loop3A_145] {strides = array<i32>} : memref<8x4096xf32, #tpu.memory_space<vmem>>, vector<16xf32>,
      tpu.vector_store %arg6[%parallel_loop3A_144, %parallel_loop3A_145], %parallel_loop3A_140 {strides = array<i32>} : memref<8x4096xf32, #tpu.memory_space<vmem>>, vector<16xf32>,
    } {sc.loop_unroll_factor = 4 : i64, sc.parallel_access}
    %add3A_27 = arith.constant 3 : i32
    %add3A_28 = arith.addi %mul3A_2, %add3A_27 : i32
    %broadcast_in_dim3A_29 = vector.broadcast %add3A_28 : i32 to vector<16xi32>
    %lt3A_30 = arith.constant 128 : i32
    %lt3A_31 = vector.broadcast %lt3A_30 : i32 to vector<16xi32>
    %lt3A_32 = arith.cmpi slt, %broadcast_in_dim3A_29, %lt3A_31 : vector<16xi32>
    %parallel_loop3A_33 = arith.constant 0 : i32
    %parallel_loop3A_34 = arith.constant 256 : i32
    %parallel_loop3A_35 = arith.constant 1 : i32
    scf.for %parallel_loop3A_114 = %parallel_loop3A_33 to %parallel_loop3A_34 step %parallel_loop3A_35  : i32 {
      %parallel_loop3A_115 = arith.constant 16 : i32
      %parallel_loop3A_116 = arith.muli %parallel_loop3A_114, %parallel_loop3A_115 : i32
      %parallel_loop3A_117 = vector.broadcast %parallel_loop3A_116 : i32 to vector<16xi32>
      %parallel_loop3A_118 = arith.addi %parallel_loop3A_117, %iota3A : vector<16xi32>
      %parallel_loop3A_119 = arith.constant 63 : i32
      %parallel_loop3A_120 = vector.broadcast %parallel_loop3A_119 : i32 to vector<16xi32>
      %parallel_loop3A_121 = arith.andi %parallel_loop3A_118, %parallel_loop3A_120 : vector<16xi32>
      %parallel_loop3A_122 = arith.constant 128 : i32
      %parallel_loop3A_123 = vector.broadcast %parallel_loop3A_122 : i32 to vector<16xi32>
      %parallel_loop3A_124 = arith.muli %parallel_loop3A_121, %parallel_loop3A_123 : vector<16xi32>
      %parallel_loop3A_125 = arith.addi %parallel_loop3A_124, %broadcast_in_dim3A_29 : vector<16xi32>
      %parallel_loop3A_126 = arith.constant 6 : i32
      %parallel_loop3A_127 = vector.broadcast %parallel_loop3A_126 : i32 to vector<16xi32>
      %parallel_loop3A_128 = arith.shrsi %parallel_loop3A_118, %parallel_loop3A_127 : vector<16xi32>
      %parallel_loop3A_129 = arith.constant 128 : i32
      %parallel_loop3A_130 = vector.broadcast %parallel_loop3A_129 : i32 to vector<16xi32>
      %parallel_loop3A_131 = arith.muli %parallel_loop3A_128, %parallel_loop3A_130 : vector<16xi32>
      %parallel_loop3A_132 = arith.constant 8192 : i32
      %parallel_loop3A_133 = vector.broadcast %parallel_loop3A_132 : i32 to vector<16xi32>
      %parallel_loop3A_134 = arith.addi %parallel_loop3A_133, %parallel_loop3A_131 : vector<16xi32>
      %parallel_loop3A_135 = arith.addi %parallel_loop3A_134, %broadcast_in_dim3A_29 : vector<16xi32>
      %parallel_loop3A_136 = arith.constant 128 : i32
      %parallel_loop3A_137 = vector.broadcast %parallel_loop3A_136 : i32 to vector<16xi32>
      %parallel_loop3A_138 = arith.subi %parallel_loop3A_135, %parallel_loop3A_137 : vector<16xi32>
      %parallel_loop3A_139 = arith.select %lt3A_32, %parallel_loop3A_125, %parallel_loop3A_138 : vector<16xi1>, vector<16xi32>
      %parallel_loop3A_140 = tpu.vector_load_idx %arg5[%parallel_loop3A_139] : memref<16384xf32, #tpu.memory_space<vmem>>[vector<16xi32>], vector<16xf32>,
      %parallel_loop3A_141 = arith.constant 16 : i32
      %parallel_loop3A_142 = arith.muli %parallel_loop3A_114, %parallel_loop3A_141 : i32
      %parallel_loop3A_143 = arith.constant 3 : i32
      %parallel_loop3A_144 = arith.index_cast %parallel_loop3A_143 : i32 to index
      %parallel_loop3A_145 = arith.index_cast %parallel_loop3A_142 : i32 to index
      %parallel_loop3A_146 = tpu.vector_load %arg6[%parallel_loop3A_144, %parallel_loop3A_145] {strides = array<i32>} : memref<8x4096xf32, #tpu.memory_space<vmem>>, vector<16xf32>,
      tpu.vector_store %arg6[%parallel_loop3A_144, %parallel_loop3A_145], %parallel_loop3A_140 {strides = array<i32>} : memref<8x4096xf32, #tpu.memory_space<vmem>>, vector<16xf32>,
    } {sc.loop_unroll_factor = 4 : i64, sc.parallel_access}
    %add3A_36 = arith.constant 4 : i32
    %add3A_37 = arith.addi %mul3A_2, %add3A_36 : i32
    %broadcast_in_dim3A_38 = vector.broadcast %add3A_37 : i32 to vector<16xi32>
    %lt3A_39 = arith.constant 128 : i32
    %lt3A_40 = vector.broadcast %lt3A_39 : i32 to vector<16xi32>
    %lt3A_41 = arith.cmpi slt, %broadcast_in_dim3A_38, %lt3A_40 : vector<16xi32>
    %parallel_loop3A_42 = arith.constant 0 : i32
    %parallel_loop3A_43 = arith.constant 256 : i32
    %parallel_loop3A_44 = arith.constant 1 : i32
    scf.for %parallel_loop3A_114 = %parallel_loop3A_42 to %parallel_loop3A_43 step %parallel_loop3A_44  : i32 {
      %parallel_loop3A_115 = arith.constant 16 : i32
      %parallel_loop3A_116 = arith.muli %parallel_loop3A_114, %parallel_loop3A_115 : i32
      %parallel_loop3A_117 = vector.broadcast %parallel_loop3A_116 : i32 to vector<16xi32>
      %parallel_loop3A_118 = arith.addi %parallel_loop3A_117, %iota3A : vector<16xi32>
      %parallel_loop3A_119 = arith.constant 63 : i32
      %parallel_loop3A_120 = vector.broadcast %parallel_loop3A_119 : i32 to vector<16xi32>
      %parallel_loop3A_121 = arith.andi %parallel_loop3A_118, %parallel_loop3A_120 : vector<16xi32>
      %parallel_loop3A_122 = arith.constant 128 : i32
      %parallel_loop3A_123 = vector.broadcast %parallel_loop3A_122 : i32 to vector<16xi32>
      %parallel_loop3A_124 = arith.muli %parallel_loop3A_121, %parallel_loop3A_123 : vector<16xi32>
      %parallel_loop3A_125 = arith.addi %parallel_loop3A_124, %broadcast_in_dim3A_38 : vector<16xi32>
      %parallel_loop3A_126 = arith.constant 6 : i32
      %parallel_loop3A_127 = vector.broadcast %parallel_loop3A_126 : i32 to vector<16xi32>
      %parallel_loop3A_128 = arith.shrsi %parallel_loop3A_118, %parallel_loop3A_127 : vector<16xi32>
      %parallel_loop3A_129 = arith.constant 128 : i32
      %parallel_loop3A_130 = vector.broadcast %parallel_loop3A_129 : i32 to vector<16xi32>
      %parallel_loop3A_131 = arith.muli %parallel_loop3A_128, %parallel_loop3A_130 : vector<16xi32>
      %parallel_loop3A_132 = arith.constant 8192 : i32
      %parallel_loop3A_133 = vector.broadcast %parallel_loop3A_132 : i32 to vector<16xi32>
      %parallel_loop3A_134 = arith.addi %parallel_loop3A_133, %parallel_loop3A_131 : vector<16xi32>
      %parallel_loop3A_135 = arith.addi %parallel_loop3A_134, %broadcast_in_dim3A_38 : vector<16xi32>
      %parallel_loop3A_136 = arith.constant 128 : i32
      %parallel_loop3A_137 = vector.broadcast %parallel_loop3A_136 : i32 to vector<16xi32>
      %parallel_loop3A_138 = arith.subi %parallel_loop3A_135, %parallel_loop3A_137 : vector<16xi32>
      %parallel_loop3A_139 = arith.select %lt3A_41, %parallel_loop3A_125, %parallel_loop3A_138 : vector<16xi1>, vector<16xi32>
      %parallel_loop3A_140 = tpu.vector_load_idx %arg5[%parallel_loop3A_139] : memref<16384xf32, #tpu.memory_space<vmem>>[vector<16xi32>], vector<16xf32>,
      %parallel_loop3A_141 = arith.constant 16 : i32
      %parallel_loop3A_142 = arith.muli %parallel_loop3A_114, %parallel_loop3A_141 : i32
      %parallel_loop3A_143 = arith.constant 4 : i32
      %parallel_loop3A_144 = arith.index_cast %parallel_loop3A_143 : i32 to index
      %parallel_loop3A_145 = arith.index_cast %parallel_loop3A_142 : i32 to index
      %parallel_loop3A_146 = tpu.vector_load %arg6[%parallel_loop3A_144, %parallel_loop3A_145] {strides = array<i32>} : memref<8x4096xf32, #tpu.memory_space<vmem>>, vector<16xf32>,
      tpu.vector_store %arg6[%parallel_loop3A_144, %parallel_loop3A_145], %parallel_loop3A_140 {strides = array<i32>} : memref<8x4096xf32, #tpu.memory_space<vmem>>, vector<16xf32>,
    } {sc.loop_unroll_factor = 4 : i64, sc.parallel_access}
    %add3A_45 = arith.constant 5 : i32
    %add3A_46 = arith.addi %mul3A_2, %add3A_45 : i32
    %broadcast_in_dim3A_47 = vector.broadcast %add3A_46 : i32 to vector<16xi32>
    %lt3A_48 = arith.constant 128 : i32
    %lt3A_49 = vector.broadcast %lt3A_48 : i32 to vector<16xi32>
    %lt3A_50 = arith.cmpi slt, %broadcast_in_dim3A_47, %lt3A_49 : vector<16xi32>
    %parallel_loop3A_51 = arith.constant 0 : i32
    %parallel_loop3A_52 = arith.constant 256 : i32
    %parallel_loop3A_53 = arith.constant 1 : i32
    scf.for %parallel_loop3A_114 = %parallel_loop3A_51 to %parallel_loop3A_52 step %parallel_loop3A_53  : i32 {
      %parallel_loop3A_115 = arith.constant 16 : i32
      %parallel_loop3A_116 = arith.muli %parallel_loop3A_114, %parallel_loop3A_115 : i32
      %parallel_loop3A_117 = vector.broadcast %parallel_loop3A_116 : i32 to vector<16xi32>
      %parallel_loop3A_118 = arith.addi %parallel_loop3A_117, %iota3A : vector<16xi32>
      %parallel_loop3A_119 = arith.constant 63 : i32
      %parallel_loop3A_120 = vector.broadcast %parallel_loop3A_119 : i32 to vector<16xi32>
      %parallel_loop3A_121 = arith.andi %parallel_loop3A_118, %parallel_loop3A_120 : vector<16xi32>
      %parallel_loop3A_122 = arith.constant 128 : i32
      %parallel_loop3A_123 = vector.broadcast %parallel_loop3A_122 : i32 to vector<16xi32>
      %parallel_loop3A_124 = arith.muli %parallel_loop3A_121, %parallel_loop3A_123 : vector<16xi32>
      %parallel_loop3A_125 = arith.addi %parallel_loop3A_124, %broadcast_in_dim3A_47 : vector<16xi32>
      %parallel_loop3A_126 = arith.constant 6 : i32
      %parallel_loop3A_127 = vector.broadcast %parallel_loop3A_126 : i32 to vector<16xi32>
      %parallel_loop3A_128 = arith.shrsi %parallel_loop3A_118, %parallel_loop3A_127 : vector<16xi32>
      %parallel_loop3A_129 = arith.constant 128 : i32
      %parallel_loop3A_130 = vector.broadcast %parallel_loop3A_129 : i32 to vector<16xi32>
      %parallel_loop3A_131 = arith.muli %parallel_loop3A_128, %parallel_loop3A_130 : vector<16xi32>
      %parallel_loop3A_132 = arith.constant 8192 : i32
      %parallel_loop3A_133 = vector.broadcast %parallel_loop3A_132 : i32 to vector<16xi32>
      %parallel_loop3A_134 = arith.addi %parallel_loop3A_133, %parallel_loop3A_131 : vector<16xi32>
      %parallel_loop3A_135 = arith.addi %parallel_loop3A_134, %broadcast_in_dim3A_47 : vector<16xi32>
      %parallel_loop3A_136 = arith.constant 128 : i32
      %parallel_loop3A_137 = vector.broadcast %parallel_loop3A_136 : i32 to vector<16xi32>
      %parallel_loop3A_138 = arith.subi %parallel_loop3A_135, %parallel_loop3A_137 : vector<16xi32>
      %parallel_loop3A_139 = arith.select %lt3A_50, %parallel_loop3A_125, %parallel_loop3A_138 : vector<16xi1>, vector<16xi32>
      %parallel_loop3A_140 = tpu.vector_load_idx %arg5[%parallel_loop3A_139] : memref<16384xf32, #tpu.memory_space<vmem>>[vector<16xi32>], vector<16xf32>,
      %parallel_loop3A_141 = arith.constant 16 : i32
      %parallel_loop3A_142 = arith.muli %parallel_loop3A_114, %parallel_loop3A_141 : i32
      %parallel_loop3A_143 = arith.constant 5 : i32
      %parallel_loop3A_144 = arith.index_cast %parallel_loop3A_143 : i32 to index
      %parallel_loop3A_145 = arith.index_cast %parallel_loop3A_142 : i32 to index
      %parallel_loop3A_146 = tpu.vector_load %arg6[%parallel_loop3A_144, %parallel_loop3A_145] {strides = array<i32>} : memref<8x4096xf32, #tpu.memory_space<vmem>>, vector<16xf32>,
      tpu.vector_store %arg6[%parallel_loop3A_144, %parallel_loop3A_145], %parallel_loop3A_140 {strides = array<i32>} : memref<8x4096xf32, #tpu.memory_space<vmem>>, vector<16xf32>,
    } {sc.loop_unroll_factor = 4 : i64, sc.parallel_access}
    %add3A_54 = arith.constant 6 : i32
    %add3A_55 = arith.addi %mul3A_2, %add3A_54 : i32
    %broadcast_in_dim3A_56 = vector.broadcast %add3A_55 : i32 to vector<16xi32>
    %lt3A_57 = arith.constant 128 : i32
    %lt3A_58 = vector.broadcast %lt3A_57 : i32 to vector<16xi32>
    %lt3A_59 = arith.cmpi slt, %broadcast_in_dim3A_56, %lt3A_58 : vector<16xi32>
    %parallel_loop3A_60 = arith.constant 0 : i32
    %parallel_loop3A_61 = arith.constant 256 : i32
    %parallel_loop3A_62 = arith.constant 1 : i32
    scf.for %parallel_loop3A_114 = %parallel_loop3A_60 to %parallel_loop3A_61 step %parallel_loop3A_62  : i32 {
      %parallel_loop3A_115 = arith.constant 16 : i32
      %parallel_loop3A_116 = arith.muli %parallel_loop3A_114, %parallel_loop3A_115 : i32
      %parallel_loop3A_117 = vector.broadcast %parallel_loop3A_116 : i32 to vector<16xi32>
      %parallel_loop3A_118 = arith.addi %parallel_loop3A_117, %iota3A : vector<16xi32>
      %parallel_loop3A_119 = arith.constant 63 : i32
      %parallel_loop3A_120 = vector.broadcast %parallel_loop3A_119 : i32 to vector<16xi32>
      %parallel_loop3A_121 = arith.andi %parallel_loop3A_118, %parallel_loop3A_120 : vector<16xi32>
      %parallel_loop3A_122 = arith.constant 128 : i32
      %parallel_loop3A_123 = vector.broadcast %parallel_loop3A_122 : i32 to vector<16xi32>
      %parallel_loop3A_124 = arith.muli %parallel_loop3A_121, %parallel_loop3A_123 : vector<16xi32>
      %parallel_loop3A_125 = arith.addi %parallel_loop3A_124, %broadcast_in_dim3A_56 : vector<16xi32>
      %parallel_loop3A_126 = arith.constant 6 : i32
      %parallel_loop3A_127 = vector.broadcast %parallel_loop3A_126 : i32 to vector<16xi32>
      %parallel_loop3A_128 = arith.shrsi %parallel_loop3A_118, %parallel_loop3A_127 : vector<16xi32>
      %parallel_loop3A_129 = arith.constant 128 : i32
      %parallel_loop3A_130 = vector.broadcast %parallel_loop3A_129 : i32 to vector<16xi32>
      %parallel_loop3A_131 = arith.muli %parallel_loop3A_128, %parallel_loop3A_130 : vector<16xi32>
      %parallel_loop3A_132 = arith.constant 8192 : i32
      %parallel_loop3A_133 = vector.broadcast %parallel_loop3A_132 : i32 to vector<16xi32>
      %parallel_loop3A_134 = arith.addi %parallel_loop3A_133, %parallel_loop3A_131 : vector<16xi32>
      %parallel_loop3A_135 = arith.addi %parallel_loop3A_134, %broadcast_in_dim3A_56 : vector<16xi32>
      %parallel_loop3A_136 = arith.constant 128 : i32
      %parallel_loop3A_137 = vector.broadcast %parallel_loop3A_136 : i32 to vector<16xi32>
      %parallel_loop3A_138 = arith.subi %parallel_loop3A_135, %parallel_loop3A_137 : vector<16xi32>
      %parallel_loop3A_139 = arith.select %lt3A_59, %parallel_loop3A_125, %parallel_loop3A_138 : vector<16xi1>, vector<16xi32>
      %parallel_loop3A_140 = tpu.vector_load_idx %arg5[%parallel_loop3A_139] : memref<16384xf32, #tpu.memory_space<vmem>>[vector<16xi32>], vector<16xf32>,
      %parallel_loop3A_141 = arith.constant 16 : i32
      %parallel_loop3A_142 = arith.muli %parallel_loop3A_114, %parallel_loop3A_141 : i32
      %parallel_loop3A_143 = arith.constant 6 : i32
      %parallel_loop3A_144 = arith.index_cast %parallel_loop3A_143 : i32 to index
      %parallel_loop3A_145 = arith.index_cast %parallel_loop3A_142 : i32 to index
      %parallel_loop3A_146 = tpu.vector_load %arg6[%parallel_loop3A_144, %parallel_loop3A_145] {strides = array<i32>} : memref<8x4096xf32, #tpu.memory_space<vmem>>, vector<16xf32>,
      tpu.vector_store %arg6[%parallel_loop3A_144, %parallel_loop3A_145], %parallel_loop3A_140 {strides = array<i32>} : memref<8x4096xf32, #tpu.memory_space<vmem>>, vector<16xf32>,
    } {sc.loop_unroll_factor = 4 : i64, sc.parallel_access}
    %add3A_63 = arith.constant 7 : i32
    %add3A_64 = arith.addi %mul3A_2, %add3A_63 : i32
    %broadcast_in_dim3A_65 = vector.broadcast %add3A_64 : i32 to vector<16xi32>
    %lt3A_66 = arith.constant 128 : i32
    %lt3A_67 = vector.broadcast %lt3A_66 : i32 to vector<16xi32>
    %lt3A_68 = arith.cmpi slt, %broadcast_in_dim3A_65, %lt3A_67 : vector<16xi32>
    %parallel_loop3A_69 = arith.constant 0 : i32
    %parallel_loop3A_70 = arith.constant 256 : i32
    %parallel_loop3A_71 = arith.constant 1 : i32
    scf.for %parallel_loop3A_114 = %parallel_loop3A_69 to %parallel_loop3A_70 step %parallel_loop3A_71  : i32 {
      %parallel_loop3A_115 = arith.constant 16 : i32
      %parallel_loop3A_116 = arith.muli %parallel_loop3A_114, %parallel_loop3A_115 : i32
      %parallel_loop3A_117 = vector.broadcast %parallel_loop3A_116 : i32 to vector<16xi32>
      %parallel_loop3A_118 = arith.addi %parallel_loop3A_117, %iota3A : vector<16xi32>
      %parallel_loop3A_119 = arith.constant 63 : i32
      %parallel_loop3A_120 = vector.broadcast %parallel_loop3A_119 : i32 to vector<16xi32>
      %parallel_loop3A_121 = arith.andi %parallel_loop3A_118, %parallel_loop3A_120 : vector<16xi32>
      %parallel_loop3A_122 = arith.constant 128 : i32
      %parallel_loop3A_123 = vector.broadcast %parallel_loop3A_122 : i32 to vector<16xi32>
      %parallel_loop3A_124 = arith.muli %parallel_loop3A_121, %parallel_loop3A_123 : vector<16xi32>
      %parallel_loop3A_125 = arith.addi %parallel_loop3A_124, %broadcast_in_dim3A_65 : vector<16xi32>
      %parallel_loop3A_126 = arith.constant 6 : i32
      %parallel_loop3A_127 = vector.broadcast %parallel_loop3A_126 : i32 to vector<16xi32>
      %parallel_loop3A_128 = arith.shrsi %parallel_loop3A_118, %parallel_loop3A_127 : vector<16xi32>
      %parallel_loop3A_129 = arith.constant 128 : i32
      %parallel_loop3A_130 = vector.broadcast %parallel_loop3A_129 : i32 to vector<16xi32>
      %parallel_loop3A_131 = arith.muli %parallel_loop3A_128, %parallel_loop3A_130 : vector<16xi32>
      %parallel_loop3A_132 = arith.constant 8192 : i32
      %parallel_loop3A_133 = vector.broadcast %parallel_loop3A_132 : i32 to vector<16xi32>
      %parallel_loop3A_134 = arith.addi %parallel_loop3A_133, %parallel_loop3A_131 : vector<16xi32>
      %parallel_loop3A_135 = arith.addi %parallel_loop3A_134, %broadcast_in_dim3A_65 : vector<16xi32>
      %parallel_loop3A_136 = arith.constant 128 : i32
      %parallel_loop3A_137 = vector.broadcast %parallel_loop3A_136 : i32 to vector<16xi32>
      %parallel_loop3A_138 = arith.subi %parallel_loop3A_135, %parallel_loop3A_137 : vector<16xi32>
      %parallel_loop3A_139 = arith.select %lt3A_68, %parallel_loop3A_125, %parallel_loop3A_138 : vector<16xi1>, vector<16xi32>
      %parallel_loop3A_140 = tpu.vector_load_idx %arg5[%parallel_loop3A_139] : memref<16384xf32, #tpu.memory_space<vmem>>[vector<16xi32>], vector<16xf32>,
      %parallel_loop3A_141 = arith.constant 16 : i32
      %parallel_loop3A_142 = arith.muli %parallel_loop3A_114, %parallel_loop3A_141 : i32
      %parallel_loop3A_143 = arith.constant 7 : i32
      %parallel_loop3A_144 = arith.index_cast %parallel_loop3A_143 : i32 to index
      %parallel_loop3A_145 = arith.index_cast %parallel_loop3A_142 : i32 to index
      %parallel_loop3A_146 = tpu.vector_load %arg6[%parallel_loop3A_144, %parallel_loop3A_145] {strides = array<i32>} : memref<8x4096xf32, #tpu.memory_space<vmem>>, vector<16xf32>,
      tpu.vector_store %arg6[%parallel_loop3A_144, %parallel_loop3A_145], %parallel_loop3A_140 {strides = array<i32>} : memref<8x4096xf32, #tpu.memory_space<vmem>>, vector<16xf32>,
    } {sc.loop_unroll_factor = 4 : i64, sc.parallel_access}
    %dma_start3A = arith.constant 0 : i32
    %dma_start3A_72 = arith.constant 0 : i32
    %dma_start3A_73 = arith.constant 0 : i32
    %dma_start3A_74 = tpu.memref_slice %arg2[%dma_start3A, %mul3A_2, %dma_start3A_73] : memref<16x256x4096xf32, #tpu.memory_space<hbm>> -> memref<1x8x4096xf32, #tpu.memory_space<hbm>>
    %dma_start3A_75 = tpu.memref_squeeze %dma_start3A_74 : memref<1x8x4096xf32, #tpu.memory_space<hbm>> -> memref<8x4096xf32, #tpu.memory_space<hbm>>
    %dma_start3A_76 = tpu.memref_slice %arg9[%dma_start3A_72] : memref<2x!tpu.dma_semaphore, #tpu.memory_space<semaphore_mem>> -> memref<1x!tpu.dma_semaphore, #tpu.memory_space<semaphore_mem>>
    %dma_start3A_77 = tpu.memref_squeeze %dma_start3A_76 : memref<1x!tpu.dma_semaphore, #tpu.memory_space<semaphore_mem>> -> memref<!tpu.dma_semaphore, #tpu.memory_space<semaphore_mem>>
    %dma_start3A_78 = arith.constant 0 : i32
    %dma_start3A_79 = tpu.memref_slice %arg2[%dma_start3A, %mul3A_2, %dma_start3A_78] : memref<16x256x4096xf32, #tpu.memory_space<hbm>> -> memref<1x8x4096xf32, #tpu.memory_space<hbm>>
    %dma_start3A_80 = tpu.memref_squeeze %dma_start3A_79 : memref<1x8x4096xf32, #tpu.memory_space<hbm>> -> memref<8x4096xf32, #tpu.memory_space<hbm>>
    tpu.enqueue_dma source(%dma_start3A_80 : memref<8x4096xf32, #tpu.memory_space<hbm>>) target(%arg7 : memref<8x4096xf32, #tpu.memory_space<vmem>>) target_semaphore(%dma_start3A_77 : memref<!tpu.dma_semaphore, #tpu.memory_space<semaphore_mem>>)
    %dma_start3A_81 = arith.constant 1 : i32
    %dma_start3A_82 = arith.constant 1 : i32
    %dma_start3A_83 = arith.constant 0 : i32
    %dma_start3A_84 = tpu.memref_slice %arg2[%dma_start3A_81, %mul3A_2, %dma_start3A_83] : memref<16x256x4096xf32, #tpu.memory_space<hbm>> -> memref<1x8x4096xf32, #tpu.memory_space<hbm>>
    %dma_start3A_85 = tpu.memref_squeeze %dma_start3A_84 : memref<1x8x4096xf32, #tpu.memory_space<hbm>> -> memref<8x4096xf32, #tpu.memory_space<hbm>>
    %dma_start3A_86 = tpu.memref_slice %arg9[%dma_start3A_82] : memref<2x!tpu.dma_semaphore, #tpu.memory_space<semaphore_mem>> -> memref<1x!tpu.dma_semaphore, #tpu.memory_space<semaphore_mem>>
    %dma_start3A_87 = tpu.memref_squeeze %dma_start3A_86 : memref<1x!tpu.dma_semaphore, #tpu.memory_space<semaphore_mem>> -> memref<!tpu.dma_semaphore, #tpu.memory_space<semaphore_mem>>
    %dma_start3A_88 = arith.constant 0 : i32
    %dma_start3A_89 = tpu.memref_slice %arg2[%dma_start3A_81, %mul3A_2, %dma_start3A_88] : memref<16x256x4096xf32, #tpu.memory_space<hbm>> -> memref<1x8x4096xf32, #tpu.memory_space<hbm>>
    %dma_start3A_90 = tpu.memref_squeeze %dma_start3A_89 : memref<1x8x4096xf32, #tpu.memory_space<hbm>> -> memref<8x4096xf32, #tpu.memory_space<hbm>>
    tpu.enqueue_dma source(%dma_start3A_90 : memref<8x4096xf32, #tpu.memory_space<hbm>>) target(%arg8 : memref<8x4096xf32, #tpu.memory_space<vmem>>) target_semaphore(%dma_start3A_87 : memref<!tpu.dma_semaphore, #tpu.memory_space<semaphore_mem>>)
    %scan3A = arith.constant 0 : i32
    %scan3A_91 = arith.constant 8 : i32
    %scan3A_92 = arith.addi %scan3A, %scan3A_91 : i32
    %scan3A_93 = arith.constant 1 : i32
    scf.for %scan3A_114 = %scan3A to %scan3A_92 step %scan3A_93  : i32 {
      %mul3A_115 = arith.constant 1 : i32
      %mul3A_116 = arith.muli %scan3A_114, %mul3A_115 : i32
      %add3A_117 = arith.constant 0 : i32
      %add3A_118 = arith.addi %add3A_117, %mul3A_116 : i32
      %mul3A_119 = arith.constant 2 : i32
      %mul3A_120 = arith.muli %add3A_118, %mul3A_119 : i32
      %add3A_121 = arith.constant 0 : i32
      %add3A_122 = arith.addi %mul3A_120, %add3A_121 : i32
      %dma_wait3A_123 = arith.constant 0 : i32
      %dma_wait3A_124 = arith.constant 0 : i32
      %dma_wait3A_125 = tpu.memref_slice %arg2[%add3A_122, %mul3A_2, %dma_wait3A_124] : memref<16x256x4096xf32, #tpu.memory_space<hbm>> -> memref<1x8x4096xf32, #tpu.memory_space<hbm>>
      %dma_wait3A_126 = tpu.memref_squeeze %dma_wait3A_125 : memref<1x8x4096xf32, #tpu.memory_space<hbm>> -> memref<8x4096xf32, #tpu.memory_space<hbm>>
      %dma_wait3A_127 = tpu.memref_slice %arg9[%dma_wait3A_123] : memref<2x!tpu.dma_semaphore, #tpu.memory_space<semaphore_mem>> -> memref<1x!tpu.dma_semaphore, #tpu.memory_space<semaphore_mem>>
      %dma_wait3A_128 = tpu.memref_squeeze %dma_wait3A_127 : memref<1x!tpu.dma_semaphore, #tpu.memory_space<semaphore_mem>> -> memref<!tpu.dma_semaphore, #tpu.memory_space<semaphore_mem>>
      %dma_wait3A_129 = arith.constant 0 : i32
      %dma_wait3A_130 = tpu.memref_slice %arg2[%add3A_122, %mul3A_2, %dma_wait3A_129] : memref<16x256x4096xf32, #tpu.memory_space<hbm>> -> memref<1x8x4096xf32, #tpu.memory_space<hbm>>
      %dma_wait3A_131 = tpu.memref_squeeze %dma_wait3A_130 : memref<1x8x4096xf32, #tpu.memory_space<hbm>> -> memref<8x4096xf32, #tpu.memory_space<hbm>>
      tpu.wait_dma2 semaphore(%dma_wait3A_128 : memref<!tpu.dma_semaphore, #tpu.memory_space<semaphore_mem>>) src(%dma_wait3A_131 : memref<8x4096xf32, #tpu.memory_space<hbm>>) dst(%arg7 : memref<8x4096xf32, #tpu.memory_space<vmem>>)
      %parallel_loop3A_132 = arith.constant 0 : i32
      %parallel_loop3A_133 = arith.constant 256 : i32
      %parallel_loop3A_134 = arith.constant 1 : i32
      scf.for %parallel_loop3A_223 = %parallel_loop3A_132 to %parallel_loop3A_133 step %parallel_loop3A_134  : i32 {
        %parallel_loop3A_224 = arith.constant 16 : i32
        %parallel_loop3A_225 = arith.muli %parallel_loop3A_223, %parallel_loop3A_224 : i32
        %parallel_loop3A_226 = arith.constant 0 : i32
        %parallel_loop3A_227 = arith.index_cast %parallel_loop3A_226 : i32 to index
        %parallel_loop3A_228 = arith.index_cast %parallel_loop3A_225 : i32 to index
        %parallel_loop3A_229 = tpu.vector_load %arg7[%parallel_loop3A_227, %parallel_loop3A_228] {strides = array<i32>} : memref<8x4096xf32, #tpu.memory_space<vmem>>, vector<16xf32>,
        %parallel_loop3A_230 = arith.constant 0 : i32
        %parallel_loop3A_231 = arith.index_cast %parallel_loop3A_230 : i32 to index
        %parallel_loop3A_232 = arith.index_cast %parallel_loop3A_225 : i32 to index
        %parallel_loop3A_233 = tpu.vector_load %arg6[%parallel_loop3A_231, %parallel_loop3A_232] {strides = array<i32>} : memref<8x4096xf32, #tpu.memory_space<vmem>>, vector<16xf32>,
        %parallel_loop3A_234 = arith.addf %parallel_loop3A_229, %parallel_loop3A_233 : vector<16xf32>
        %parallel_loop3A_235 = arith.constant 0 : i32
        %parallel_loop3A_236 = arith.index_cast %parallel_loop3A_235 : i32 to index
        %parallel_loop3A_237 = arith.index_cast %parallel_loop3A_225 : i32 to index
        %parallel_loop3A_238 = tpu.vector_load %arg7[%parallel_loop3A_236, %parallel_loop3A_237] {strides = array<i32>} : memref<8x4096xf32, #tpu.memory_space<vmem>>, vector<16xf32>,
        tpu.vector_store %arg7[%parallel_loop3A_236, %parallel_loop3A_237], %parallel_loop3A_234 {strides = array<i32>} : memref<8x4096xf32, #tpu.memory_space<vmem>>, vector<16xf32>,
      } {sc.loop_unroll_factor = 8 : i64, sc.parallel_access}
      %parallel_loop3A_135 = arith.constant 0 : i32
      %parallel_loop3A_136 = arith.constant 256 : i32
      %parallel_loop3A_137 = arith.constant 1 : i32
      scf.for %parallel_loop3A_223 = %parallel_loop3A_135 to %parallel_loop3A_136 step %parallel_loop3A_137  : i32 {
        %parallel_loop3A_224 = arith.constant 16 : i32
        %parallel_loop3A_225 = arith.muli %parallel_loop3A_223, %parallel_loop3A_224 : i32
        %parallel_loop3A_226 = arith.constant 1 : i32
        %parallel_loop3A_227 = arith.index_cast %parallel_loop3A_226 : i32 to index
        %parallel_loop3A_228 = arith.index_cast %parallel_loop3A_225 : i32 to index
        %parallel_loop3A_229 = tpu.vector_load %arg7[%parallel_loop3A_227, %parallel_loop3A_228] {strides = array<i32>} : memref<8x4096xf32, #tpu.memory_space<vmem>>, vector<16xf32>,
        %parallel_loop3A_230 = arith.constant 1 : i32
        %parallel_loop3A_231 = arith.index_cast %parallel_loop3A_230 : i32 to index
        %parallel_loop3A_232 = arith.index_cast %parallel_loop3A_225 : i32 to index
        %parallel_loop3A_233 = tpu.vector_load %arg6[%parallel_loop3A_231, %parallel_loop3A_232] {strides = array<i32>} : memref<8x4096xf32, #tpu.memory_space<vmem>>, vector<16xf32>,
        %parallel_loop3A_234 = arith.addf %parallel_loop3A_229, %parallel_loop3A_233 : vector<16xf32>
        %parallel_loop3A_235 = arith.constant 1 : i32
        %parallel_loop3A_236 = arith.index_cast %parallel_loop3A_235 : i32 to index
        %parallel_loop3A_237 = arith.index_cast %parallel_loop3A_225 : i32 to index
        %parallel_loop3A_238 = tpu.vector_load %arg7[%parallel_loop3A_236, %parallel_loop3A_237] {strides = array<i32>} : memref<8x4096xf32, #tpu.memory_space<vmem>>, vector<16xf32>,
        tpu.vector_store %arg7[%parallel_loop3A_236, %parallel_loop3A_237], %parallel_loop3A_234 {strides = array<i32>} : memref<8x4096xf32, #tpu.memory_space<vmem>>, vector<16xf32>,
      } {sc.loop_unroll_factor = 8 : i64, sc.parallel_access}
      %parallel_loop3A_138 = arith.constant 0 : i32
      %parallel_loop3A_139 = arith.constant 256 : i32
      %parallel_loop3A_140 = arith.constant 1 : i32
      scf.for %parallel_loop3A_223 = %parallel_loop3A_138 to %parallel_loop3A_139 step %parallel_loop3A_140  : i32 {
        %parallel_loop3A_224 = arith.constant 16 : i32
        %parallel_loop3A_225 = arith.muli %parallel_loop3A_223, %parallel_loop3A_224 : i32
        %parallel_loop3A_226 = arith.constant 2 : i32
        %parallel_loop3A_227 = arith.index_cast %parallel_loop3A_226 : i32 to index
        %parallel_loop3A_228 = arith.index_cast %parallel_loop3A_225 : i32 to index
        %parallel_loop3A_229 = tpu.vector_load %arg7[%parallel_loop3A_227, %parallel_loop3A_228] {strides = array<i32>} : memref<8x4096xf32, #tpu.memory_space<vmem>>, vector<16xf32>,
        %parallel_loop3A_230 = arith.constant 2 : i32
        %parallel_loop3A_231 = arith.index_cast %parallel_loop3A_230 : i32 to index
        %parallel_loop3A_232 = arith.index_cast %parallel_loop3A_225 : i32 to index
        %parallel_loop3A_233 = tpu.vector_load %arg6[%parallel_loop3A_231, %parallel_loop3A_232] {strides = array<i32>} : memref<8x4096xf32, #tpu.memory_space<vmem>>, vector<16xf32>,
        %parallel_loop3A_234 = arith.addf %parallel_loop3A_229, %parallel_loop3A_233 : vector<16xf32>
        %parallel_loop3A_235 = arith.constant 2 : i32
        %parallel_loop3A_236 = arith.index_cast %parallel_loop3A_235 : i32 to index
        %parallel_loop3A_237 = arith.index_cast %parallel_loop3A_225 : i32 to index
        %parallel_loop3A_238 = tpu.vector_load %arg7[%parallel_loop3A_236, %parallel_loop3A_237] {strides = array<i32>} : memref<8x4096xf32, #tpu.memory_space<vmem>>, vector<16xf32>,
        tpu.vector_store %arg7[%parallel_loop3A_236, %parallel_loop3A_237], %parallel_loop3A_234 {strides = array<i32>} : memref<8x4096xf32, #tpu.memory_space<vmem>>, vector<16xf32>,
      } {sc.loop_unroll_factor = 8 : i64, sc.parallel_access}
      %parallel_loop3A_141 = arith.constant 0 : i32
      %parallel_loop3A_142 = arith.constant 256 : i32
      %parallel_loop3A_143 = arith.constant 1 : i32
      scf.for %parallel_loop3A_223 = %parallel_loop3A_141 to %parallel_loop3A_142 step %parallel_loop3A_143  : i32 {
        %parallel_loop3A_224 = arith.constant 16 : i32
        %parallel_loop3A_225 = arith.muli %parallel_loop3A_223, %parallel_loop3A_224 : i32
        %parallel_loop3A_226 = arith.constant 3 : i32
        %parallel_loop3A_227 = arith.index_cast %parallel_loop3A_226 : i32 to index
        %parallel_loop3A_228 = arith.index_cast %parallel_loop3A_225 : i32 to index
        %parallel_loop3A_229 = tpu.vector_load %arg7[%parallel_loop3A_227, %parallel_loop3A_228] {strides = array<i32>} : memref<8x4096xf32, #tpu.memory_space<vmem>>, vector<16xf32>,
        %parallel_loop3A_230 = arith.constant 3 : i32
        %parallel_loop3A_231 = arith.index_cast %parallel_loop3A_230 : i32 to index
        %parallel_loop3A_232 = arith.index_cast %parallel_loop3A_225 : i32 to index
        %parallel_loop3A_233 = tpu.vector_load %arg6[%parallel_loop3A_231, %parallel_loop3A_232] {strides = array<i32>} : memref<8x4096xf32, #tpu.memory_space<vmem>>, vector<16xf32>,
        %parallel_loop3A_234 = arith.addf %parallel_loop3A_229, %parallel_loop3A_233 : vector<16xf32>
        %parallel_loop3A_235 = arith.constant 3 : i32
        %parallel_loop3A_236 = arith.index_cast %parallel_loop3A_235 : i32 to index
        %parallel_loop3A_237 = arith.index_cast %parallel_loop3A_225 : i32 to index
        %parallel_loop3A_238 = tpu.vector_load %arg7[%parallel_loop3A_236, %parallel_loop3A_237] {strides = array<i32>} : memref<8x4096xf32, #tpu.memory_space<vmem>>, vector<16xf32>,
        tpu.vector_store %arg7[%parallel_loop3A_236, %parallel_loop3A_237], %parallel_loop3A_234 {strides = array<i32>} : memref<8x4096xf32, #tpu.memory_space<vmem>>, vector<16xf32>,
      } {sc.loop_unroll_factor = 8 : i64, sc.parallel_access}
      %parallel_loop3A_144 = arith.constant 0 : i32
      %parallel_loop3A_145 = arith.constant 256 : i32
      %parallel_loop3A_146 = arith.constant 1 : i32
      scf.for %parallel_loop3A_223 = %parallel_loop3A_144 to %parallel_loop3A_145 step %parallel_loop3A_146  : i32 {
        %parallel_loop3A_224 = arith.constant 16 : i32
        %parallel_loop3A_225 = arith.muli %parallel_loop3A_223, %parallel_loop3A_224 : i32
        %parallel_loop3A_226 = arith.constant 4 : i32
        %parallel_loop3A_227 = arith.index_cast %parallel_loop3A_226 : i32 to index
        %parallel_loop3A_228 = arith.index_cast %parallel_loop3A_225 : i32 to index
        %parallel_loop3A_229 = tpu.vector_load %arg7[%parallel_loop3A_227, %parallel_loop3A_228] {strides = array<i32>} : memref<8x4096xf32, #tpu.memory_space<vmem>>, vector<16xf32>,
        %parallel_loop3A_230 = arith.constant 4 : i32
        %parallel_loop3A_231 = arith.index_cast %parallel_loop3A_230 : i32 to index
        %parallel_loop3A_232 = arith.index_cast %parallel_loop3A_225 : i32 to index
        %parallel_loop3A_233 = tpu.vector_load %arg6[%parallel_loop3A_231, %parallel_loop3A_232] {strides = array<i32>} : memref<8x4096xf32, #tpu.memory_space<vmem>>, vector<16xf32>,
        %parallel_loop3A_234 = arith.addf %parallel_loop3A_229, %parallel_loop3A_233 : vector<16xf32>
        %parallel_loop3A_235 = arith.constant 4 : i32
        %parallel_loop3A_236 = arith.index_cast %parallel_loop3A_235 : i32 to index
        %parallel_loop3A_237 = arith.index_cast %parallel_loop3A_225 : i32 to index
        %parallel_loop3A_238 = tpu.vector_load %arg7[%parallel_loop3A_236, %parallel_loop3A_237] {strides = array<i32>} : memref<8x4096xf32, #tpu.memory_space<vmem>>, vector<16xf32>,
        tpu.vector_store %arg7[%parallel_loop3A_236, %parallel_loop3A_237], %parallel_loop3A_234 {strides = array<i32>} : memref<8x4096xf32, #tpu.memory_space<vmem>>, vector<16xf32>,
      } {sc.loop_unroll_factor = 8 : i64, sc.parallel_access}
      %parallel_loop3A_147 = arith.constant 0 : i32
      %parallel_loop3A_148 = arith.constant 256 : i32
      %parallel_loop3A_149 = arith.constant 1 : i32
      scf.for %parallel_loop3A_223 = %parallel_loop3A_147 to %parallel_loop3A_148 step %parallel_loop3A_149  : i32 {
        %parallel_loop3A_224 = arith.constant 16 : i32
        %parallel_loop3A_225 = arith.muli %parallel_loop3A_223, %parallel_loop3A_224 : i32
        %parallel_loop3A_226 = arith.constant 5 : i32
        %parallel_loop3A_227 = arith.index_cast %parallel_loop3A_226 : i32 to index
        %parallel_loop3A_228 = arith.index_cast %parallel_loop3A_225 : i32 to index
        %parallel_loop3A_229 = tpu.vector_load %arg7[%parallel_loop3A_227, %parallel_loop3A_228] {strides = array<i32>} : memref<8x4096xf32, #tpu.memory_space<vmem>>, vector<16xf32>,
        %parallel_loop3A_230 = arith.constant 5 : i32
        %parallel_loop3A_231 = arith.index_cast %parallel_loop3A_230 : i32 to index
        %parallel_loop3A_232 = arith.index_cast %parallel_loop3A_225 : i32 to index
        %parallel_loop3A_233 = tpu.vector_load %arg6[%parallel_loop3A_231, %parallel_loop3A_232] {strides = array<i32>} : memref<8x4096xf32, #tpu.memory_space<vmem>>, vector<16xf32>,
        %parallel_loop3A_234 = arith.addf %parallel_loop3A_229, %parallel_loop3A_233 : vector<16xf32>
        %parallel_loop3A_235 = arith.constant 5 : i32
        %parallel_loop3A_236 = arith.index_cast %parallel_loop3A_235 : i32 to index
        %parallel_loop3A_237 = arith.index_cast %parallel_loop3A_225 : i32 to index
        %parallel_loop3A_238 = tpu.vector_load %arg7[%parallel_loop3A_236, %parallel_loop3A_237] {strides = array<i32>} : memref<8x4096xf32, #tpu.memory_space<vmem>>, vector<16xf32>,
        tpu.vector_store %arg7[%parallel_loop3A_236, %parallel_loop3A_237], %parallel_loop3A_234 {strides = array<i32>} : memref<8x4096xf32, #tpu.memory_space<vmem>>, vector<16xf32>,
      } {sc.loop_unroll_factor = 8 : i64, sc.parallel_access}
      %parallel_loop3A_150 = arith.constant 0 : i32
      %parallel_loop3A_151 = arith.constant 256 : i32
      %parallel_loop3A_152 = arith.constant 1 : i32
      scf.for %parallel_loop3A_223 = %parallel_loop3A_150 to %parallel_loop3A_151 step %parallel_loop3A_152  : i32 {
        %parallel_loop3A_224 = arith.constant 16 : i32
        %parallel_loop3A_225 = arith.muli %parallel_loop3A_223, %parallel_loop3A_224 : i32
        %parallel_loop3A_226 = arith.constant 6 : i32
        %parallel_loop3A_227 = arith.index_cast %parallel_loop3A_226 : i32 to index
        %parallel_loop3A_228 = arith.index_cast %parallel_loop3A_225 : i32 to index
        %parallel_loop3A_229 = tpu.vector_load %arg7[%parallel_loop3A_227, %parallel_loop3A_228] {strides = array<i32>} : memref<8x4096xf32, #tpu.memory_space<vmem>>, vector<16xf32>,
        %parallel_loop3A_230 = arith.constant 6 : i32
        %parallel_loop3A_231 = arith.index_cast %parallel_loop3A_230 : i32 to index
        %parallel_loop3A_232 = arith.index_cast %parallel_loop3A_225 : i32 to index
        %parallel_loop3A_233 = tpu.vector_load %arg6[%parallel_loop3A_231, %parallel_loop3A_232] {strides = array<i32>} : memref<8x4096xf32, #tpu.memory_space<vmem>>, vector<16xf32>,
        %parallel_loop3A_234 = arith.addf %parallel_loop3A_229, %parallel_loop3A_233 : vector<16xf32>
        %parallel_loop3A_235 = arith.constant 6 : i32
        %parallel_loop3A_236 = arith.index_cast %parallel_loop3A_235 : i32 to index
        %parallel_loop3A_237 = arith.index_cast %parallel_loop3A_225 : i32 to index
        %parallel_loop3A_238 = tpu.vector_load %arg7[%parallel_loop3A_236, %parallel_loop3A_237] {strides = array<i32>} : memref<8x4096xf32, #tpu.memory_space<vmem>>, vector<16xf32>,
        tpu.vector_store %arg7[%parallel_loop3A_236, %parallel_loop3A_237], %parallel_loop3A_234 {strides = array<i32>} : memref<8x4096xf32, #tpu.memory_space<vmem>>, vector<16xf32>,
      } {sc.loop_unroll_factor = 8 : i64, sc.parallel_access}
      %parallel_loop3A_153 = arith.constant 0 : i32
      %parallel_loop3A_154 = arith.constant 256 : i32
      %parallel_loop3A_155 = arith.constant 1 : i32
      scf.for %parallel_loop3A_223 = %parallel_loop3A_153 to %parallel_loop3A_154 step %parallel_loop3A_155  : i32 {
        %parallel_loop3A_224 = arith.constant 16 : i32
        %parallel_loop3A_225 = arith.muli %parallel_loop3A_223, %parallel_loop3A_224 : i32
        %parallel_loop3A_226 = arith.constant 7 : i32
        %parallel_loop3A_227 = arith.index_cast %parallel_loop3A_226 : i32 to index
        %parallel_loop3A_228 = arith.index_cast %parallel_loop3A_225 : i32 to index
        %parallel_loop3A_229 = tpu.vector_load %arg7[%parallel_loop3A_227, %parallel_loop3A_228] {strides = array<i32>} : memref<8x4096xf32, #tpu.memory_space<vmem>>, vector<16xf32>,
        %parallel_loop3A_230 = arith.constant 7 : i32
        %parallel_loop3A_231 = arith.index_cast %parallel_loop3A_230 : i32 to index
        %parallel_loop3A_232 = arith.index_cast %parallel_loop3A_225 : i32 to index
        %parallel_loop3A_233 = tpu.vector_load %arg6[%parallel_loop3A_231, %parallel_loop3A_232] {strides = array<i32>} : memref<8x4096xf32, #tpu.memory_space<vmem>>, vector<16xf32>,
        %parallel_loop3A_234 = arith.addf %parallel_loop3A_229, %parallel_loop3A_233 : vector<16xf32>
        %parallel_loop3A_235 = arith.constant 7 : i32
        %parallel_loop3A_236 = arith.index_cast %parallel_loop3A_235 : i32 to index
        %parallel_loop3A_237 = arith.index_cast %parallel_loop3A_225 : i32 to index
        %parallel_loop3A_238 = tpu.vector_load %arg7[%parallel_loop3A_236, %parallel_loop3A_237] {strides = array<i32>} : memref<8x4096xf32, #tpu.memory_space<vmem>>, vector<16xf32>,
        tpu.vector_store %arg7[%parallel_loop3A_236, %parallel_loop3A_237], %parallel_loop3A_234 {strides = array<i32>} : memref<8x4096xf32, #tpu.memory_space<vmem>>, vector<16xf32>,
      } {sc.loop_unroll_factor = 8 : i64, sc.parallel_access}
      %dma_start3A_156 = arith.constant 0 : i32
      %dma_start3A_157 = arith.constant 0 : i32
      %dma_start3A_158 = tpu.memref_slice %arg4[%add3A_122, %mul3A_2, %dma_start3A_157] : memref<16x256x4096xf32, #tpu.memory_space<hbm>> -> memref<1x8x4096xf32, #tpu.memory_space<hbm>>
      %dma_start3A_159 = tpu.memref_squeeze %dma_start3A_158 : memref<1x8x4096xf32, #tpu.memory_space<hbm>> -> memref<8x4096xf32, #tpu.memory_space<hbm>>
      %dma_start3A_160 = tpu.memref_slice %arg10[%dma_start3A_156] : memref<2x!tpu.dma_semaphore, #tpu.memory_space<semaphore_mem>> -> memref<1x!tpu.dma_semaphore, #tpu.memory_space<semaphore_mem>>
      %dma_start3A_161 = tpu.memref_squeeze %dma_start3A_160 : memref<1x!tpu.dma_semaphore, #tpu.memory_space<semaphore_mem>> -> memref<!tpu.dma_semaphore, #tpu.memory_space<semaphore_mem>>
      %dma_start3A_162 = arith.constant 0 : i32
      %dma_start3A_163 = tpu.memref_slice %arg4[%add3A_122, %mul3A_2, %dma_start3A_162] : memref<16x256x4096xf32, #tpu.memory_space<hbm>> -> memref<1x8x4096xf32, #tpu.memory_space<hbm>>
      %dma_start3A_164 = tpu.memref_squeeze %dma_start3A_163 : memref<1x8x4096xf32, #tpu.memory_space<hbm>> -> memref<8x4096xf32, #tpu.memory_space<hbm>>
      tpu.enqueue_dma source(%arg7 : memref<8x4096xf32, #tpu.memory_space<vmem>>) target(%dma_start3A_164 : memref<8x4096xf32, #tpu.memory_space<hbm>>) target_semaphore(%dma_start3A_161 : memref<!tpu.dma_semaphore, #tpu.memory_space<semaphore_mem>>)
      %add3A_165 = arith.constant 2 : i32
      %add3A_166 = arith.addi %add3A_122, %add3A_165 : i32
      %lt3A_167 = arith.constant 16 : i32
      %lt3A_168 = arith.cmpi slt, %add3A_166, %lt3A_167 : i32
      %convert_element_type3A = arith.extui %lt3A_168 : i1 to i32
      %cond3A = arith.constant 0 : i32
      %cond3A_169 = arith.cmpi ne, %convert_element_type3A, %cond3A : i32
      scf.if %cond3A_169 {
        %dma_wait3A_223 = arith.constant 0 : i32
        %dma_wait3A_224 = arith.constant 0 : i32
        %dma_wait3A_225 = tpu.memref_slice %arg4[%add3A_122, %mul3A_2, %dma_wait3A_224] : memref<16x256x4096xf32, #tpu.memory_space<hbm>> -> memref<1x8x4096xf32, #tpu.memory_space<hbm>>
        %dma_wait3A_226 = tpu.memref_squeeze %dma_wait3A_225 : memref<1x8x4096xf32, #tpu.memory_space<hbm>> -> memref<8x4096xf32, #tpu.memory_space<hbm>>
        %dma_wait3A_227 = tpu.memref_slice %arg10[%dma_wait3A_223] : memref<2x!tpu.dma_semaphore, #tpu.memory_space<semaphore_mem>> -> memref<1x!tpu.dma_semaphore, #tpu.memory_space<semaphore_mem>>
        %dma_wait3A_228 = tpu.memref_squeeze %dma_wait3A_227 : memref<1x!tpu.dma_semaphore, #tpu.memory_space<semaphore_mem>> -> memref<!tpu.dma_semaphore, #tpu.memory_space<semaphore_mem>>
        %dma_wait3A_229 = arith.constant 0 : i32
        %dma_wait3A_230 = tpu.memref_slice %arg4[%add3A_122, %mul3A_2, %dma_wait3A_229] : memref<16x256x4096xf32, #tpu.memory_space<hbm>> -> memref<1x8x4096xf32, #tpu.memory_space<hbm>>
        %dma_wait3A_231 = tpu.memref_squeeze %dma_wait3A_230 : memref<1x8x4096xf32, #tpu.memory_space<hbm>> -> memref<8x4096xf32, #tpu.memory_space<hbm>>
        tpu.wait_dma2 semaphore(%dma_wait3A_228 : memref<!tpu.dma_semaphore, #tpu.memory_space<semaphore_mem>>) src(%arg7 : memref<8x4096xf32, #tpu.memory_space<vmem>>) dst(%dma_wait3A_231 : memref<8x4096xf32, #tpu.memory_space<hbm>>)
        %add3A_232 = arith.constant 2 : i32
        %add3A_233 = arith.addi %add3A_122, %add3A_232 : i32
        %dma_start3A_234 = arith.constant 0 : i32
        %dma_start3A_235 = arith.constant 0 : i32
        %dma_start3A_236 = tpu.memref_slice %arg2[%add3A_233, %mul3A_2, %dma_start3A_235] : memref<16x256x4096xf32, #tpu.memory_space<hbm>> -> memref<1x8x4096xf32, #tpu.memory_space<hbm>>
        %dma_start3A_237 = tpu.memref_squeeze %dma_start3A_236 : memref<1x8x4096xf32, #tpu.memory_space<hbm>> -> memref<8x4096xf32, #tpu.memory_space<hbm>>
        %dma_start3A_238 = tpu.memref_slice %arg9[%dma_start3A_234] : memref<2x!tpu.dma_semaphore, #tpu.memory_space<semaphore_mem>> -> memref<1x!tpu.dma_semaphore, #tpu.memory_space<semaphore_mem>>
        %dma_start3A_239 = tpu.memref_squeeze %dma_start3A_238 : memref<1x!tpu.dma_semaphore, #tpu.memory_space<semaphore_mem>> -> memref<!tpu.dma_semaphore, #tpu.memory_space<semaphore_mem>>
        %dma_start3A_240 = arith.constant 0 : i32
        %dma_start3A_241 = tpu.memref_slice %arg2[%add3A_233, %mul3A_2, %dma_start3A_240] : memref<16x256x4096xf32, #tpu.memory_space<hbm>> -> memref<1x8x4096xf32, #tpu.memory_space<hbm>>
        %dma_start3A_242 = tpu.memref_squeeze %dma_start3A_241 : memref<1x8x4096xf32, #tpu.memory_space<hbm>> -> memref<8x4096xf32, #tpu.memory_space<hbm>>
        tpu.enqueue_dma source(%dma_start3A_242 : memref<8x4096xf32, #tpu.memory_space<hbm>>) target(%arg7 : memref<8x4096xf32, #tpu.memory_space<vmem>>) target_semaphore(%dma_start3A_239 : memref<!tpu.dma_semaphore, #tpu.memory_space<semaphore_mem>>)
      } else {
      }
      %mul3A_170 = arith.constant 2 : i32
      %mul3A_171 = arith.muli %add3A_118, %mul3A_170 : i32
      %add3A_172 = arith.constant 1 : i32
      %add3A_173 = arith.addi %mul3A_171, %add3A_172 : i32
      %dma_wait3A_174 = arith.constant 1 : i32
      %dma_wait3A_175 = arith.constant 0 : i32
      %dma_wait3A_176 = tpu.memref_slice %arg2[%add3A_173, %mul3A_2, %dma_wait3A_175] : memref<16x256x4096xf32, #tpu.memory_space<hbm>> -> memref<1x8x4096xf32, #tpu.memory_space<hbm>>
      %dma_wait3A_177 = tpu.memref_squeeze %dma_wait3A_176 : memref<1x8x4096xf32, #tpu.memory_space<hbm>> -> memref<8x4096xf32, #tpu.memory_space<hbm>>
      %dma_wait3A_178 = tpu.memref_slice %arg9[%dma_wait3A_174] : memref<2x!tpu.dma_semaphore, #tpu.memory_space<semaphore_mem>> -> memref<1x!tpu.dma_semaphore, #tpu.memory_space<semaphore_mem>>
      %dma_wait3A_179 = tpu.memref_squeeze %dma_wait3A_178 : memref<1x!tpu.dma_semaphore, #tpu.memory_space<semaphore_mem>> -> memref<!tpu.dma_semaphore, #tpu.memory_space<semaphore_mem>>
      %dma_wait3A_180 = arith.constant 0 : i32
      %dma_wait3A_181 = tpu.memref_slice %arg2[%add3A_173, %mul3A_2, %dma_wait3A_180] : memref<16x256x4096xf32, #tpu.memory_space<hbm>> -> memref<1x8x4096xf32, #tpu.memory_space<hbm>>
      %dma_wait3A_182 = tpu.memref_squeeze %dma_wait3A_181 : memref<1x8x4096xf32, #tpu.memory_space<hbm>> -> memref<8x4096xf32, #tpu.memory_space<hbm>>
      tpu.wait_dma2 semaphore(%dma_wait3A_179 : memref<!tpu.dma_semaphore, #tpu.memory_space<semaphore_mem>>) src(%dma_wait3A_182 : memref<8x4096xf32, #tpu.memory_space<hbm>>) dst(%arg8 : memref<8x4096xf32, #tpu.memory_space<vmem>>)
      %parallel_loop3A_183 = arith.constant 0 : i32
      %parallel_loop3A_184 = arith.constant 256 : i32
      %parallel_loop3A_185 = arith.constant 1 : i32
      scf.for %parallel_loop3A_223 = %parallel_loop3A_183 to %parallel_loop3A_184 step %parallel_loop3A_185  : i32 {
        %parallel_loop3A_224 = arith.constant 16 : i32
        %parallel_loop3A_225 = arith.muli %parallel_loop3A_223, %parallel_loop3A_224 : i32
        %parallel_loop3A_226 = arith.constant 0 : i32
        %parallel_loop3A_227 = arith.index_cast %parallel_loop3A_226 : i32 to index
        %parallel_loop3A_228 = arith.index_cast %parallel_loop3A_225 : i32 to index
        %parallel_loop3A_229 = tpu.vector_load %arg8[%parallel_loop3A_227, %parallel_loop3A_228] {strides = array<i32>} : memref<8x4096xf32, #tpu.memory_space<vmem>>, vector<16xf32>,
        %parallel_loop3A_230 = arith.constant 0 : i32
        %parallel_loop3A_231 = arith.index_cast %parallel_loop3A_230 : i32 to index
        %parallel_loop3A_232 = arith.index_cast %parallel_loop3A_225 : i32 to index
        %parallel_loop3A_233 = tpu.vector_load %arg6[%parallel_loop3A_231, %parallel_loop3A_232] {strides = array<i32>} : memref<8x4096xf32, #tpu.memory_space<vmem>>, vector<16xf32>,
        %parallel_loop3A_234 = arith.addf %parallel_loop3A_229, %parallel_loop3A_233 : vector<16xf32>
        %parallel_loop3A_235 = arith.constant 0 : i32
        %parallel_loop3A_236 = arith.index_cast %parallel_loop3A_235 : i32 to index
        %parallel_loop3A_237 = arith.index_cast %parallel_loop3A_225 : i32 to index
        %parallel_loop3A_238 = tpu.vector_load %arg8[%parallel_loop3A_236, %parallel_loop3A_237] {strides = array<i32>} : memref<8x4096xf32, #tpu.memory_space<vmem>>, vector<16xf32>,
        tpu.vector_store %arg8[%parallel_loop3A_236, %parallel_loop3A_237], %parallel_loop3A_234 {strides = array<i32>} : memref<8x4096xf32, #tpu.memory_space<vmem>>, vector<16xf32>,
      } {sc.loop_unroll_factor = 8 : i64, sc.parallel_access}
      %parallel_loop3A_186 = arith.constant 0 : i32
      %parallel_loop3A_187 = arith.constant 256 : i32
      %parallel_loop3A_188 = arith.constant 1 : i32
      scf.for %parallel_loop3A_223 = %parallel_loop3A_186 to %parallel_loop3A_187 step %parallel_loop3A_188  : i32 {
        %parallel_loop3A_224 = arith.constant 16 : i32
        %parallel_loop3A_225 = arith.muli %parallel_loop3A_223, %parallel_loop3A_224 : i32
        %parallel_loop3A_226 = arith.constant 1 : i32
        %parallel_loop3A_227 = arith.index_cast %parallel_loop3A_226 : i32 to index
        %parallel_loop3A_228 = arith.index_cast %parallel_loop3A_225 : i32 to index
        %parallel_loop3A_229 = tpu.vector_load %arg8[%parallel_loop3A_227, %parallel_loop3A_228] {strides = array<i32>} : memref<8x4096xf32, #tpu.memory_space<vmem>>, vector<16xf32>,
        %parallel_loop3A_230 = arith.constant 1 : i32
        %parallel_loop3A_231 = arith.index_cast %parallel_loop3A_230 : i32 to index
        %parallel_loop3A_232 = arith.index_cast %parallel_loop3A_225 : i32 to index
        %parallel_loop3A_233 = tpu.vector_load %arg6[%parallel_loop3A_231, %parallel_loop3A_232] {strides = array<i32>} : memref<8x4096xf32, #tpu.memory_space<vmem>>, vector<16xf32>,
        %parallel_loop3A_234 = arith.addf %parallel_loop3A_229, %parallel_loop3A_233 : vector<16xf32>
        %parallel_loop3A_235 = arith.constant 1 : i32
        %parallel_loop3A_236 = arith.index_cast %parallel_loop3A_235 : i32 to index
        %parallel_loop3A_237 = arith.index_cast %parallel_loop3A_225 : i32 to index
        %parallel_loop3A_238 = tpu.vector_load %arg8[%parallel_loop3A_236, %parallel_loop3A_237] {strides = array<i32>} : memref<8x4096xf32, #tpu.memory_space<vmem>>, vector<16xf32>,
        tpu.vector_store %arg8[%parallel_loop3A_236, %parallel_loop3A_237], %parallel_loop3A_234 {strides = array<i32>} : memref<8x4096xf32, #tpu.memory_space<vmem>>, vector<16xf32>,
      } {sc.loop_unroll_factor = 8 : i64, sc.parallel_access}
      %parallel_loop3A_189 = arith.constant 0 : i32
      %parallel_loop3A_190 = arith.constant 256 : i32
      %parallel_loop3A_191 = arith.constant 1 : i32
      scf.for %parallel_loop3A_223 = %parallel_loop3A_189 to %parallel_loop3A_190 step %parallel_loop3A_191  : i32 {
        %parallel_loop3A_224 = arith.constant 16 : i32
        %parallel_loop3A_225 = arith.muli %parallel_loop3A_223, %parallel_loop3A_224 : i32
        %parallel_loop3A_226 = arith.constant 2 : i32
        %parallel_loop3A_227 = arith.index_cast %parallel_loop3A_226 : i32 to index
        %parallel_loop3A_228 = arith.index_cast %parallel_loop3A_225 : i32 to index
        %parallel_loop3A_229 = tpu.vector_load %arg8[%parallel_loop3A_227, %parallel_loop3A_228] {strides = array<i32>} : memref<8x4096xf32, #tpu.memory_space<vmem>>, vector<16xf32>,
        %parallel_loop3A_230 = arith.constant 2 : i32
        %parallel_loop3A_231 = arith.index_cast %parallel_loop3A_230 : i32 to index
        %parallel_loop3A_232 = arith.index_cast %parallel_loop3A_225 : i32 to index
        %parallel_loop3A_233 = tpu.vector_load %arg6[%parallel_loop3A_231, %parallel_loop3A_232] {strides = array<i32>} : memref<8x4096xf32, #tpu.memory_space<vmem>>, vector<16xf32>,
        %parallel_loop3A_234 = arith.addf %parallel_loop3A_229, %parallel_loop3A_233 : vector<16xf32>
        %parallel_loop3A_235 = arith.constant 2 : i32
        %parallel_loop3A_236 = arith.index_cast %parallel_loop3A_235 : i32 to index
        %parallel_loop3A_237 = arith.index_cast %parallel_loop3A_225 : i32 to index
        %parallel_loop3A_238 = tpu.vector_load %arg8[%parallel_loop3A_236, %parallel_loop3A_237] {strides = array<i32>} : memref<8x4096xf32, #tpu.memory_space<vmem>>, vector<16xf32>,
        tpu.vector_store %arg8[%parallel_loop3A_236, %parallel_loop3A_237], %parallel_loop3A_234 {strides = array<i32>} : memref<8x4096xf32, #tpu.memory_space<vmem>>, vector<16xf32>,
      } {sc.loop_unroll_factor = 8 : i64, sc.parallel_access}
      %parallel_loop3A_192 = arith.constant 0 : i32
      %parallel_loop3A_193 = arith.constant 256 : i32
      %parallel_loop3A_194 = arith.constant 1 : i32
      scf.for %parallel_loop3A_223 = %parallel_loop3A_192 to %parallel_loop3A_193 step %parallel_loop3A_194  : i32 {
        %parallel_loop3A_224 = arith.constant 16 : i32
        %parallel_loop3A_225 = arith.muli %parallel_loop3A_223, %parallel_loop3A_224 : i32
        %parallel_loop3A_226 = arith.constant 3 : i32
        %parallel_loop3A_227 = arith.index_cast %parallel_loop3A_226 : i32 to index
        %parallel_loop3A_228 = arith.index_cast %parallel_loop3A_225 : i32 to index
        %parallel_loop3A_229 = tpu.vector_load %arg8[%parallel_loop3A_227, %parallel_loop3A_228] {strides = array<i32>} : memref<8x4096xf32, #tpu.memory_space<vmem>>, vector<16xf32>,
        %parallel_loop3A_230 = arith.constant 3 : i32
        %parallel_loop3A_231 = arith.index_cast %parallel_loop3A_230 : i32 to index
        %parallel_loop3A_232 = arith.index_cast %parallel_loop3A_225 : i32 to index
        %parallel_loop3A_233 = tpu.vector_load %arg6[%parallel_loop3A_231, %parallel_loop3A_232] {strides = array<i32>} : memref<8x4096xf32, #tpu.memory_space<vmem>>, vector<16xf32>,
        %parallel_loop3A_234 = arith.addf %parallel_loop3A_229, %parallel_loop3A_233 : vector<16xf32>
        %parallel_loop3A_235 = arith.constant 3 : i32
        %parallel_loop3A_236 = arith.index_cast %parallel_loop3A_235 : i32 to index
        %parallel_loop3A_237 = arith.index_cast %parallel_loop3A_225 : i32 to index
        %parallel_loop3A_238 = tpu.vector_load %arg8[%parallel_loop3A_236, %parallel_loop3A_237] {strides = array<i32>} : memref<8x4096xf32, #tpu.memory_space<vmem>>, vector<16xf32>,
        tpu.vector_store %arg8[%parallel_loop3A_236, %parallel_loop3A_237], %parallel_loop3A_234 {strides = array<i32>} : memref<8x4096xf32, #tpu.memory_space<vmem>>, vector<16xf32>,
      } {sc.loop_unroll_factor = 8 : i64, sc.parallel_access}
      %parallel_loop3A_195 = arith.constant 0 : i32
      %parallel_loop3A_196 = arith.constant 256 : i32
      %parallel_loop3A_197 = arith.constant 1 : i32
      scf.for %parallel_loop3A_223 = %parallel_loop3A_195 to %parallel_loop3A_196 step %parallel_loop3A_197  : i32 {
        %parallel_loop3A_224 = arith.constant 16 : i32
        %parallel_loop3A_225 = arith.muli %parallel_loop3A_223, %parallel_loop3A_224 : i32
        %parallel_loop3A_226 = arith.constant 4 : i32
        %parallel_loop3A_227 = arith.index_cast %parallel_loop3A_226 : i32 to index
        %parallel_loop3A_228 = arith.index_cast %parallel_loop3A_225 : i32 to index
        %parallel_loop3A_229 = tpu.vector_load %arg8[%parallel_loop3A_227, %parallel_loop3A_228] {strides = array<i32>} : memref<8x4096xf32, #tpu.memory_space<vmem>>, vector<16xf32>,
        %parallel_loop3A_230 = arith.constant 4 : i32
        %parallel_loop3A_231 = arith.index_cast %parallel_loop3A_230 : i32 to index
        %parallel_loop3A_232 = arith.index_cast %parallel_loop3A_225 : i32 to index
        %parallel_loop3A_233 = tpu.vector_load %arg6[%parallel_loop3A_231, %parallel_loop3A_232] {strides = array<i32>} : memref<8x4096xf32, #tpu.memory_space<vmem>>, vector<16xf32>,
        %parallel_loop3A_234 = arith.addf %parallel_loop3A_229, %parallel_loop3A_233 : vector<16xf32>
        %parallel_loop3A_235 = arith.constant 4 : i32
        %parallel_loop3A_236 = arith.index_cast %parallel_loop3A_235 : i32 to index
        %parallel_loop3A_237 = arith.index_cast %parallel_loop3A_225 : i32 to index
        %parallel_loop3A_238 = tpu.vector_load %arg8[%parallel_loop3A_236, %parallel_loop3A_237] {strides = array<i32>} : memref<8x4096xf32, #tpu.memory_space<vmem>>, vector<16xf32>,
        tpu.vector_store %arg8[%parallel_loop3A_236, %parallel_loop3A_237], %parallel_loop3A_234 {strides = array<i32>} : memref<8x4096xf32, #tpu.memory_space<vmem>>, vector<16xf32>,
      } {sc.loop_unroll_factor = 8 : i64, sc.parallel_access}
      %parallel_loop3A_198 = arith.constant 0 : i32
      %parallel_loop3A_199 = arith.constant 256 : i32
      %parallel_loop3A_200 = arith.constant 1 : i32
      scf.for %parallel_loop3A_223 = %parallel_loop3A_198 to %parallel_loop3A_199 step %parallel_loop3A_200  : i32 {
        %parallel_loop3A_224 = arith.constant 16 : i32
        %parallel_loop3A_225 = arith.muli %parallel_loop3A_223, %parallel_loop3A_224 : i32
        %parallel_loop3A_226 = arith.constant 5 : i32
        %parallel_loop3A_227 = arith.index_cast %parallel_loop3A_226 : i32 to index
        %parallel_loop3A_228 = arith.index_cast %parallel_loop3A_225 : i32 to index
        %parallel_loop3A_229 = tpu.vector_load %arg8[%parallel_loop3A_227, %parallel_loop3A_228] {strides = array<i32>} : memref<8x4096xf32, #tpu.memory_space<vmem>>, vector<16xf32>,
        %parallel_loop3A_230 = arith.constant 5 : i32
        %parallel_loop3A_231 = arith.index_cast %parallel_loop3A_230 : i32 to index
        %parallel_loop3A_232 = arith.index_cast %parallel_loop3A_225 : i32 to index
        %parallel_loop3A_233 = tpu.vector_load %arg6[%parallel_loop3A_231, %parallel_loop3A_232] {strides = array<i32>} : memref<8x4096xf32, #tpu.memory_space<vmem>>, vector<16xf32>,
        %parallel_loop3A_234 = arith.addf %parallel_loop3A_229, %parallel_loop3A_233 : vector<16xf32>
        %parallel_loop3A_235 = arith.constant 5 : i32
        %parallel_loop3A_236 = arith.index_cast %parallel_loop3A_235 : i32 to index
        %parallel_loop3A_237 = arith.index_cast %parallel_loop3A_225 : i32 to index
        %parallel_loop3A_238 = tpu.vector_load %arg8[%parallel_loop3A_236, %parallel_loop3A_237] {strides = array<i32>} : memref<8x4096xf32, #tpu.memory_space<vmem>>, vector<16xf32>,
        tpu.vector_store %arg8[%parallel_loop3A_236, %parallel_loop3A_237], %parallel_loop3A_234 {strides = array<i32>} : memref<8x4096xf32, #tpu.memory_space<vmem>>, vector<16xf32>,
      } {sc.loop_unroll_factor = 8 : i64, sc.parallel_access}
      %parallel_loop3A_201 = arith.constant 0 : i32
      %parallel_loop3A_202 = arith.constant 256 : i32
      %parallel_loop3A_203 = arith.constant 1 : i32
      scf.for %parallel_loop3A_223 = %parallel_loop3A_201 to %parallel_loop3A_202 step %parallel_loop3A_203  : i32 {
        %parallel_loop3A_224 = arith.constant 16 : i32
        %parallel_loop3A_225 = arith.muli %parallel_loop3A_223, %parallel_loop3A_224 : i32
        %parallel_loop3A_226 = arith.constant 6 : i32
        %parallel_loop3A_227 = arith.index_cast %parallel_loop3A_226 : i32 to index
        %parallel_loop3A_228 = arith.index_cast %parallel_loop3A_225 : i32 to index
        %parallel_loop3A_229 = tpu.vector_load %arg8[%parallel_loop3A_227, %parallel_loop3A_228] {strides = array<i32>} : memref<8x4096xf32, #tpu.memory_space<vmem>>, vector<16xf32>,
        %parallel_loop3A_230 = arith.constant 6 : i32
        %parallel_loop3A_231 = arith.index_cast %parallel_loop3A_230 : i32 to index
        %parallel_loop3A_232 = arith.index_cast %parallel_loop3A_225 : i32 to index
        %parallel_loop3A_233 = tpu.vector_load %arg6[%parallel_loop3A_231, %parallel_loop3A_232] {strides = array<i32>} : memref<8x4096xf32, #tpu.memory_space<vmem>>, vector<16xf32>,
        %parallel_loop3A_234 = arith.addf %parallel_loop3A_229, %parallel_loop3A_233 : vector<16xf32>
        %parallel_loop3A_235 = arith.constant 6 : i32
        %parallel_loop3A_236 = arith.index_cast %parallel_loop3A_235 : i32 to index
        %parallel_loop3A_237 = arith.index_cast %parallel_loop3A_225 : i32 to index
        %parallel_loop3A_238 = tpu.vector_load %arg8[%parallel_loop3A_236, %parallel_loop3A_237] {strides = array<i32>} : memref<8x4096xf32, #tpu.memory_space<vmem>>, vector<16xf32>,
        tpu.vector_store %arg8[%parallel_loop3A_236, %parallel_loop3A_237], %parallel_loop3A_234 {strides = array<i32>} : memref<8x4096xf32, #tpu.memory_space<vmem>>, vector<16xf32>,
      } {sc.loop_unroll_factor = 8 : i64, sc.parallel_access}
      %parallel_loop3A_204 = arith.constant 0 : i32
      %parallel_loop3A_205 = arith.constant 256 : i32
      %parallel_loop3A_206 = arith.constant 1 : i32
      scf.for %parallel_loop3A_223 = %parallel_loop3A_204 to %parallel_loop3A_205 step %parallel_loop3A_206  : i32 {
        %parallel_loop3A_224 = arith.constant 16 : i32
        %parallel_loop3A_225 = arith.muli %parallel_loop3A_223, %parallel_loop3A_224 : i32
        %parallel_loop3A_226 = arith.constant 7 : i32
        %parallel_loop3A_227 = arith.index_cast %parallel_loop3A_226 : i32 to index
        %parallel_loop3A_228 = arith.index_cast %parallel_loop3A_225 : i32 to index
        %parallel_loop3A_229 = tpu.vector_load %arg8[%parallel_loop3A_227, %parallel_loop3A_228] {strides = array<i32>} : memref<8x4096xf32, #tpu.memory_space<vmem>>, vector<16xf32>,
        %parallel_loop3A_230 = arith.constant 7 : i32
        %parallel_loop3A_231 = arith.index_cast %parallel_loop3A_230 : i32 to index
        %parallel_loop3A_232 = arith.index_cast %parallel_loop3A_225 : i32 to index
        %parallel_loop3A_233 = tpu.vector_load %arg6[%parallel_loop3A_231, %parallel_loop3A_232] {strides = array<i32>} : memref<8x4096xf32, #tpu.memory_space<vmem>>, vector<16xf32>,
        %parallel_loop3A_234 = arith.addf %parallel_loop3A_229, %parallel_loop3A_233 : vector<16xf32>
        %parallel_loop3A_235 = arith.constant 7 : i32
        %parallel_loop3A_236 = arith.index_cast %parallel_loop3A_235 : i32 to index
        %parallel_loop3A_237 = arith.index_cast %parallel_loop3A_225 : i32 to index
        %parallel_loop3A_238 = tpu.vector_load %arg8[%parallel_loop3A_236, %parallel_loop3A_237] {strides = array<i32>} : memref<8x4096xf32, #tpu.memory_space<vmem>>, vector<16xf32>,
        tpu.vector_store %arg8[%parallel_loop3A_236, %parallel_loop3A_237], %parallel_loop3A_234 {strides = array<i32>} : memref<8x4096xf32, #tpu.memory_space<vmem>>, vector<16xf32>,
      } {sc.loop_unroll_factor = 8 : i64, sc.parallel_access}
      %dma_start3A_207 = arith.constant 1 : i32
      %dma_start3A_208 = arith.constant 0 : i32
      %dma_start3A_209 = tpu.memref_slice %arg4[%add3A_173, %mul3A_2, %dma_start3A_208] : memref<16x256x4096xf32, #tpu.memory_space<hbm>> -> memref<1x8x4096xf32, #tpu.memory_space<hbm>>
      %dma_start3A_210 = tpu.memref_squeeze %dma_start3A_209 : memref<1x8x4096xf32, #tpu.memory_space<hbm>> -> memref<8x4096xf32, #tpu.memory_space<hbm>>
      %dma_start3A_211 = tpu.memref_slice %arg10[%dma_start3A_207] : memref<2x!tpu.dma_semaphore, #tpu.memory_space<semaphore_mem>> -> memref<1x!tpu.dma_semaphore, #tpu.memory_space<semaphore_mem>>
      %dma_start3A_212 = tpu.memref_squeeze %dma_start3A_211 : memref<1x!tpu.dma_semaphore, #tpu.memory_space<semaphore_mem>> -> memref<!tpu.dma_semaphore, #tpu.memory_space<semaphore_mem>>
      %dma_start3A_213 = arith.constant 0 : i32
      %dma_start3A_214 = tpu.memref_slice %arg4[%add3A_173, %mul3A_2, %dma_start3A_213] : memref<16x256x4096xf32, #tpu.memory_space<hbm>> -> memref<1x8x4096xf32, #tpu.memory_space<hbm>>
      %dma_start3A_215 = tpu.memref_squeeze %dma_start3A_214 : memref<1x8x4096xf32, #tpu.memory_space<hbm>> -> memref<8x4096xf32, #tpu.memory_space<hbm>>
      tpu.enqueue_dma source(%arg8 : memref<8x4096xf32, #tpu.memory_space<vmem>>) target(%dma_start3A_215 : memref<8x4096xf32, #tpu.memory_space<hbm>>) target_semaphore(%dma_start3A_212 : memref<!tpu.dma_semaphore, #tpu.memory_space<semaphore_mem>>)
      %add3A_216 = arith.constant 2 : i32
      %add3A_217 = arith.addi %add3A_173, %add3A_216 : i32
      %lt3A_218 = arith.constant 16 : i32
      %lt3A_219 = arith.cmpi slt, %add3A_217, %lt3A_218 : i32
      %convert_element_type3A_220 = arith.extui %lt3A_219 : i1 to i32
      %cond3A_221 = arith.constant 0 : i32
      %cond3A_222 = arith.cmpi ne, %convert_element_type3A_220, %cond3A_221 : i32
      scf.if %cond3A_222 {
        %dma_wait3A_223 = arith.constant 1 : i32
        %dma_wait3A_224 = arith.constant 0 : i32
        %dma_wait3A_225 = tpu.memref_slice %arg4[%add3A_173, %mul3A_2, %dma_wait3A_224] : memref<16x256x4096xf32, #tpu.memory_space<hbm>> -> memref<1x8x4096xf32, #tpu.memory_space<hbm>>
        %dma_wait3A_226 = tpu.memref_squeeze %dma_wait3A_225 : memref<1x8x4096xf32, #tpu.memory_space<hbm>> -> memref<8x4096xf32, #tpu.memory_space<hbm>>
        %dma_wait3A_227 = tpu.memref_slice %arg10[%dma_wait3A_223] : memref<2x!tpu.dma_semaphore, #tpu.memory_space<semaphore_mem>> -> memref<1x!tpu.dma_semaphore, #tpu.memory_space<semaphore_mem>>
        %dma_wait3A_228 = tpu.memref_squeeze %dma_wait3A_227 : memref<1x!tpu.dma_semaphore, #tpu.memory_space<semaphore_mem>> -> memref<!tpu.dma_semaphore, #tpu.memory_space<semaphore_mem>>
        %dma_wait3A_229 = arith.constant 0 : i32
        %dma_wait3A_230 = tpu.memref_slice %arg4[%add3A_173, %mul3A_2, %dma_wait3A_229] : memref<16x256x4096xf32, #tpu.memory_space<hbm>> -> memref<1x8x4096xf32, #tpu.memory_space<hbm>>
        %dma_wait3A_231 = tpu.memref_squeeze %dma_wait3A_230 : memref<1x8x4096xf32, #tpu.memory_space<hbm>> -> memref<8x4096xf32, #tpu.memory_space<hbm>>
        tpu.wait_dma2 semaphore(%dma_wait3A_228 : memref<!tpu.dma_semaphore, #tpu.memory_space<semaphore_mem>>) src(%arg8 : memref<8x4096xf32, #tpu.memory_space<vmem>>) dst(%dma_wait3A_231 : memref<8x4096xf32, #tpu.memory_space<hbm>>)
        %add3A_232 = arith.constant 2 : i32
        %add3A_233 = arith.addi %add3A_173, %add3A_232 : i32
        %dma_start3A_234 = arith.constant 1 : i32
        %dma_start3A_235 = arith.constant 0 : i32
        %dma_start3A_236 = tpu.memref_slice %arg2[%add3A_233, %mul3A_2, %dma_start3A_235] : memref<16x256x4096xf32, #tpu.memory_space<hbm>> -> memref<1x8x4096xf32, #tpu.memory_space<hbm>>
        %dma_start3A_237 = tpu.memref_squeeze %dma_start3A_236 : memref<1x8x4096xf32, #tpu.memory_space<hbm>> -> memref<8x4096xf32, #tpu.memory_space<hbm>>
        %dma_start3A_238 = tpu.memref_slice %arg9[%dma_start3A_234] : memref<2x!tpu.dma_semaphore, #tpu.memory_space<semaphore_mem>> -> memref<1x!tpu.dma_semaphore, #tpu.memory_space<semaphore_mem>>
        %dma_start3A_239 = tpu.memref_squeeze %dma_start3A_238 : memref<1x!tpu.dma_semaphore, #tpu.memory_space<semaphore_mem>> -> memref<!tpu.dma_semaphore, #tpu.memory_space<semaphore_mem>>
        %dma_start3A_240 = arith.constant 0 : i32
        %dma_start3A_241 = tpu.memref_slice %arg2[%add3A_233, %mul3A_2, %dma_start3A_240] : memref<16x256x4096xf32, #tpu.memory_space<hbm>> -> memref<1x8x4096xf32, #tpu.memory_space<hbm>>
        %dma_start3A_242 = tpu.memref_squeeze %dma_start3A_241 : memref<1x8x4096xf32, #tpu.memory_space<hbm>> -> memref<8x4096xf32, #tpu.memory_space<hbm>>
        tpu.enqueue_dma source(%dma_start3A_242 : memref<8x4096xf32, #tpu.memory_space<hbm>>) target(%arg8 : memref<8x4096xf32, #tpu.memory_space<vmem>>) target_semaphore(%dma_start3A_239 : memref<!tpu.dma_semaphore, #tpu.memory_space<semaphore_mem>>)
      } else {
      }
    }
    %scan3A_94 = arith.constant 8 : i32
    %dma_wait3A = arith.constant 14 : i32
    %dma_wait3A_95 = arith.constant 0 : i32
    %dma_wait3A_96 = arith.constant 0 : i32
    %dma_wait3A_97 = tpu.memref_slice %arg4[%dma_wait3A, %mul3A_2, %dma_wait3A_96] : memref<16x256x4096xf32, #tpu.memory_space<hbm>> -> memref<1x8x4096xf32, #tpu.memory_space<hbm>>
    %dma_wait3A_98 = tpu.memref_squeeze %dma_wait3A_97 : memref<1x8x4096xf32, #tpu.memory_space<hbm>> -> memref<8x4096xf32, #tpu.memory_space<hbm>>
    %dma_wait3A_99 = tpu.memref_slice %arg10[%dma_wait3A_95] : memref<2x!tpu.dma_semaphore, #tpu.memory_space<semaphore_mem>> -> memref<1x!tpu.dma_semaphore, #tpu.memory_space<semaphore_mem>>
    %dma_wait3A_100 = tpu.memref_squeeze %dma_wait3A_99 : memref<1x!tpu.dma_semaphore, #tpu.memory_space<semaphore_mem>> -> memref<!tpu.dma_semaphore, #tpu.memory_space<semaphore_mem>>
    %dma_wait3A_101 = arith.constant 0 : i32
    %dma_wait3A_102 = tpu.memref_slice %arg4[%dma_wait3A, %mul3A_2, %dma_wait3A_101] : memref<16x256x4096xf32, #tpu.memory_space<hbm>> -> memref<1x8x4096xf32, #tpu.memory_space<hbm>>
    %dma_wait3A_103 = tpu.memref_squeeze %dma_wait3A_102 : memref<1x8x4096xf32, #tpu.memory_space<hbm>> -> memref<8x4096xf32, #tpu.memory_space<hbm>>
    tpu.wait_dma2 semaphore(%dma_wait3A_100 : memref<!tpu.dma_semaphore, #tpu.memory_space<semaphore_mem>>) src(%arg7 : memref<8x4096xf32, #tpu.memory_space<vmem>>) dst(%dma_wait3A_103 : memref<8x4096xf32, #tpu.memory_space<hbm>>)
    %dma_wait3A_104 = arith.constant 15 : i32
    %dma_wait3A_105 = arith.constant 1 : i32
    %dma_wait3A_106 = arith.constant 0 : i32
    %dma_wait3A_107 = tpu.memref_slice %arg4[%dma_wait3A_104, %mul3A_2, %dma_wait3A_106] : memref<16x256x4096xf32, #tpu.memory_space<hbm>> -> memref<1x8x4096xf32, #tpu.memory_space<hbm>>
    %dma_wait3A_108 = tpu.memref_squeeze %dma_wait3A_107 : memref<1x8x4096xf32, #tpu.memory_space<hbm>> -> memref<8x4096xf32, #tpu.memory_space<hbm>>
    %dma_wait3A_109 = tpu.memref_slice %arg10[%dma_wait3A_105] : memref<2x!tpu.dma_semaphore, #tpu.memory_space<semaphore_mem>> -> memref<1x!tpu.dma_semaphore, #tpu.memory_space<semaphore_mem>>
    %dma_wait3A_110 = tpu.memref_squeeze %dma_wait3A_109 : memref<1x!tpu.dma_semaphore, #tpu.memory_space<semaphore_mem>> -> memref<!tpu.dma_semaphore, #tpu.memory_space<semaphore_mem>>
    %dma_wait3A_111 = arith.constant 0 : i32
    %dma_wait3A_112 = tpu.memref_slice %arg4[%dma_wait3A_104, %mul3A_2, %dma_wait3A_111] : memref<16x256x4096xf32, #tpu.memory_space<hbm>> -> memref<1x8x4096xf32, #tpu.memory_space<hbm>>
    %dma_wait3A_113 = tpu.memref_squeeze %dma_wait3A_112 : memref<1x8x4096xf32, #tpu.memory_space<hbm>> -> memref<8x4096xf32, #tpu.memory_space<hbm>>
    tpu.wait_dma2 semaphore(%dma_wait3A_110 : memref<!tpu.dma_semaphore, #tpu.memory_space<semaphore_mem>>) src(%arg8 : memref<8x4096xf32, #tpu.memory_space<vmem>>) dst(%dma_wait3A_113 : memref<8x4096xf32, #tpu.memory_space<hbm>>)
    return
  }
}

</mosaic_0001>

<sc_bundles>
// kernel: kernel.3.cloned.1.call-start
scs
__scs_entry_jumppad:
0x0: {  	(pc) =	sbr.rel $0x88, $3  }
0x1: {  	(tag) =	ssettag $0x0;
	lr =	simm.s32 $0x1  }
0x2: {  	[smem:$0x3F9E] =	sst lr;
	_ =	strace $0xD0000000  }
0x3: {  	_ = 	snop  }
0x4: {  	_ = 	snop  }
0x5: {  	_ = 	snop  }
0x6: {  	_ = 	snop  }
0x7: {  	_ = 	snop  }
__scs_overlays_trampoline_lowered:
0x8: {  	[smem:$0x3FAD] =	sst s0  }
0x9: {  	[smem:$0x3FAE] =	sst s1  }
0xa: {  	[smem:$0x3FAF] =	sst s2  }
0xb: {  	[smem:$0x3FB0] =	sst s3  }
0xc: {  	[smem:$0x3FB1] =	sst s4  }
0xd: {  	[smem:$0x3FB2] =	sst s5  }
0xe: {  	[smem:$0x3FB3] =	sst s6  }
0xf: {  	[smem:$0x3FB4] =	sst s7  }
0x10: {  	[smem:$0x3FB5] =	sst s8  }
0x11: {  	[smem:$0x3FB6] =	sst s9;
	s0 =	simm.s32 @!p0 $0x0  }
0x12: {  	s1 =	sld [smem:$0x3F9C];
	s0 =	simm.s32 @p0 $0x1  }
0x13: {  	[smem:$0x3FB7] =	sst s0;
	s0 =	simm.s32 @!p1 $0x0  }
0x14: {  	s2 =	sld [smem:$0x3F9B];
	s0 =	simm.s32 @p1 $0x1  }
0x15: {  	[smem:$0x3FB8] =	sst s0;
	s0 =	simm.s32 @!p2 $0x0  }
0x16: {  	s3 =	sld [smem:$0x3FDB];
	s0 =	simm.s32 @p2 $0x1  }
0x17: {  	s4 =	simm.s32 $0x1BF5;
	[smem:$0x3FBA] =	sst s0  }
0x18: {  	s0 =	sld [smem:$0x3F9D];
	_ =	swait.ge [sflag:s4], $0x0  }
0x19: {  	s7 =	sld [smem:$0x3F9E]  }
0x1a: {  	s8 =	sadd.s32 $0xFFFFE003, lr  }
0x1b: {  	s9 =	sadd.s32 $0xFFFFFEF7, lr;
	s5 =	simm.s32 $0xFFFFFFFF;
	p2 =	slt.u32 s8, $0xFFFFF086  }
0x1c: {  	p1 =	slt.u32 s9, $0xF7A;
	s5 =	simm.s32 @!p2 $0x0  }
0x1d: {  	s5 =	simm.s32 @p1 $0x1;
	p0 =	seq.s32 s7, s2  }
0x1e: {  	s7 =	smul.u32 @!p0 $0xF7A, s2;
	p2 =	seq.s32 @!p0 s5, $0x0  }
0x1f: {  	s9 =	smul.u32 $0xF7A, s1;
	s8 =	simm.s32 @!p0 $0x1BF5;
	p2 =	por !p2, p0  }
0x20: {  	[sflag:s8] =	ssyncset.s32 @!p0 $0xFFFFF086;
	s6 =	sadd.s32 @!p0 s3, s7;
	s7 =	simm.s32 @!p0 $0x108  }
0x21: {  	s3 =	sadd.s32 s3, s9;
	s6 =	sadd.s32 @!p0 $0x88, s6;
	s7 =	simm.s32 @p2 $0x1082  }
0x22: {  	[simem:s7], [sflag:s8] =	dma.local @!p0 [hbm:s6], $0xF7A  }
0x23: {  	s9 =	sor.u32 $0xD0000000, s2;
	s6 =	simm.s32 $0x108;
	_ =	swait.ge @!p0 [sflag:s8], $0x0  }
0x24: {  	s3 =	sadd.s32 $0x88, s3;
	s6 =	simm.s32 @!p1 $0x1082;
	[sflag:s4] =	ssyncset.s32 $0xFFFFF086  }
0x25: {  	[simem:s6], [sflag:s4] =	dma.local [hbm:s3], $0xF7A  }
0x26: {  	[smem:$0x3F9E] =	sst s1;
	(tag) =	ssettag s2;
	_ =	strace s9  }
0x27: {  	s1 =	sld [smem:$0x3FAE]  }
0x28: {  	s2 =	sld [smem:$0x3FAF]  }
0x29: {  	s4 =	sld [smem:$0x3FB1]  }
0x2a: {  	p0 =	seq.s32 s5, $0x0;
	s5 =	sld [smem:$0x3FB2]  }
0x2b: {  	s6 =	sld [smem:$0x3FB3]  }
0x2c: {  	s7 =	sld [smem:$0x3FB4]  }
0x2d: {  	s3 =	simm.s32 $0x108;
	s8 =	sld [smem:$0x3FB5]  }
0x2e: {  	s3 =	simm.s32 @!p0 $0x1082;
	s9 =	sld [smem:$0x3FB6]  }
0x2f: {  	lr =	sadd.s32 s0, s3;
	s0 =	sld [smem:$0x3FAD]  }
0x30: {  	s3 =	sld [smem:$0x3FB0]  }
0x31: {  	[smem:$0x3FB9] =	sst s10  }
0x32: {  	s10 =	sld [smem:$0x3FB7];
	_ =	sdelay $0x3  }
0x33: {  	p0 =	seq.s32 s10, $0x1;
	s10 =	sld [smem:$0x3FB9];
	_ =	sdelay $0x3  }
0x34: {  	[smem:$0x3FB9] =	sst s10  }
0x35: {  	s10 =	sld [smem:$0x3FB8];
	_ =	sdelay $0x3  }
0x36: {  	p1 =	seq.s32 s10, $0x1;
	s10 =	sld [smem:$0x3FB9];
	_ =	sdelay $0x3  }
0x37: {  	[smem:$0x3FB9] =	sst s10  }
0x38: {  	s10 =	sld [smem:$0x3FBA]  }
0x39: {  	_ = 	snop;
	(pc) =	sbr.ind lr, $3  }
0x3a: {  	_ = 	snop  }
0x3b: {  	_ = 	snop  }
0x3c: {  	p2 =	seq.s32 s10, $0x1;
	s10 =	sld [smem:$0x3FB9]  }
0x3d: {  	_ =	shalt  }
0x3e: {  	_ =	shalt  }
0x3f: {  	_ =	shalt  }
0x40: {  	_ =	shalt  }
0x41: {  	_ =	shalt  }
0x42: {  	_ =	shalt  }
0x43: {  	_ =	shalt  }
0x44: {  	_ =	shalt  }
0x45: {  	_ =	shalt  }
0x46: {  	_ =	shalt  }
0x47: {  	_ =	shalt  }
0x48: {  	_ =	shalt  }
0x49: {  	_ =	shalt  }
0x4a: {  	_ =	shalt  }
0x4b: {  	_ =	shalt  }
0x4c: {  	_ =	shalt  }
0x4d: {  	_ =	shalt  }
0x4e: {  	_ =	shalt  }
0x4f: {  	_ =	shalt  }
0x50: {  	_ =	shalt  }
0x51: {  	_ =	shalt  }
0x52: {  	_ =	shalt  }
0x53: {  	_ =	shalt  }
0x54: {  	_ =	shalt  }
0x55: {  	_ =	shalt  }
0x56: {  	_ =	shalt  }
0x57: {  	_ =	shalt  }
0x58: {  	_ =	shalt  }
0x59: {  	_ =	shalt  }
0x5a: {  	_ =	shalt  }
0x5b: {  	_ =	shalt  }
0x5c: {  	_ =	shalt  }
0x5d: {  	_ =	shalt  }
0x5e: {  	_ =	shalt  }
0x5f: {  	_ =	shalt  }
0x60: {  	_ =	shalt  }
0x61: {  	_ =	shalt  }
0x62: {  	_ =	shalt  }
0x63: {  	_ =	shalt  }
0x64: {  	_ =	shalt  }
0x65: {  	_ =	shalt  }
0x66: {  	_ =	shalt  }
0x67: {  	_ =	shalt  }
0x68: {  	_ =	shalt  }
0x69: {  	_ =	shalt  }
0x6a: {  	_ =	shalt  }
0x6b: {  	_ =	shalt  }
0x6c: {  	_ =	shalt  }
0x6d: {  	_ =	shalt  }
0x6e: {  	_ =	shalt  }
0x6f: {  	_ =	shalt  }
0x70: {  	_ =	shalt  }
0x71: {  	_ =	shalt  }
0x72: {  	_ =	shalt  }
0x73: {  	_ =	shalt  }
0x74: {  	_ =	shalt  }
0x75: {  	_ =	shalt  }
0x76: {  	_ =	shalt  }
0x77: {  	_ =	shalt  }
0x78: {  	_ =	shalt  }
0x79: {  	_ =	shalt  }
0x7a: {  	_ =	shalt  }
0x7b: {  	_ =	shalt  }
0x7c: {  	_ =	shalt  }
0x7d: {  	_ =	shalt  }
0x7e: {  	_ =	shalt  }
0x7f: {  	_ =	shalt  }
0x80: {  	_ =	shalt  }
0x81: {  	_ =	shalt  }
0x82: {  	_ =	shalt  }
0x83: {  	_ =	shalt  }
0x84: {  	_ =	shalt  }
0x85: {  	_ =	shalt  }
0x86: {  	_ =	shalt  }
0x87: {  	_ =	shalt  }
.Lfunc_end0:
.L_simem_size_0:
called_computation_lowered:
.L_overlay_start_0:
0x88: {  	s2 =	sld [smem:$0x3FD9]  }
0x89: {  	s3 =	sld [smem:$0x3FFE];
	_ =	sdelay $0x1  }
0x8a: {  	s1 =	srdreg.scid  }
0x8b: {  	s0 =	sand.u32 $0x1, s1  }
0x8c: {  	s17 =	sshll.u32 s0, $0xA;
	s2 =	sadd.s32 s3, s2  }
0x8d: {  	s2 =	sadd.s32 s2, s17  }
0x8e: {  	[smem:$0x3FC5] =	sst s2  }
0x8f: {  	_ = 	snop  }
0x90: {  	s2 =	sld [smem:$0x3FD0];
	(tm) =	ssettm $0x1  }
0x91: {  	s18 =	sld [smem:$0x3FFB];
	_ =	sdelay $0x3  }
0x92: {  	_ =	strace s18  }
0x93: {  	s3 =	sld [smem:$0x3FFC];
	_ =	sdelay $0x3  }
0x94: {  	_ =	strace s3  }
0x95: {  	s3 =	sld [smem:$0x3FFD];
	_ =	sdelay $0x3  }
0x96: {  	_ =	strace s3  }
0x97: {  	_ =	strace $0x8FFFFFFF  }
0x98: {  	s19 =	sld [smem:$0x3FDB];
	_ =	sdelay $0x1  }
0x99: {  	s4 =	simm.s32 $_scs_section_size  }
0x9a: {  	s5 =	simm.s32 $_size__tile_overlayer_lowered;
	s6 =	simm.s32 $_tile_overlayer_lowered  }
0x9b: {  	s22 =	simm.s32 $0x1BFF;
	s21 =	sshll.u32 s6, $0x1;
	s3 =	sadd.s32 s4, s19  }
0x9c: {  	s7 =	simm.s32 $0x0;
	s20 =	sshll.u32 s5, $0x1;
	s5 =	sadd.s32 s21, s3  }
0x9d: {  	[timem:s7], [sflag:s22] =	dma.local [hbm:s5], s20  }
0x9e: {  	_ =	swait.ge [sflag:s22], s20  }
0x9f: {  	s4 =	ssub.s32 $0x0, s20;
	[sflag:s22] =	ssyncset.done $0x0  }
0xa0: {  	[sflag:s22] =	ssyncadd.s32 s4;
	_ =	sdelay $0x1  }
0xa1: {  	s23 =	simm.s32 $0x1B8B  }
0xa2: {  	_ =	swait.ge [sflag:s23], $0x1  }
0xa3: {  	[sflag:s23] =	ssyncset.done $0x0  }
0xa4: {  	s25 =	simm.s32 $0x1B8E;
	s24 =	sld [smem:$0x3FFE];
	[sflag:s23] =	ssyncadd.s32 $0xFFFFFFFF  }
0xa5: {  	s26 =	simm.s32 $execute0_lowered;
	[smem:$0x3FD2] =	sst s25  }
0xa6: {  	s5 =	sshll.u32 s26, $0x1;
	_ =	strace $0x80000046;
	[dreg:$0x1] =	wrdreg $0xFFFFFFFF  }
0xa7: {  	s28 =	simm.s32 $_size_execute0_lowered;
	s3 =	sadd.s32 s3, s5;
	[dreg:$0x0] =	wrdreg $0x0  }
0xa8: {  	s5 =	sshll.u32 s28, $0x1;
	[dreg:$0x2] =	wrdreg s3  }
0xa9: {  	[dreg:$0x3] =	wrdreg s5  }
0xaa: {  	[dreg:$0x4] =	wrdreg $0xC0  }
0xab: {  	_ =	task [dreg:s7], $0x5FFFF  }
0xac: {  	[dreg:$0x1] =	wrdreg $0xFFFFFFFF  }
0xad: {  	[dreg:$0x0] =	wrdreg $0x60  }
0xae: {  	[dreg:$0x2] =	wrdreg s2  }
0xaf: {  	[dreg:$0x3] =	wrdreg s24  }
0xb0: {  	[dreg:$0x4] =	wrdreg $0x9  }
0xb1: {  	_ =	task.clear_ibuf [dreg:s7], $0x5FFFF;
	_ =	strace $0x90000046  }
0xb2: {  	s29 =	simm.s32 $0x9;
	_ =	strace $0x80000048  }
0xb3: {  	_ =	swait.ge [sflag:s29], $0x1  }
0xb4: {  	[sflag:s29] =	ssyncadd.s32 $0xFFFFFFFF  }
0xb5: {  	_ =	strace $0x90000048  }
0xb6: {  	_ =	sfence  }
0xb7: {  	s30 =	sld [smem:$0x0];
	_ =	sdelay $0x2  }
0xb8: {  	s31 =	sshll.u32 s1, $0xD;
	s1 =	sshrl.u32 s1, $0x2  }
0xb9: {  	s3 =	sand.u32 $0x4000, s31;
	s1 =	sadd.s32 s1, s30  }
0xba: {  	s0 =	sor.u32 s3, s0;
	s1 =	sshll.u32 s1, $0x11  }
0xbb: {  	s0 =	sor.u32 s1, s0  }
0xbc: {  	s0 =	sadd.s32 $0x8F2B, s0  }
0xbd: {  	[sflag:s0] =	ssyncadd.remote.s32 $0x1  }
0xbe: {  	_ =	sfence.sel $0xFFFF  }
0xbf: {  	[dreg:$0x0] =	wrdreg $0xFFFFFFFF;
	(pc) =	sbr.abs _section_cstart, $3  }
0xc0: {  	[dreg:$0x1] =	wrdreg $0xFFFFFFFF  }
0xc1: {  	_ =	task.clear_ibuf [dreg:s7], $0x2FFFF;
	_ =	strace $0x9FFFFFFF  }
0xc2: {  	(tm) =	ssettm $0x7FFFFFFF  }
0xc3: {  	_ =	shalt  }
tec
execute0_lowered:
.L_overlay_start_1:
0x0: {  	(tag) =	ssettag $0x1  }
0x1: {  	s0 =	srdreg.scid  }
0x2: {  	s1 =	stileid.u32;
	v0 =	vlaneseq.u32;
	s2 =	rddreg [dreg:$0x0];
	s0 =	sand.u32 $0x1, s0  }
0x3: {  	s4 =	rddreg [dreg:$0x1];
	s1 =	sshll.u32 s1, $0x4;
	v0 =	vmul.u32 $0x80, v0;
	s3 =	sshll.u32 s0, $0x3  }
0x4: {  	s14 =	simm.s32 $0x1;
	s16 =	simm.s32 $0x14000;
	s1 =	sor.u32 s3, s1  }
0x5: {  	s17 =	simm.s32 $0x2;
	s6 =	sadd.s32 $0x800, s4;
	v1 =	vmov s1;
	v2 =	vadd.s32 s1, v0;
	s5 =	sor.u32 $0x1, s1  }
0x6: {  	s15 =	sadd.s32 $0x1000, s4;
	s24 =	sor.u32 $0x2, s1;
	s25 =	sor.u32 $0x3, s1;
	v3 =	vadd.s32 $0x1F80, v1;
	v4 =	vmov s5;
	v5 =	vadd.s32 s5, v0  }
0x7: {  	s0 =	ssub.s32 $0x2, s0;
	s3 =	simm.s32 $0x0;
	s26 =	sor.u32 $0x4, s1;
	v7 =	vmov s24;
	v8 =	vadd.s32 s24, v0;
	v10 =	vmov s25  }
0x8: {  	s7 =	sshrl.u32 s0, $0x1;
	s28 =	sor.u32 $0x5, s1;
	s29 =	sor.u32 $0x6, s1;
	v11 =	vadd.s32 s25, v0;
	v13 =	vmov s26;
	v14 =	vadd.s32 s26, v0  }
0x9: {  	[smem:$0x7FF] =	sst s3;
	s8 =	sshll.u32 s1, $0x9;
	s30 =	sor.u32 $0x7, s1;
	v16 =	vmov s28;
	v17 =	vadd.s32 s28, v0;
	v19 =	vmov s29  }
0xa: {  	s0 =	ssub.s32 s0, s7;
	_ =	strace $0x80000047;
	[dreg:$0x3] =	wrdreg s6;
	v20 =	vadd.s32 s29, v0;
	v22 =	vmov s30;
	v23 =	vadd.s32 s30, v0  }
.Ltmp0:
0xb: {  	s2 =	sadd.s32 s2, s8;
	vm0 =	vlt.u32 v1, $0x80;
	[dreg:$0x4] =	wrdreg s15;
	v6 =	vadd.s32 $0x1F80, v4;
	v9 =	vadd.s32 $0x1F80, v7;
	(pc) =	sbr.rel .LBB2_1-.Ltmp0, $4  }
0xc: {  	s7 =	sshll.u32 s1, $0xC;
	s0 =	smax.u32 s0, $0x1;
	v12 =	vadd.s32 $0x1F80, v10;
	v15 =	vadd.s32 $0x1F80, v13;
	v18 =	vadd.s32 $0x1F80, v16;
	[dreg:$0x5] =	wrdreg s2  }
0xd: {  	s19 =	simm.s32 $0x4;
	s18 =	sor.u32 $0x300000, s7;
	v21 =	vadd.s32 $0x1F80, v19;
	v24 =	vadd.s32 $0x1F80, v22;
	[dreg:$0x8] =	wrdreg s0;
	vm1 =	vlt.u32 v4, $0x80  }
0xe: {  	s12 =	simm.s32 $0x0;
	s31 =	sadd.s32 $0x20000, s2;
	vm2 =	vlt.u32 v7, $0x80;
	vm3 =	vlt.u32 v10, $0x80;
	vm4 =	vlt.u32 v13, $0x80;
	[dreg:$0x7] =	wrdreg s18  }
0xf: {  	s11 =	sadd.s32 $0x21000, s4;
	s9 =	sor.u32 $0x200000, s7;
	vm5 =	vlt.u32 v16, $0x80;
	vm6 =	vlt.u32 v19, $0x80;
	vm7 =	vlt.u32 v22, $0x80;
	[dreg:$0x6] =	wrdreg s31  }
.LBB2_72:
0x10: {  	s0 =	simm.s32 $0x3  }
0x11: {  	_ =	swait.ge [sflag:s0], $0x8000  }
0x12: {  	[sflag:s0] =	ssyncset.done $0x0  }
0x13: {  	[sflag:s0] =	ssyncadd.s32 $0xFFFF8000  }
0x14: {  	_ =	swait.ge [sflag:s19], $0x8000  }
0x15: {  	s12 =	sadd.s32 $0x1, s12;
	s31 =	rddreg [dreg:$0x8]  }
0x16: {  	p0 =	sne.s32 s12, s31  }
.Ltmp1:
0x17: {  	_ = 	snop;
	(pc) =	sbr.rel @!p0 .LBB2_73-.Ltmp1, $3  }
0x18: {  	_ =	sdelay $0x1  }
0x19: {  	[sflag:s19] =	ssyncset.done $0x0  }
0x1a: {  	[sflag:s19] =	ssyncadd.s32 $0xFFFF8000  }
.LBB2_1:
0x1b: {  	s0 =	simm.s32 $0x30  }
0x1c: {  	s1 =	simm.s32 $0x0;
	s6 =	simm.s32 $0x20;
	s8 =	simm.s32 $0x70;
	v25 =	vmov s0  }
0x1d: {  	s23 =	simm.s32 $0x40;
	s15 =	simm.s32 $0x50;
	s13 =	simm.s32 $0x60;
	v26 =	vmov s1;
	v28 =	vmov s6;
	v38 =	vmov s8  }
0x1e: {  	v58 =	vmov s23;
	v39 =	vmov s15;
	v40 =	vmov s13  }
0x1f: {  	s4 =	simm.s32 $0x10;
	v27 =	vshll.u32 v25, $0x7;
	v32 =	vshll.u32 v25, $0x1;
	v25 =	vshrl.u32 v26, $0x6  }
0x20: {  	v26 =	vmov s4;
	v29 =	vshll.u32 v28, $0x7;
	v28 =	vshll.u32 v28, $0x1  }
0x21: {  	v59 =	vshll.u32 v38, $0x7;
	v38 =	vshll.u32 v38, $0x1;
	v30 =	vshll.u32 v25, $0x7  }
0x22: {  	v41 =	vshll.u32 v39, $0x7;
	v42 =	vshll.u32 v40, $0x7;
	v31 =	vadd.s32 v30, v3  }
0x23: {  	v25 =	vshll.u32 v26, $0x7;
	v33 =	vor.u32 v0, v29;
	v31 =	vbroadcast v31, $0x0  }
0x24: {  	v26 =	vshll.u32 v26, $0x1;
	v27 =	vor.u32 v0, v27;
	v25 =	vor.u32 v0, v25  }
0x25: {  	[dreg:$0x9] =	wrdreg s12;
	v29 =	vand.u32 $0xF80, v25;
	v55 =	vsel vm0, v2, v31;
	v31 =	vand.u32 $0x1F80, v26  }
0x26: {  	s2 =	rddreg [dreg:$0x3];
	s12 =	simm.s32 $0x5;
	v28 =	vand.u32 $0x1F80, v28;
	v34 =	vadd.s32 v1, v29;
	v56 =	vadd.s32 v31, v3  }
0x27: {  	[tilespmem:s3], [sflag:$0x5] =	stream.linear.gather [hbm4b:s2+s3], $0x4000, $0x38;
	v36 =	vadd.s32 v28, v3;
	v25 =	vand.u32 $0x1780, v33;
	v34 =	vsel vm0, v34, v56;
	[tilespmem:$0x1C000] =	vst v63  }
0x28: {  	_ =	swait.ge [sflag:s12], $0x4000;
	v35 =	vadd.s32 v1, v25;
	v26 =	vand.u32 $0x1F80, v27;
	v27 =	vand.u32 $0x1F80, v32  }
0x29: {  	[sflag:s12] =	ssyncset.done $0x0;
	v35 =	vsel vm0, v35, v36;
	v57 =	vadd.s32 v1, v26;
	v37 =	vadd.s32 v27, v3  }
0x2a: {  	v45 =	vshll.u32 v39, $0x1;
	[sflag:s12] =	ssyncadd.s32 $0xFFFFC000;
	v32 =	vshrl.u32 v58, $0x6;
	v37 =	vsel vm0, v57, v37  }
0x2b: {  	s18 =	sand.u32 $0x7C00, s3;
	s22 =	sand.u32 $0x50, s4;
	v40 =	vshll.u32 v40, $0x1;
	v41 =	vor.u32 v0, v41;
	v32 =	vshll.u32 v32, $0x7;
	v43 =	vld.idx.msk [tilespmem:v55+s3+$0x0], $0xffff  }
0x2c: {  	s28 =	sand.u32 $0x60, s6;
	s30 =	sand.u32 $0x70, s0;
	s0 =	simm.s32 $0x4;
	v42 =	vor.u32 v0, v42;
	v61 =	vor.u32 v0, v59;
	v60 =	vadd.s32 v32, v3;
	v47 =	vld.idx.msk [tilespmem:v34+s3+$0x0], $0xffff  }
0x2d: {  	s25 =	sand.u32 $0x50, s15;
	s31 =	sand.u32 $0x40, s1;
	s20 =	sadd.s32 $0x4000, s18;
	v38 =	vand.u32 $0x1F80, v38;
	v36 =	vand.u32 $0x1F80, v45;
	v44 =	vbroadcast v60, $0x0  }
0x2e: {  	s26 =	sand.u32 $0x60, s13;
	s24 =	sand.u32 $0x70, s8;
	s6 =	simm.s32 $0xB0;
	v46 =	vadd.s32 v38, v3;
	v33 =	vand.u32 $0x1780, v42;
	v63 =	vadd.s32 v36, v3;
	v39 =	vld.idx.msk [tilespmem:v35+s3+$0x0], $0xffff  }
0x2f: {  	s8 =	simm.s32 $0x40;
	s4 =	sor.u32 s31, s20;
	s21 =	sor.u32 s22, s20;
	v35 =	vand.u32 $0x1F80, v40;
	v34 =	vand.u32 $0xF80, v41;
	v41 =	vsel vm0, v2, v44;
	v40 =	vld.idx.msk [tilespmem:v37+s3+$0x0], $0xffff  }
0x30: {  	s18 =	sor.u32 s28, s20;
	s13 =	sor.u32 s30, s20;
	s29 =	smov.u32 s25;
	v37 =	vand.u32 $0x1F80, v61;
	v44 =	vadd.s32 v35, v3;
	v62 =	vadd.s32 v1, v34;
	[tilespmem:s4+$0x0] =	vst v43  }
0x31: {  	s1 =	smov.u32 s24;
	s12 =	simm.s32 $0x0;
	v45 =	vadd.s32 v1, v37;
	v42 =	vsel vm0, v62, v63;
	v43 =	vadd.s32 v1, v33;
	s4 =	smov.u32 s26;
	[tilespmem:s21+$0x0] =	vst v47  }
.LBB2_2:
0x32: {  	s20 =	sadd.s32 $0xFFFFFFD0, s6  }
0x33: {  	v47 =	vmov s6;
	s0 =	sadd.s32 $0x4, s0;
	s21 =	simm.s32 $0x0;
	v43 =	vsel vm0, v43, v44;
	v44 =	vsel vm0, v45, v46;
	[tilespmem:s18+$0x0] =	vst v39;
	s18 =	sadd.s32 $0xFFFFFFE0, s6  }
0x34: {  	s15 =	sadd.s32 $0xFFFFFFF0, s6;
	s2 =	sand.u32 $0x70, s6;
	v39 =	vmov s20;
	v45 =	vshll.u32 v47, $0x7;
	v46 =	vshll.u32 v47, $0x1;
	p0 =	slt.u32 s0, $0xFC;
	v47 =	vld.idx.msk [tilespmem:v41+s21+$0x0], $0xffff;
	[tilespmem:s13+$0x0] =	vst v40  }
0x35: {  	s12 =	sadd.s32 $0x200, s12;
	v40 =	vmov s18;
	s10 =	sand.u32 $0x50, s18;
	v41 =	vmov s15;
	s15 =	sand.u32 $0x60, s15;
	v39 =	vshrl.u32 v39, $0x6  }
0x36: {  	s13 =	sand.u32 $0x7C00, s12;
	v48 =	vshll.u32 v40, $0x7;
	v49 =	vshll.u32 v41, $0x7;
	v39 =	vshll.u32 v39, $0x7  }
0x37: {  	s18 =	sand.u32 $0x40, s8;
	s13 =	sadd.s32 $0x4000, s13;
	v48 =	vor.u32 v0, v48;
	v49 =	vor.u32 v0, v49;
	v39 =	vadd.s32 v39, v3;
	v50 =	vld.idx.msk [tilespmem:v42+s21+$0x0], $0xffff  }
0x38: {  	s8 =	smov.u32 s20;
	v51 =	vshll.u32 v40, $0x1;
	v52 =	vshll.u32 v41, $0x1;
	s20 =	sor.u32 s18, s13;
	v42 =	vbroadcast v39, $0x0;
	v39 =	vld.idx.msk [tilespmem:v43+s21+$0x0], $0xffff  }
.Ltmp2:
0x39: {  	v45 =	vor.u32 v0, v45;
	s5 =	sor.u32 s29, s13;
	s18 =	sor.u32 s4, s13;
	v43 =	vand.u32 $0xF80, v48;
	v48 =	vand.u32 $0x1780, v49;
	v40 =	vld.idx.msk [tilespmem:v44+s21+$0x0], $0xffff;
	(pc) =	sbr.rel @p0 .LBB2_2-.Ltmp2, $4  }
0x3a: {  	s13 =	sor.u32 s1, s13;
	s29 =	smov.u32 s10;
	s4 =	smov.u32 s15;
	v44 =	vand.u32 $0x1F80, v52;
	v41 =	vsel vm0, v2, v42;
	v42 =	vand.u32 $0x1F80, v51;
	[tilespmem:s20+$0x0] =	vst v47  }
0x3b: {  	v46 =	vand.u32 $0x1F80, v46;
	v45 =	vand.u32 $0x1F80, v45;
	s1 =	smov.u32 s2;
	v47 =	vadd.s32 v1, v43  }
0x3c: {  	v43 =	vadd.s32 v1, v48;
	v44 =	vadd.s32 v44, v3;
	v42 =	vadd.s32 v42, v3  }
0x3d: {  	s6 =	sadd.s32 $0x40, s6;
	v46 =	vadd.s32 v46, v3;
	v45 =	vadd.s32 v1, v45;
	v42 =	vsel vm0, v47, v42;
	[tilespmem:s5+$0x0] =	vst v50  }
0x3e: {  	_ = 	snop  }
0x3f: {  	v43 =	vsel vm0, v43, v44  }
0x40: {  	v62 =	vsel vm0, v45, v46;
	_ =	sdelay $0x1  }
0x41: {  	v41 =	vld.idx.msk [tilespmem:v41+s21+$0x0], $0xffff  }
0x42: {  	s0 =	sadd.s32 $0x200, s12;
	v42 =	vld.idx.msk [tilespmem:v42+s21+$0x0], $0xffff;
	v30 =	vadd.s32 v30, v6  }
0x43: {  	s0 =	sand.u32 $0x7C00, s0;
	v30 =	vbroadcast v30, $0x0;
	v43 =	vld.idx.msk [tilespmem:v43+s21+$0x0], $0xffff  }
0x44: {  	[tilespmem:s18+$0x0] =	vst v39;
	s2 =	sand.u32 $0x40, s8;
	s0 =	sadd.s32 $0x4000, s0;
	v63 =	vld.idx.msk [tilespmem:v62+s21+$0x0], $0xffff  }
0x45: {  	[tilespmem:s13+$0x0] =	vst v40;
	v29 =	vadd.s32 v4, v29;
	v31 =	vadd.s32 v31, v6;
	s2 =	sor.u32 s2, s0;
	v30 =	vsel vm1, v5, v30  }
0x46: {  	v25 =	vadd.s32 v4, v25;
	v28 =	vadd.s32 v28, v6;
	v29 =	vsel vm1, v29, v31;
	s5 =	sor.u32 s29, s0;
	[tilespmem:s2+$0x0] =	vst v41  }
0x47: {  	v26 =	vadd.s32 v4, v26;
	v27 =	vadd.s32 v27, v6;
	v25 =	vsel vm1, v25, v28;
	s18 =	sor.u32 s4, s0;
	[tilespmem:s5+$0x0] =	vst v42  }
0x48: {  	v26 =	vsel vm1, v26, v27;
	s0 =	sor.u32 s1, s0;
	[tilespmem:s18+$0x0] =	vst v43  }
0x49: {  	[tilespmem:s0+$0x0] =	vst v63  }
0x4a: {  	v27 =	vadd.s32 v32, v6;
	v28 =	vld.idx.msk [tilespmem:v30+s21+$0x0], $0xffff  }
0x4b: {  	v39 =	vld.idx.msk [tilespmem:v29+s21+$0x0], $0xffff;
	v29 =	vbroadcast v27, $0x0  }
0x4c: {  	s20 =	sand.u32 $0x7C00, s21;
	v27 =	vld.idx.msk [tilespmem:v25+s21+$0x0], $0xffff  }
0x4d: {  	s29 =	sadd.s32 $0x4000, s20;
	v26 =	vld.idx.msk [tilespmem:v26+s21+$0x0], $0xffff;
	v25 =	vsel vm1, v5, v29  }
0x4e: {  	v31 =	vadd.s32 v4, v34;
	s0 =	sor.u32 s31, s29  }
0x4f: {  	v32 =	vadd.s32 v38, v6;
	s1 =	simm.s32 $0x4;
	s4 =	simm.s32 $0xB0;
	s31 =	sor.u32 s22, s29;
	v30 =	vadd.s32 v35, v6;
	[tilespmem:s0+$0x80] =	vst v28;
	v28 =	vadd.s32 v36, v6  }
0x50: {  	s8 =	sor.u32 s28, s29;
	s6 =	sor.u32 s30, s29;
	v29 =	vadd.s32 v4, v33;
	[tilespmem:s31+$0x80] =	vst v39;
	s0 =	simm.s32 $0x0;
	v28 =	vsel vm1, v31, v28;
	v31 =	vadd.s32 v4, v37  }
.LBB2_4:
0x51: {  	s2 =	sadd.s32 $0xFFFFFFD0, s4;
	s5 =	sadd.s32 $0xFFFFFFE0, s4;
	v33 =	vmov s4;
	s1 =	sadd.s32 $0x4, s1;
	v29 =	vsel vm1, v29, v30;
	v30 =	vsel vm1, v31, v32;
	[tilespmem:s8+$0x80] =	vst v27  }
0x52: {  	s8 =	sadd.s32 $0xFFFFFFF0, s4;
	v27 =	vmov s2;
	v31 =	vmov s5;
	s5 =	sand.u32 $0x50, s5;
	v32 =	vshll.u32 v33, $0x7;
	p0 =	slt.u32 s1, $0xFC;
	v34 =	vld.idx.msk [tilespmem:v25+s21+$0x0], $0xffff;
	[tilespmem:s6+$0x80] =	vst v26  }
0x53: {  	s12 =	sand.u32 $0x70, s4;
	s0 =	sadd.s32 $0x200, s0;
	s10 =	sand.u32 $0x60, s8;
	v25 =	vshrl.u32 v27, $0x6;
	v26 =	vshll.u32 v31, $0x7;
	v27 =	vmov s8  }
0x54: {  	s6 =	sand.u32 $0x7C00, s0;
	v25 =	vshll.u32 v25, $0x7;
	v26 =	vor.u32 v0, v26;
	v35 =	vshll.u32 v27, $0x7  }
0x55: {  	v31 =	vshll.u32 v31, $0x1;
	s8 =	sand.u32 $0x40, s23;
	s6 =	sadd.s32 $0x4000, s6;
	v25 =	vadd.s32 v25, v6;
	v35 =	vor.u32 v0, v35;
	v36 =	vld.idx.msk [tilespmem:v28+s21+$0x0], $0xffff  }
0x56: {  	v32 =	vor.u32 v0, v32;
	s23 =	smov.u32 s2;
	s2 =	sor.u32 s8, s6;
	v28 =	vshll.u32 v27, $0x1;
	v25 =	vbroadcast v25, $0x0;
	v27 =	vld.idx.msk [tilespmem:v29+s21+$0x0], $0xffff  }
.Ltmp3:
0x57: {  	v33 =	vshll.u32 v33, $0x1;
	s13 =	sor.u32 s25, s6;
	s8 =	sor.u32 s26, s6;
	v29 =	vand.u32 $0xF80, v26;
	v35 =	vand.u32 $0x1780, v35;
	v26 =	vld.idx.msk [tilespmem:v30+s21+$0x0], $0xffff;
	(pc) =	sbr.rel @p0 .LBB2_4-.Ltmp3, $4  }
0x58: {  	s6 =	sor.u32 s24, s6;
	v28 =	vand.u32 $0x1F80, v28;
	v30 =	vand.u32 $0x1F80, v31;
	v25 =	vsel vm1, v5, v25;
	[tilespmem:s2+$0x80] =	vst v34  }
0x59: {  	v33 =	vand.u32 $0x1F80, v33;
	v32 =	vand.u32 $0x1F80, v32;
	s25 =	smov.u32 s5;
	s26 =	smov.u32 s10;
	s24 =	smov.u32 s12;
	v31 =	vadd.s32 v4, v29  }
0x5a: {  	v29 =	vadd.s32 v4, v35;
	v34 =	vadd.s32 v30, v6;
	v30 =	vadd.s32 v28, v6  }
0x5b: {  	s4 =	sadd.s32 $0x40, s4;
	v28 =	vsel vm1, v31, v34;
	v31 =	vadd.s32 v4, v32;
	v32 =	vadd.s32 v33, v6;
	[tilespmem:s13+$0x80] =	vst v36  }
0x5c: {  	_ = 	snop  }
0x5d: {  	v29 =	vsel vm1, v29, v30;
	s1 =	simm.s32 $0x30  }
0x5e: {  	v30 =	vsel vm1, v31, v32;
	s22 =	simm.s32 $0x0;
	s2 =	simm.s32 $0x10;
	s4 =	simm.s32 $0x20;
	v31 =	vmov s1  }
0x5f: {  	v60 =	vmov s22;
	v61 =	vmov s2;
	v35 =	vmov s4  }
0x60: {  	v34 =	vld.idx.msk [tilespmem:v25+s21+$0x0], $0xffff;
	v33 =	vshll.u32 v31, $0x7;
	v31 =	vshll.u32 v31, $0x1;
	v25 =	vshrl.u32 v60, $0x6  }
0x61: {  	s0 =	sadd.s32 $0x200, s0;
	v36 =	vld.idx.msk [tilespmem:v28+s21+$0x0], $0xffff;
	v28 =	vshll.u32 v61, $0x7;
	v37 =	vshll.u32 v35, $0x7;
	v35 =	vshll.u32 v35, $0x1  }
0x62: {  	s0 =	sand.u32 $0x7C00, s0;
	v25 =	vshll.u32 v25, $0x7;
	v28 =	vor.u32 v0, v28;
	v37 =	vor.u32 v0, v37;
	v38 =	vld.idx.msk [tilespmem:v29+s21+$0x0], $0xffff  }
0x63: {  	[tilespmem:s8+$0x80] =	vst v27;
	s5 =	sand.u32 $0x40, s23;
	p1 =	por $0x1, $0x1;
	s0 =	sadd.s32 $0x4000, s0;
	v33 =	vor.u32 v0, v33;
	v31 =	vand.u32 $0x1F80, v31;
	v29 =	vadd.s32 v25, v9;
	v39 =	vld.idx.msk [tilespmem:v30+s21+$0x0], $0xffff  }
.Ltmp4:
0x64: {  	[tilespmem:s6+$0x80] =	vst v26;
	s5 =	sor.u32 s5, s0;
	v27 =	vand.u32 $0xF80, v28;
	v26 =	vand.u32 $0x1780, v37;
	v29 =	vbroadcast v29, $0x0;
	(pc) =	sbr.rel @!p1 .LBB2_6-.Ltmp4, $4  }
0x65: {  	s25 =	sor.u32 s25, s0;
	v28 =	vand.u32 $0x1F80, v35;
	v30 =	vshll.u32 v61, $0x1;
	[tilespmem:s5+$0x80] =	vst v34;
	v62 =	vadd.s32 v7, v27  }
0x66: {  	s30 =	sor.u32 s26, s0;
	[tilespmem:s25+$0x80] =	vst v36;
	v36 =	vadd.s32 v7, v26;
	v32 =	vsel vm2, v8, v29;
	v29 =	vand.u32 $0x1F80, v30  }
0x67: {  	s28 =	simm.s32 $0x70;
	p0 =	por $0x0, $0x0;
	s31 =	sor.u32 s24, s0;
	v37 =	vadd.s32 v28, v9;
	v30 =	vand.u32 $0x1F80, v33;
	v63 =	vadd.s32 v29, v9;
	[tilespmem:s30+$0x80] =	vst v38  }
0x68: {  	s1 =	sand.u32 $0x70, s1;
	s26 =	sand.u32 $0x50, s2;
	s0 =	sand.u32 $0x60, s4;
	[tilespmem:s31+$0x80] =	vst v39;
	v33 =	vsel vm2, v62, v63;
	v38 =	vadd.s32 v7, v30;
	v39 =	vadd.s32 v31, v9  }
0x69: {  	s30 =	simm.s32 $0x40;
	v34 =	vmov s28;
	v35 =	vsel vm2, v36, v37;
	v51 =	vsel vm2, v38, v39  }
0x6a: {  	s2 =	simm.s32 $0x50;
	s5 =	simm.s32 $0x60;
	v52 =	vmov s30;
	v53 =	vshll.u32 v34, $0x7;
	v54 =	vshll.u32 v34, $0x1  }
0x6b: {  	v56 =	vmov s2;
	v40 =	vmov s5;
	v55 =	vshrl.u32 v52, $0x6  }
0x6c: {  	s24 =	simm.s32 $0x0;
	v41 =	vshll.u32 v56, $0x7;
	v42 =	vshll.u32 v40, $0x7;
	v34 =	vshll.u32 v55, $0x7  }
0x6d: {  	v43 =	vld.idx.msk [tilespmem:v32+s24+$0x0], $0xffff;
	v61 =	vshll.u32 v56, $0x1;
	v62 =	vshll.u32 v40, $0x1;
	v57 =	vadd.s32 v34, v9  }
0x6e: {  	p3 =	por $0x1, $0x1;
	v60 =	vld.idx.msk [tilespmem:v33+s24+$0x0], $0xffff;
	v38 =	vor.u32 v0, v53;
	v39 =	vand.u32 $0x1F80, v54;
	v32 =	vbroadcast v57, $0x0  }
.Ltmp5:
0x6f: {  	v58 =	vor.u32 v0, v41;
	v59 =	vor.u32 v0, v42;
	v33 =	vand.u32 $0x1F80, v61;
	v34 =	vld.idx.msk [tilespmem:v35+s24+$0x0], $0xffff;
	(pc) =	sbr.rel @!p3 .LBB2_8-.Ltmp5, $4  }
0x70: {  	s4 =	simm.s32 $0x4;
	s18 =	sand.u32 $0x40, s22;
	s25 =	sand.u32 $0x70, s28;
	v37 =	vand.u32 $0x1F80, v62;
	v38 =	vand.u32 $0x1F80, v38;
	v35 =	vld.idx.msk [tilespmem:v51+s24+$0x0], $0xffff;
	v32 =	vsel vm2, v8, v32  }
0x71: {  	s20 =	sor.u32 s26, s29;
	s31 =	sand.u32 $0x50, s2;
	s2 =	sor.u32 s18, s29;
	v39 =	vadd.s32 v39, v9;
	v63 =	vand.u32 $0xF80, v58;
	v41 =	vand.u32 $0x1780, v59  }
0x72: {  	s12 =	sor.u32 s0, s29;
	s8 =	sor.u32 s1, s29;
	s6 =	simm.s32 $0xB0;
	v33 =	vadd.s32 v33, v9;
	v37 =	vadd.s32 v37, v9;
	v40 =	vadd.s32 v7, v63;
	[tilespmem:s2+$0x100] =	vst v43  }
0x73: {  	p2 =	por $0x1, $0x1;
	s23 =	sand.u32 $0x60, s5;
	s29 =	simm.s32 $0x0;
	v38 =	vadd.s32 v7, v38;
	v36 =	vadd.s32 v7, v41;
	v33 =	vsel vm2, v40, v33;
	[tilespmem:s20+$0x100] =	vst v60  }
.LBB2_9:
0x74: {  	s2 =	sadd.s32 $0xFFFFFFD0, s6;
	v40 =	vmov s6;
	s4 =	sadd.s32 $0x4, s4;
	v36 =	vsel vm2, v36, v37;
	v37 =	vsel vm2, v38, v39;
	[tilespmem:s12+$0x100] =	vst v34;
	s5 =	sadd.s32 $0xFFFFFFE0, s6  }
0x75: {  	s10 =	sadd.s32 $0xFFFFFFF0, s6;
	s13 =	sand.u32 $0x70, s6;
	v34 =	vmov s2;
	v38 =	vshll.u32 v40, $0x7;
	v39 =	vshll.u32 v40, $0x1;
	p3 =	slt.u32 s4, $0xFC;
	v40 =	vld.idx.msk [tilespmem:v32+s24+$0x0], $0xffff;
	[tilespmem:s8+$0x100] =	vst v35  }
0x76: {  	s29 =	sadd.s32 $0x200, s29;
	v35 =	vmov s10;
	s10 =	sand.u32 $0x60, s10;
	v32 =	vshrl.u32 v34, $0x6;
	v34 =	vmov s5;
	s5 =	sand.u32 $0x50, s5  }
0x77: {  	s8 =	sand.u32 $0x7C00, s29;
	v42 =	vshll.u32 v35, $0x7;
	v32 =	vshll.u32 v32, $0x7;
	v41 =	vshll.u32 v34, $0x7  }
0x78: {  	s12 =	sand.u32 $0x40, s30;
	s8 =	sadd.s32 $0x4000, s8;
	v42 =	vor.u32 v0, v42;
	v32 =	vadd.s32 v32, v9;
	v41 =	vor.u32 v0, v41;
	v43 =	vld.idx.msk [tilespmem:v33+s24+$0x0], $0xffff  }
0x79: {  	s30 =	smov.u32 s2;
	v44 =	vshll.u32 v35, $0x1;
	s2 =	sor.u32 s12, s8;
	v33 =	vshll.u32 v34, $0x1;
	v32 =	vbroadcast v32, $0x0;
	v34 =	vld.idx.msk [tilespmem:v36+s24+$0x0], $0xffff  }
.Ltmp6:
0x7a: {  	v38 =	vor.u32 v0, v38;
	s15 =	sor.u32 s31, s8;
	s12 =	sor.u32 s23, s8;
	v36 =	vand.u32 $0xF80, v41;
	v41 =	vand.u32 $0x1780, v42;
	v35 =	vld.idx.msk [tilespmem:v37+s24+$0x0], $0xffff;
	(pc) =	sbr.rel @p3 .LBB2_9-.Ltmp6, $4  }
0x7b: {  	s8 =	sor.u32 s25, s8;
	s31 =	smov.u32 s5;
	s23 =	smov.u32 s10;
	v33 =	vand.u32 $0x1F80, v33;
	v37 =	vand.u32 $0x1F80, v44;
	v32 =	vsel vm2, v8, v32;
	[tilespmem:s2+$0x100] =	vst v40  }
0x7c: {  	v39 =	vand.u32 $0x1F80, v39;
	v38 =	vand.u32 $0x1F80, v38;
	s25 =	smov.u32 s13;
	v40 =	vadd.s32 v7, v36  }
0x7d: {  	v33 =	vadd.s32 v33, v9;
	v36 =	vadd.s32 v7, v41;
	v37 =	vadd.s32 v37, v9  }
0x7e: {  	s6 =	sadd.s32 $0x40, s6;
	v39 =	vadd.s32 v39, v9;
	v38 =	vadd.s32 v7, v38;
	v33 =	vsel vm2, v40, v33;
	[tilespmem:s15+$0x100] =	vst v43  }
0x7f: {  	s13 =	rddreg [dreg:$0x0]  }
0x80: {  	s15 =	rddreg [dreg:$0x4]  }
0x81: {  	s18 =	rddreg [dreg:$0x7];
	s20 =	simm.s32 $0xC000  }
.LBB2_11:
0x82: {  	_ = 	snop  }
0x83: {  	v36 =	vsel vm2, v36, v37  }
0x84: {  	v61 =	vsel vm2, v38, v39  }
0x85: {  	s24 =	simm.s32 $0x0  }
0x86: {  	s2 =	sadd.s32 @p2 $0x200, s29;
	v32 =	vld.idx.msk [tilespmem:v32+s24+$0x0], $0xffff  }
0x87: {  	s21 =	smov.u32 @p2 s2;
	v33 =	vld.idx.msk [tilespmem:v33+s24+$0x0], $0xffff  }
0x88: {  	s2 =	sand.u32 $0x7C00, s21;
	v36 =	vld.idx.msk [tilespmem:v36+s24+$0x0], $0xffff  }
0x89: {  	[tilespmem:s12+$0x100] =	vst @p2 v34;
	s4 =	sand.u32 $0x40, s30;
	s2 =	sadd.s32 $0x4000, s2;
	v62 =	vld.idx.msk [tilespmem:v61+s24+$0x0], $0xffff  }
.Ltmp7:
0x8a: {  	[tilespmem:s8+$0x100] =	vst @p2 v35;
	s4 =	sor.u32 s4, s2;
	(pc) =	sbr.rel @!p1 .LBB2_12-.Ltmp7, $4  }
0x8b: {  	v25 =	vadd.s32 v25, v12;
	s5 =	sor.u32 s31, s2;
	[tilespmem:s4+$0x100] =	vst v32  }
0x8c: {  	v27 =	vadd.s32 v10, v27;
	v63 =	vadd.s32 v29, v12;
	v25 =	vbroadcast v25, $0x0;
	s31 =	sor.u32 s23, s2;
	[tilespmem:s5+$0x100] =	vst v33  }
0x8d: {  	v29 =	vadd.s32 v10, v26;
	v30 =	vadd.s32 v10, v30;
	v31 =	vadd.s32 v31, v12;
	s2 =	sor.u32 s25, s2;
	[tilespmem:s31+$0x100] =	vst v36  }
0x8e: {  	v25 =	vsel vm3, v11, v25;
	v32 =	vadd.s32 v28, v12;
	v28 =	vsel vm3, v27, v63;
	[tilespmem:s2+$0x100] =	vst v62  }
0x8f: {  	_ = 	snop  }
0x90: {  	s21 =	simm.s32 $0x40;
	s2 =	simm.s32 $0x50;
	v26 =	vmov s28;
	v27 =	vsel vm3, v29, v32;
	v29 =	vsel vm3, v30, v31  }
0x91: {  	s4 =	simm.s32 $0x60;
	v30 =	vmov s21;
	v31 =	vmov s2;
	v61 =	vshll.u32 v26, $0x7  }
0x92: {  	v34 =	vmov s4;
	v63 =	vshll.u32 v26, $0x1;
	v30 =	vshrl.u32 v30, $0x6  }
0x93: {  	v36 =	vld.idx.msk [tilespmem:v25+s24+$0x0], $0xffff;
	v33 =	vshll.u32 v31, $0x7;
	v35 =	vshll.u32 v34, $0x7;
	v30 =	vshll.u32 v30, $0x7  }
0x94: {  	v62 =	vld.idx.msk [tilespmem:v28+s24+$0x0], $0xffff;
	v28 =	vshll.u32 v34, $0x1;
	v32 =	vor.u32 v0, v61;
	v25 =	vadd.s32 v30, v12  }
0x95: {  	p1 =	por $0x1, $0x1;
	v34 =	vand.u32 $0x1F80, v63;
	v33 =	vor.u32 v0, v33;
	v25 =	vbroadcast v25, $0x0  }
.Ltmp8:
0x96: {  	s23 =	simm.s32 $0x4;
	s12 =	sand.u32 $0x7C00, s24;
	v28 =	vand.u32 $0x1F80, v28;
	v37 =	vand.u32 $0x1F80, v32;
	v30 =	vshll.u32 v31, $0x1;
	v26 =	vld.idx.msk [tilespmem:v27+s24+$0x0], $0xffff;
	(pc) =	sbr.rel @!p1 .LBB2_14-.Ltmp8, $4  }
0x97: {  	s5 =	sand.u32 $0x40, s22;
	s25 =	sand.u32 $0x50, s2;
	s2 =	sadd.s32 $0x4000, s12;
	v31 =	vor.u32 v0, v35;
	v33 =	vand.u32 $0xF80, v33;
	v27 =	vld.idx.msk [tilespmem:v29+s24+$0x0], $0xffff;
	v25 =	vsel vm3, v11, v25  }
0x98: {  	s29 =	sand.u32 $0x70, s28;
	p0 =	por $0x1, $0x1;
	s22 =	sor.u32 s5, s2;
	v32 =	vadd.s32 v28, v12;
	v31 =	vand.u32 $0x1780, v31;
	v30 =	vand.u32 $0x1F80, v30  }
0x99: {  	s31 =	sand.u32 $0x60, s4;
	s4 =	simm.s32 $0x0;
	s26 =	sor.u32 s26, s2;
	v33 =	vadd.s32 v10, v33;
	[tilespmem:s22+$0x180] =	vst v36;
	v30 =	vadd.s32 v30, v12;
	v29 =	vadd.s32 v10, v31  }
0x9a: {  	s30 =	sor.u32 s0, s2;
	s28 =	sor.u32 s1, s2;
	s0 =	simm.s32 $0xB0;
	[tilespmem:s26+$0x180] =	vst v62;
	v31 =	vadd.s32 v34, v12;
	v28 =	vsel vm3, v33, v30;
	v30 =	vadd.s32 v10, v37  }
.LBB2_15:
0x9b: {  	s1 =	sadd.s32 $0xFFFFFFD0, s0;
	s2 =	sadd.s32 $0xFFFFFFE0, s0;
	v33 =	vmov s0;
	s23 =	sadd.s32 $0x4, s23;
	v29 =	vsel vm3, v29, v32;
	v30 =	vsel vm3, v30, v31;
	[tilespmem:s30+$0x180] =	vst v26  }
0x9c: {  	s5 =	sadd.s32 $0xFFFFFFF0, s0;
	v26 =	vmov s1;
	v31 =	vmov s2;
	s2 =	sand.u32 $0x50, s2;
	v32 =	vshll.u32 v33, $0x7;
	p1 =	slt.u32 s23, $0xFC;
	v34 =	vld.idx.msk [tilespmem:v25+s24+$0x0], $0xffff;
	[tilespmem:s28+$0x180] =	vst v27  }
0x9d: {  	s6 =	sand.u32 $0x70, s0;
	s4 =	sadd.s32 $0x200, s4;
	v27 =	vmov s5;
	s5 =	sand.u32 $0x60, s5;
	v25 =	vshrl.u32 v26, $0x6;
	v26 =	vshll.u32 v31, $0x7  }
0x9e: {  	s8 =	sand.u32 $0x7C00, s4;
	v25 =	vshll.u32 v25, $0x7;
	v35 =	vor.u32 v0, v26;
	v26 =	vshll.u32 v27, $0x7  }
0x9f: {  	s10 =	sand.u32 $0x40, s21;
	v31 =	vshll.u32 v31, $0x1;
	s8 =	sadd.s32 $0x4000, s8;
	v25 =	vadd.s32 v25, v12;
	v36 =	vor.u32 v0, v26;
	v37 =	vld.idx.msk [tilespmem:v28+s24+$0x0], $0xffff  }
0xa0: {  	v32 =	vor.u32 v0, v32;
	s10 =	sor.u32 s10, s8;
	v28 =	vshll.u32 v27, $0x1;
	v25 =	vbroadcast v25, $0x0;
	v26 =	vld.idx.msk [tilespmem:v29+s24+$0x0], $0xffff  }
.Ltmp9:
0xa1: {  	v33 =	vshll.u32 v33, $0x1;
	s12 =	sor.u32 s25, s8;
	s30 =	sor.u32 s31, s8;
	v29 =	vand.u32 $0xF80, v35;
	v35 =	vand.u32 $0x1780, v36;
	v27 =	vld.idx.msk [tilespmem:v30+s24+$0x0], $0xffff;
	(pc) =	sbr.rel @p1 .LBB2_15-.Ltmp9, $4  }
0xa2: {  	s28 =	sor.u32 s29, s8;
	v28 =	vand.u32 $0x1F80, v28;
	v30 =	vand.u32 $0x1F80, v31;
	v25 =	vsel vm3, v11, v25;
	[tilespmem:s10+$0x180] =	vst v34  }
0xa3: {  	s21 =	smov.u32 s1;
	v33 =	vand.u32 $0x1F80, v33;
	s25 =	smov.u32 s2;
	s31 =	smov.u32 s5;
	v31 =	vadd.s32 v10, v29;
	v34 =	vand.u32 $0x1F80, v32  }
0xa4: {  	s29 =	smov.u32 s6;
	v29 =	vadd.s32 v10, v35;
	v30 =	vadd.s32 v30, v12;
	v32 =	vadd.s32 v28, v12  }
0xa5: {  	s0 =	sadd.s32 $0x40, s0;
	v28 =	vsel vm3, v31, v30;
	v30 =	vadd.s32 v10, v34;
	v31 =	vadd.s32 v33, v12;
	[tilespmem:s12+$0x180] =	vst v37  }
0xa6: {  	s22 =	smov.u32 s21  }
0xa7: {  	s26 =	smov.u32 s25;
	s0 =	smov.u32 s31;
	s1 =	smov.u32 s29  }
.LBB2_17:
0xa8: {  	_ = 	snop  }
0xa9: {  	v29 =	vsel vm3, v29, v32;
	s2 =	simm.s32 $0x0  }
0xaa: {  	v30 =	vsel vm3, v30, v31;
	s21 =	simm.s32 $0x30;
	s29 =	simm.s32 $0x10;
	s5 =	simm.s32 $0x20;
	v31 =	vmov s2  }
0xab: {  	v61 =	vmov s29;
	v33 =	vmov s21;
	v34 =	vmov s5  }
0xac: {  	v35 =	vld.idx.msk [tilespmem:v25+s24+$0x0], $0xffff;
	s2 =	sadd.s32 @p0 $0x200, s4;
	s4 =	simm.s32 $0x0;
	v36 =	vshll.u32 v33, $0x7;
	v33 =	vshll.u32 v33, $0x1;
	v25 =	vshrl.u32 v31, $0x6  }
0xad: {  	s4 =	smov.u32 @p0 s2;
	v31 =	vld.idx.msk [tilespmem:v28+s24+$0x0], $0xffff;
	v28 =	vshll.u32 v61, $0x7;
	v37 =	vshll.u32 v34, $0x7;
	v34 =	vshll.u32 v34, $0x1  }
0xae: {  	[tilespmem:s30+$0x180] =	vst @p0 v26;
	v25 =	vshll.u32 v25, $0x7;
	s2 =	sand.u32 $0x7C00, s4;
	v28 =	vor.u32 v0, v28;
	v37 =	vor.u32 v0, v37;
	v38 =	vld.idx.msk [tilespmem:v29+s24+$0x0], $0xffff  }
0xaf: {  	s30 =	sand.u32 $0x40, s22;
	[tilespmem:s28+$0x180] =	vst @p0 v27;
	p1 =	por $0x1, $0x1;
	v36 =	vor.u32 v0, v36;
	s2 =	sadd.s32 $0x4000, s2;
	v27 =	vand.u32 $0xF80, v28;
	v29 =	vadd.s32 v25, v15;
	v39 =	vld.idx.msk [tilespmem:v30+s24+$0x0], $0xffff  }
.Ltmp10:
0xb0: {  	v26 =	vand.u32 $0x1780, v37;
	v28 =	vand.u32 $0x1F80, v34;
	s4 =	sor.u32 s30, s2;
	v29 =	vbroadcast v29, $0x0;
	(pc) =	sbr.rel @!p1 .LBB2_18-.Ltmp10, $4  }
0xb1: {  	v30 =	vshll.u32 v61, $0x1;
	s31 =	sor.u32 s26, s2;
	v62 =	vadd.s32 v13, v27;
	v37 =	vadd.s32 v28, v15;
	[tilespmem:s4+$0x180] =	vst v35  }
0xb2: {  	s0 =	sor.u32 s0, s2;
	[tilespmem:s31+$0x180] =	vst v31;
	v31 =	vand.u32 $0x1F80, v33;
	v32 =	vsel vm4, v14, v29;
	v29 =	vand.u32 $0x1F80, v30  }
0xb3: {  	s25 =	simm.s32 $0x1;
	p0 =	por $0x0, $0x0;
	s1 =	sor.u32 s1, s2;
	v30 =	vand.u32 $0x1F80, v36;
	v36 =	vadd.s32 v13, v26;
	v63 =	vadd.s32 v29, v15;
	[tilespmem:s0+$0x180] =	vst v38  }
0xb4: {  	s23 =	simm.s32 $0x20;
	s25 =	simm.s32 @!p0 $0x0;
	s26 =	simm.s32 $0x70;
	[tilespmem:s1+$0x180] =	vst v39;
	v33 =	vsel vm4, v62, v63;
	v38 =	vadd.s32 v13, v30;
	v39 =	vadd.s32 v31, v15  }
0xb5: {  	s0 =	simm.s32 $0x40;
	v34 =	vmov s26;
	v35 =	vsel vm4, v36, v37;
	v51 =	vsel vm4, v38, v39  }
0xb6: {  	s8 =	simm.s32 $0x50;
	s1 =	simm.s32 $0x60;
	v52 =	vmov s0;
	v53 =	vshll.u32 v34, $0x7;
	v54 =	vshll.u32 v34, $0x1  }
0xb7: {  	s22 =	simm.s32 $0x4;
	v56 =	vmov s8;
	v40 =	vmov s1;
	v55 =	vshrl.u32 v52, $0x6  }
0xb8: {  	s28 =	simm.s32 $0x0;
	s10 =	sand.u32 $0x7, s24;
	p4 =	por $0x1, $0x1;
	v41 =	vshll.u32 v56, $0x7;
	v42 =	vshll.u32 v40, $0x7;
	v61 =	vshll.u32 v56, $0x1  }
0xb9: {  	s12 =	sshll.u32 s25, $0x6;
	s2 =	sand.u32 $0x3, s24;
	s31 =	simm.s32 $0xB0;
	v43 =	vld.idx.msk [tilespmem:v32+s28+$0x0], $0xffff;
	v62 =	vshll.u32 v40, $0x1;
	v38 =	vor.u32 v0, v53;
	v34 =	vshll.u32 v55, $0x7  }
0xba: {  	p2 =	por $0x1, $0x1;
	p3 =	por $0x0, $0x0;
	s30 =	simm.s32 $0x0;
	v60 =	vld.idx.msk [tilespmem:v33+s28+$0x0], $0xffff;
	v39 =	vand.u32 $0x1F80, v54;
	v58 =	vor.u32 v0, v41;
	v57 =	vadd.s32 v34, v15  }
.Ltmp11:
0xbb: {  	s29 =	simm.s32 $0x0;
	s0 =	sshll.u32 s10, $0x4;
	v59 =	vor.u32 v0, v42;
	v33 =	vand.u32 $0x1F80, v61;
	v32 =	vbroadcast v57, $0x0;
	(pc) =	sbr.rel @!p4 .LBB2_20-.Ltmp11, $4  }
0xbc: {  	s1 =	sadd.s32 $0x0, s12;
	s2 =	sshll.u32 s2, $0x5;
	s0 =	sadd.s32 $0x0, s0;
	v37 =	vand.u32 $0x1F80, v62;
	v38 =	vand.u32 $0x1F80, v38;
	v39 =	vadd.s32 v39, v15;
	v34 =	vld.idx.msk [tilespmem:v35+s28+$0x0], $0xffff  }
0xbd: {  	s1 =	sor.u32 $0x200, s1;
	s2 =	sadd.s32 $0x20, s2;
	s4 =	sadd.s32 $0x10, s0;
	v63 =	vand.u32 $0xF80, v58;
	v41 =	vand.u32 $0x1780, v59;
	v35 =	vld.idx.msk [tilespmem:v51+s28+$0x0], $0xffff;
	v32 =	vsel vm4, v14, v32  }
0xbe: {  	s0 =	sadd.s32 $0x30, s0;
	s6 =	sor.u32 $0x200, s2;
	s5 =	sor.u32 $0x200, s4;
	v33 =	vadd.s32 v33, v15;
	v37 =	vadd.s32 v37, v15;
	v40 =	vadd.s32 v13, v63;
	[tilespmem:s1+$0x4000] =	vst v43  }
0xbf: {  	s4 =	sor.u32 $0x200, s0;
	s0 =	simm.s32 $0x0;
	v38 =	vadd.s32 v13, v38;
	v36 =	vadd.s32 v13, v41;
	v33 =	vsel vm4, v40, v33;
	[tilespmem:s5+$0x4000] =	vst v60;
	s1 =	simm.s32 $0x20  }
.LBB2_21:
0xc0: {  	s2 =	sadd.s32 $0xFFFFFFD0, s31  }
0xc1: {  	v40 =	vmov s31;
	s22 =	sadd.s32 $0x4, s22;
	v36 =	vsel vm4, v36, v37;
	v37 =	vsel vm4, v38, v39;
	[tilespmem:s6+$0x4000] =	vst v34;
	s5 =	sadd.s32 $0xFFFFFFF0, s31;
	p3 =	por !p3, !p3  }
0xc2: {  	v34 =	vmov s2;
	s2 =	sadd.s32 $0xFFFFFFE0, s31;
	v38 =	vshll.u32 v40, $0x7;
	v39 =	vshll.u32 v40, $0x1;
	p4 =	slt.u32 s22, $0xFC;
	v40 =	vld.idx.msk [tilespmem:v32+s28+$0x0], $0xffff;
	[tilespmem:s4+$0x4000] =	vst v35;
	s4 =	simm.s32 $0x1  }
0xc3: {  	s0 =	sadd.s32 $0x4, s0;
	v35 =	vmov s5;
	v32 =	vshrl.u32 v34, $0x6;
	v34 =	vmov s2;
	s4 =	simm.s32 @!p3 $0x0  }
0xc4: {  	s30 =	sadd.s32 $0x200, s30;
	v42 =	vshll.u32 v35, $0x7;
	s2 =	sand.u32 $0x7, s0;
	v32 =	vshll.u32 v32, $0x7;
	v41 =	vshll.u32 v34, $0x7;
	s4 =	sshll.u32 s4, $0x6  }
0xc5: {  	v42 =	vor.u32 v0, v42;
	s2 =	sshll.u32 s2, $0x4;
	v32 =	vadd.s32 v32, v15;
	v41 =	vor.u32 v0, v41;
	v43 =	vld.idx.msk [tilespmem:v33+s28+$0x0], $0xffff;
	s4 =	sadd.s32 s4, s30  }
0xc6: {  	s29 =	sadd.s32 $0x2, s29;
	v44 =	vshll.u32 v35, $0x1;
	v33 =	vshll.u32 v34, $0x1;
	s2 =	sadd.s32 s2, s30;
	v32 =	vbroadcast v32, $0x0;
	v34 =	vld.idx.msk [tilespmem:v36+s28+$0x0], $0xffff;
	s4 =	sor.u32 $0x200, s4  }
.Ltmp12:
0xc7: {  	v38 =	vor.u32 v0, v38;
	v36 =	vand.u32 $0xF80, v41;
	v41 =	vand.u32 $0x1780, v42;
	s5 =	sadd.s32 $0x10, s2;
	s2 =	sadd.s32 $0x30, s2;
	v35 =	vld.idx.msk [tilespmem:v37+s28+$0x0], $0xffff;
	(pc) =	sbr.rel @p4 .LBB2_21-.Ltmp12, $4  }
0xc8: {  	s6 =	sand.u32 $0x3, s29;
	v33 =	vand.u32 $0x1F80, v33;
	v37 =	vand.u32 $0x1F80, v44;
	s5 =	sor.u32 $0x200, s5;
	v32 =	vsel vm4, v14, v32;
	[tilespmem:s4+$0x4000] =	vst v40;
	s4 =	sor.u32 $0x200, s2  }
0xc9: {  	s1 =	sadd.s32 $0x200, s1;
	v39 =	vand.u32 $0x1F80, v39;
	v38 =	vand.u32 $0x1F80, v38;
	v40 =	vadd.s32 v13, v36;
	s2 =	sshll.u32 s6, $0x5  }
0xca: {  	v33 =	vadd.s32 v33, v15;
	v36 =	vadd.s32 v13, v41;
	v37 =	vadd.s32 v37, v15;
	s2 =	sadd.s32 s2, s1  }
0xcb: {  	s31 =	sadd.s32 $0x40, s31;
	v39 =	vadd.s32 v39, v15;
	v38 =	vadd.s32 v13, v38;
	v33 =	vsel vm4, v40, v33;
	s6 =	sor.u32 $0x200, s2;
	[tilespmem:s5+$0x4000] =	vst v43  }
.LBB2_22:
0xcc: {  	s22 =	simm.s32 $0x0;
	s0 =	sadd.s32 @p2 $0x4, s0  }
0xcd: {  	v36 =	vsel vm4, v36, v37;
	p3 =	por @p2 !p3, !p3;
	s2 =	simm.s32 $0x0;
	s5 =	sadd.s32 @p2 $0x200, s30  }
0xce: {  	v61 =	vsel vm4, v38, v39;
	s8 =	simm.s32 $0x0;
	[tilespmem:s6+$0x4000] =	vst @p2 v34;
	s1 =	sadd.s32 @p2 $0x200, s1;
	s6 =	simm.s32 $0x20  }
0xcf: {  	s2 =	smov.u32 @p2 s0;
	p3 =	por @!p2 p0, p0;
	s0 =	simm.s32 $0x1  }
0xd0: {  	s8 =	smov.u32 @p2 s5;
	v32 =	vld.idx.msk [tilespmem:v32+s22+$0x0], $0xffff;
	s5 =	sadd.s32 @p2 $0x2, s29;
	s6 =	smov.u32 @p2 s1  }
0xd1: {  	v33 =	vld.idx.msk [tilespmem:v33+s22+$0x0], $0xffff;
	s0 =	simm.s32 @!p3 $0x0;
	s2 =	sand.u32 $0x7, s2;
	s24 =	smov.u32 @p2 s5  }
0xd2: {  	s0 =	sshll.u32 s0, $0x6;
	s2 =	sshll.u32 s2, $0x4;
	s5 =	sand.u32 $0x3, s24;
	v36 =	vld.idx.msk [tilespmem:v36+s22+$0x0], $0xffff  }
0xd3: {  	s0 =	sadd.s32 s0, s8;
	s2 =	sadd.s32 s2, s8;
	s5 =	sshll.u32 s5, $0x5;
	v62 =	vld.idx.msk [tilespmem:v61+s22+$0x0], $0xffff  }
.Ltmp13:
0xd4: {  	[tilespmem:s4+$0x4000] =	vst @p2 v35;
	s0 =	sor.u32 $0x200, s0;
	s28 =	sadd.s32 $0x10, s2;
	(pc) =	sbr.rel @!p1 .LBB2_23-.Ltmp13, $4  }
0xd5: {  	v25 =	vadd.s32 v25, v18;
	s1 =	sadd.s32 s5, s6;
	[tilespmem:s0+$0x4000] =	vst v32;
	s29 =	sor.u32 $0x200, s28  }
0xd6: {  	v27 =	vadd.s32 v16, v27;
	v63 =	vadd.s32 v29, v18;
	v25 =	vbroadcast v25, $0x0;
	s2 =	sadd.s32 $0x30, s2;
	s30 =	sor.u32 $0x200, s1;
	[tilespmem:s29+$0x4000] =	vst v33  }
0xd7: {  	v29 =	vadd.s32 v16, v26;
	v30 =	vadd.s32 v16, v30;
	v31 =	vadd.s32 v31, v18;
	s31 =	sor.u32 $0x200, s2;
	[tilespmem:s30+$0x4000] =	vst v36  }
0xd8: {  	v25 =	vsel vm5, v17, v25;
	v32 =	vadd.s32 v28, v18;
	v28 =	vsel vm5, v27, v63;
	[tilespmem:s31+$0x4000] =	vst v62  }
0xd9: {  	_ = 	snop  }
0xda: {  	s0 =	simm.s32 $0x40;
	s1 =	simm.s32 $0x50;
	v26 =	vmov s26;
	v27 =	vsel vm5, v29, v32;
	v29 =	vsel vm5, v30, v31  }
0xdb: {  	s29 =	simm.s32 $0x60;
	v30 =	vmov s0;
	v31 =	vmov s1;
	v61 =	vshll.u32 v26, $0x7  }
0xdc: {  	v34 =	vmov s29;
	v63 =	vshll.u32 v26, $0x1;
	v30 =	vshrl.u32 v30, $0x6  }
0xdd: {  	s24 =	simm.s32 $0x4;
	s30 =	sand.u32 $0x7, s22;
	p3 =	por $0x1, $0x1;
	v62 =	vld.idx.msk [tilespmem:v28+s22+$0x0], $0xffff;
	v33 =	vshll.u32 v31, $0x7;
	v35 =	vshll.u32 v34, $0x7;
	v28 =	vshll.u32 v34, $0x1  }
0xde: {  	v36 =	vld.idx.msk [tilespmem:v25+s22+$0x0], $0xffff;
	s31 =	sshll.u32 s25, $0x6;
	s2 =	sand.u32 $0x3, s22;
	p1 =	por $0x1, $0x1;
	v32 =	vor.u32 v0, v61;
	v34 =	vand.u32 $0x1F80, v63;
	v30 =	vshll.u32 v30, $0x7  }
0xdf: {  	p2 =	por $0x0, $0x0;
	s26 =	simm.s32 $0x0;
	s25 =	simm.s32 $0x20;
	v33 =	vor.u32 v0, v33;
	v28 =	vand.u32 $0x1F80, v28;
	v25 =	vadd.s32 v30, v18  }
.Ltmp14:
0xe0: {  	s0 =	sshll.u32 s30, $0x4;
	s1 =	sadd.s32 $0x0, s31;
	v37 =	vand.u32 $0x1F80, v32;
	v30 =	vshll.u32 v31, $0x1;
	v25 =	vbroadcast v25, $0x0;
	(pc) =	sbr.rel @!p3 .LBB2_25-.Ltmp14, $4  }
0xe1: {  	s2 =	sshll.u32 s2, $0x5;
	s0 =	sadd.s32 $0x0, s0;
	s1 =	sor.u32 $0x280, s1;
	v31 =	vor.u32 v0, v35;
	v33 =	vand.u32 $0xF80, v33;
	v32 =	vadd.s32 v28, v18;
	v26 =	vld.idx.msk [tilespmem:v27+s22+$0x0], $0xffff  }
0xe2: {  	s2 =	sadd.s32 $0x20, s2;
	s4 =	sadd.s32 $0x10, s0;
	s0 =	sadd.s32 $0x30, s0;
	v31 =	vand.u32 $0x1780, v31;
	v30 =	vand.u32 $0x1F80, v30;
	v27 =	vld.idx.msk [tilespmem:v29+s22+$0x0], $0xffff;
	v25 =	vsel vm5, v17, v25  }
0xe3: {  	s6 =	sor.u32 $0x280, s2;
	s5 =	sor.u32 $0x280, s4;
	s28 =	sor.u32 $0x280, s0;
	v33 =	vadd.s32 v16, v33;
	[tilespmem:s1+$0x4000] =	vst v36;
	v30 =	vadd.s32 v30, v18;
	v29 =	vadd.s32 v16, v31  }
0xe4: {  	s4 =	simm.s32 $0xB0;
	s0 =	simm.s32 $0x0;
	[tilespmem:s5+$0x4000] =	vst v62;
	s1 =	simm.s32 $0x0;
	v31 =	vadd.s32 v34, v18;
	v28 =	vsel vm5, v33, v30;
	v30 =	vadd.s32 v16, v37  }
.LBB2_26:
0xe5: {  	s2 =	sadd.s32 $0xFFFFFFD0, s4  }
0xe6: {  	s5 =	sadd.s32 $0xFFFFFFE0, s4;
	v33 =	vmov s4;
	s24 =	sadd.s32 $0x4, s24;
	v29 =	vsel vm5, v29, v32;
	v30 =	vsel vm5, v30, v31;
	[tilespmem:s6+$0x4000] =	vst v26;
	p2 =	por !p2, !p2  }
0xe7: {  	v26 =	vmov s2;
	v31 =	vmov s5;
	s2 =	sadd.s32 $0xFFFFFFF0, s4;
	v32 =	vshll.u32 v33, $0x7;
	p3 =	slt.u32 s24, $0xFC;
	v34 =	vld.idx.msk [tilespmem:v25+s22+$0x0], $0xffff;
	[tilespmem:s28+$0x4000] =	vst v27;
	s5 =	simm.s32 $0x1  }
0xe8: {  	s0 =	sadd.s32 $0x4, s0;
	v25 =	vshrl.u32 v26, $0x6;
	v26 =	vshll.u32 v31, $0x7;
	v27 =	vmov s2;
	s5 =	simm.s32 @!p2 $0x0  }
0xe9: {  	s1 =	sadd.s32 $0x200, s1;
	s2 =	sand.u32 $0x7, s0;
	v25 =	vshll.u32 v25, $0x7;
	v35 =	vor.u32 v0, v26;
	v26 =	vshll.u32 v27, $0x7;
	s5 =	sshll.u32 s5, $0x6  }
0xea: {  	v31 =	vshll.u32 v31, $0x1;
	s2 =	sshll.u32 s2, $0x4;
	v25 =	vadd.s32 v25, v18;
	v36 =	vor.u32 v0, v26;
	v37 =	vld.idx.msk [tilespmem:v28+s22+$0x0], $0xffff;
	s5 =	sadd.s32 s5, s1  }
0xeb: {  	s26 =	sadd.s32 $0x2, s26;
	v32 =	vor.u32 v0, v32;
	v28 =	vshll.u32 v27, $0x1;
	s2 =	sadd.s32 s2, s1;
	v25 =	vbroadcast v25, $0x0;
	v26 =	vld.idx.msk [tilespmem:v29+s22+$0x0], $0xffff;
	s5 =	sor.u32 $0x280, s5  }
.Ltmp15:
0xec: {  	v33 =	vshll.u32 v33, $0x1;
	v29 =	vand.u32 $0xF80, v35;
	v35 =	vand.u32 $0x1780, v36;
	s6 =	sadd.s32 $0x10, s2;
	s2 =	sadd.s32 $0x30, s2;
	v27 =	vld.idx.msk [tilespmem:v30+s22+$0x0], $0xffff;
	(pc) =	sbr.rel @p3 .LBB2_26-.Ltmp15, $4  }
0xed: {  	s8 =	sand.u32 $0x3, s26;
	v28 =	vand.u32 $0x1F80, v28;
	v30 =	vand.u32 $0x1F80, v31;
	s28 =	sor.u32 $0x280, s2;
	v25 =	vsel vm5, v17, v25;
	[tilespmem:s5+$0x4000] =	vst v34;
	s5 =	sor.u32 $0x280, s6  }
0xee: {  	s25 =	sadd.s32 $0x200, s25;
	v33 =	vand.u32 $0x1F80, v33;
	v31 =	vadd.s32 v16, v29;
	s2 =	sshll.u32 s8, $0x5;
	v34 =	vand.u32 $0x1F80, v32  }
0xef: {  	v29 =	vadd.s32 v16, v35;
	v30 =	vadd.s32 v30, v18;
	v32 =	vadd.s32 v28, v18;
	s2 =	sadd.s32 s2, s25  }
0xf0: {  	s4 =	sadd.s32 $0x40, s4;
	v28 =	vsel vm5, v31, v30;
	v30 =	vadd.s32 v16, v34;
	v31 =	vadd.s32 v33, v18;
	s6 =	sor.u32 $0x280, s2;
	[tilespmem:s5+$0x4000] =	vst v37  }
.LBB2_27:
0xf1: {  	s0 =	sadd.s32 @p1 $0x4, s0;
	s2 =	simm.s32 $0x0  }
0xf2: {  	p2 =	por @p1 !p2, !p2;
	s8 =	sadd.s32 $0xFFFFFFD0, s21;
	s4 =	simm.s32 $0x1  }
0xf3: {  	v29 =	vsel vm5, v29, v32;
	s10 =	sadd.s32 $0xFFFFFFE0, s21;
	s5 =	sadd.s32 $0xFFFFFFF0, s21;
	p2 =	por @!p1 p0, p0  }
0xf4: {  	v30 =	vsel vm5, v30, v31;
	v33 =	vmov s21;
	s1 =	sadd.s32 @p1 $0x200, s1;
	s2 =	smov.u32 @p1 s0;
	s4 =	simm.s32 @!p2 $0x0  }
0xf5: {  	v31 =	vmov s8;
	v61 =	vmov s10;
	v34 =	vmov s5;
	s0 =	sand.u32 $0x7, s2;
	s12 =	sshll.u32 s4, $0x6;
	s4 =	simm.s32 $0x0  }
0xf6: {  	v35 =	vld.idx.msk [tilespmem:v25+s22+$0x0], $0xffff;
	v36 =	vshll.u32 v33, $0x7;
	v33 =	vshll.u32 v33, $0x1;
	s5 =	simm.s32 $0x0;
	v25 =	vshrl.u32 v31, $0x6;
	s0 =	sshll.u32 s0, $0x4;
	s4 =	smov.u32 @p1 s1  }
0xf7: {  	v31 =	vld.idx.msk [tilespmem:v28+s22+$0x0], $0xffff;
	v28 =	vshll.u32 v61, $0x7;
	v37 =	vshll.u32 v34, $0x7;
	v34 =	vshll.u32 v34, $0x1;
	s1 =	sadd.s32 @p1 $0x2, s26;
	s0 =	sadd.s32 s0, s4;
	s2 =	sadd.s32 s12, s4  }
0xf8: {  	[tilespmem:s6+$0x4000] =	vst @p1 v26;
	v36 =	vor.u32 v0, v36;
	v25 =	vshll.u32 v25, $0x7;
	v28 =	vor.u32 v0, v28;
	v38 =	vld.idx.msk [tilespmem:v29+s22+$0x0], $0xffff;
	s5 =	smov.u32 @p1 s1;
	s4 =	sadd.s32 @p1 $0x200, s25;
	s24 =	sor.u32 $0x280, s2  }
0xf9: {  	[tilespmem:s28+$0x4000] =	vst @p1 v27;
	v37 =	vor.u32 v0, v37;
	v27 =	vand.u32 $0xF80, v28;
	v29 =	vadd.s32 v25, v21;
	v39 =	vld.idx.msk [tilespmem:v30+s22+$0x0], $0xffff;
	s26 =	sand.u32 $0x3, s5;
	s23 =	smov.u32 @p1 s4;
	p1 =	por $0x1, $0x1  }
.Ltmp16:
0xfa: {  	v26 =	vand.u32 $0x1780, v37;
	v28 =	vand.u32 $0x1F80, v34;
	v29 =	vbroadcast v29, $0x0;
	s29 =	sadd.s32 $0x10, s0;
	s2 =	sshll.u32 s26, $0x5;
	(pc) =	sbr.rel @!p1 .LBB2_28-.Ltmp16, $4  }
0xfb: {  	v30 =	vshll.u32 v61, $0x1;
	v62 =	vadd.s32 v19, v27;
	v37 =	vadd.s32 v28, v21;
	[tilespmem:s24+$0x4000] =	vst v35;
	s30 =	sor.u32 $0x280, s29;
	s2 =	sadd.s32 s2, s23  }
0xfc: {  	s0 =	sadd.s32 $0x30, s0;
	v32 =	vsel vm6, v20, v29;
	v29 =	vand.u32 $0x1F80, v30;
	[tilespmem:s30+$0x4000] =	vst v31;
	v30 =	vand.u32 $0x1F80, v36;
	s31 =	sor.u32 $0x280, s2  }
0xfd: {  	p0 =	por $0x0, $0x0;
	s25 =	simm.s32 $0x1;
	s0 =	sor.u32 $0x280, s0;
	v31 =	vand.u32 $0x1F80, v33;
	v36 =	vadd.s32 v19, v26;
	v63 =	vadd.s32 v29, v21;
	[tilespmem:s31+$0x4000] =	vst v38  }
0xfe: {  	s25 =	simm.s32 @!p0 $0x0;
	s24 =	sadd.s32 $0x40, s21;
	s23 =	simm.s32 $0x20;
	[tilespmem:s0+$0x4000] =	vst v39;
	v33 =	vsel vm6, v62, v63;
	v38 =	vadd.s32 v19, v30;
	v39 =	vadd.s32 v31, v21  }
0xff: {  	s0 =	sadd.s32 $0xFFFFFFD0, s24;
	v34 =	vmov s24;
	v35 =	vsel vm6, v36, v37;
	v51 =	vsel vm6, v38, v39  }
0x100: {  	s10 =	sadd.s32 $0xFFFFFFE0, s24;
	s1 =	sadd.s32 $0xFFFFFFF0, s24;
	v52 =	vmov s0;
	v53 =	vshll.u32 v34, $0x7;
	v54 =	vshll.u32 v34, $0x1  }
0x101: {  	s21 =	simm.s32 $0x4;
	v56 =	vmov s10;
	v40 =	vmov s1;
	v55 =	vshrl.u32 v52, $0x6  }
0x102: {  	s26 =	simm.s32 $0x0;
	s12 =	sand.u32 $0x7, s22;
	p4 =	por $0x1, $0x1;
	v41 =	vshll.u32 v56, $0x7;
	v42 =	vshll.u32 v40, $0x7;
	v61 =	vshll.u32 v56, $0x1  }
0x103: {  	s31 =	sshll.u32 s25, $0x6;
	s2 =	sand.u32 $0x3, s22;
	s30 =	sadd.s32 $0x40, s24;
	v43 =	vld.idx.msk [tilespmem:v32+s26+$0x0], $0xffff;
	v62 =	vshll.u32 v40, $0x1;
	v38 =	vor.u32 v0, v53;
	v34 =	vshll.u32 v55, $0x7  }
0x104: {  	p2 =	por $0x1, $0x1;
	p3 =	por $0x0, $0x0;
	s29 =	simm.s32 $0x0;
	v60 =	vld.idx.msk [tilespmem:v33+s26+$0x0], $0xffff;
	v39 =	vand.u32 $0x1F80, v54;
	v58 =	vor.u32 v0, v41;
	v57 =	vadd.s32 v34, v21  }
.Ltmp17:
0x105: {  	s28 =	simm.s32 $0x0;
	s0 =	sshll.u32 s12, $0x4;
	v59 =	vor.u32 v0, v42;
	v33 =	vand.u32 $0x1F80, v61;
	v32 =	vbroadcast v57, $0x0;
	(pc) =	sbr.rel @!p4 .LBB2_30-.Ltmp17, $4  }
0x106: {  	s1 =	sadd.s32 $0x0, s31;
	s2 =	sshll.u32 s2, $0x5;
	s0 =	sadd.s32 $0x0, s0;
	v37 =	vand.u32 $0x1F80, v62;
	v38 =	vand.u32 $0x1F80, v38;
	v39 =	vadd.s32 v39, v21;
	v34 =	vld.idx.msk [tilespmem:v35+s26+$0x0], $0xffff  }
0x107: {  	s1 =	sor.u32 $0x300, s1;
	s2 =	sadd.s32 $0x20, s2;
	s4 =	sadd.s32 $0x10, s0;
	v63 =	vand.u32 $0xF80, v58;
	v41 =	vand.u32 $0x1780, v59;
	v35 =	vld.idx.msk [tilespmem:v51+s26+$0x0], $0xffff;
	v32 =	vsel vm6, v20, v32  }
0x108: {  	s0 =	sadd.s32 $0x30, s0;
	s6 =	sor.u32 $0x300, s2;
	s5 =	sor.u32 $0x300, s4;
	v33 =	vadd.s32 v33, v21;
	v37 =	vadd.s32 v37, v21;
	v40 =	vadd.s32 v19, v63;
	[tilespmem:s1+$0x4000] =	vst v43  }
0x109: {  	s4 =	sor.u32 $0x300, s0;
	s0 =	simm.s32 $0x0;
	v38 =	vadd.s32 v19, v38;
	v36 =	vadd.s32 v19, v41;
	v33 =	vsel vm6, v40, v33;
	[tilespmem:s5+$0x4000] =	vst v60;
	s1 =	simm.s32 $0x20  }
.LBB2_31:
0x10a: {  	s2 =	sadd.s32 $0xFFFFFFD0, s30  }
0x10b: {  	v40 =	vmov s30;
	s21 =	sadd.s32 $0x4, s21;
	v36 =	vsel vm6, v36, v37;
	v37 =	vsel vm6, v38, v39;
	[tilespmem:s6+$0x4000] =	vst v34;
	s5 =	sadd.s32 $0xFFFFFFF0, s30;
	p3 =	por !p3, !p3  }
0x10c: {  	v34 =	vmov s2;
	s2 =	sadd.s32 $0xFFFFFFE0, s30;
	v38 =	vshll.u32 v40, $0x7;
	v39 =	vshll.u32 v40, $0x1;
	p4 =	slt.u32 s21, $0xFC;
	v40 =	vld.idx.msk [tilespmem:v32+s26+$0x0], $0xffff;
	[tilespmem:s4+$0x4000] =	vst v35;
	s4 =	simm.s32 $0x1  }
0x10d: {  	s0 =	sadd.s32 $0x4, s0;
	v35 =	vmov s5;
	v32 =	vshrl.u32 v34, $0x6;
	v34 =	vmov s2;
	s4 =	simm.s32 @!p3 $0x0  }
0x10e: {  	s29 =	sadd.s32 $0x200, s29;
	v42 =	vshll.u32 v35, $0x7;
	s2 =	sand.u32 $0x7, s0;
	v32 =	vshll.u32 v32, $0x7;
	v41 =	vshll.u32 v34, $0x7;
	s4 =	sshll.u32 s4, $0x6  }
0x10f: {  	v42 =	vor.u32 v0, v42;
	s2 =	sshll.u32 s2, $0x4;
	v32 =	vadd.s32 v32, v21;
	v41 =	vor.u32 v0, v41;
	v43 =	vld.idx.msk [tilespmem:v33+s26+$0x0], $0xffff;
	s4 =	sadd.s32 s4, s29  }
0x110: {  	s28 =	sadd.s32 $0x2, s28;
	v44 =	vshll.u32 v35, $0x1;
	v33 =	vshll.u32 v34, $0x1;
	s2 =	sadd.s32 s2, s29;
	v32 =	vbroadcast v32, $0x0;
	v34 =	vld.idx.msk [tilespmem:v36+s26+$0x0], $0xffff;
	s4 =	sor.u32 $0x300, s4  }
.Ltmp18:
0x111: {  	v38 =	vor.u32 v0, v38;
	v36 =	vand.u32 $0xF80, v41;
	v41 =	vand.u32 $0x1780, v42;
	s5 =	sadd.s32 $0x10, s2;
	s2 =	sadd.s32 $0x30, s2;
	v35 =	vld.idx.msk [tilespmem:v37+s26+$0x0], $0xffff;
	(pc) =	sbr.rel @p4 .LBB2_31-.Ltmp18, $4  }
0x112: {  	s6 =	sand.u32 $0x3, s28;
	v33 =	vand.u32 $0x1F80, v33;
	v37 =	vand.u32 $0x1F80, v44;
	s5 =	sor.u32 $0x300, s5;
	v32 =	vsel vm6, v20, v32;
	[tilespmem:s4+$0x4000] =	vst v40;
	s4 =	sor.u32 $0x300, s2  }
0x113: {  	s1 =	sadd.s32 $0x200, s1;
	v39 =	vand.u32 $0x1F80, v39;
	v38 =	vand.u32 $0x1F80, v38;
	v40 =	vadd.s32 v19, v36;
	s2 =	sshll.u32 s6, $0x5  }
0x114: {  	v33 =	vadd.s32 v33, v21;
	v36 =	vadd.s32 v19, v41;
	v37 =	vadd.s32 v37, v21;
	s2 =	sadd.s32 s2, s1  }
0x115: {  	s30 =	sadd.s32 $0x40, s30;
	v39 =	vadd.s32 v39, v21;
	v38 =	vadd.s32 v19, v38;
	v33 =	vsel vm6, v40, v33;
	s6 =	sor.u32 $0x300, s2;
	[tilespmem:s5+$0x4000] =	vst v43  }
.LBB2_32:
0x116: {  	s21 =	simm.s32 $0x0;
	s0 =	sadd.s32 @p2 $0x4, s0  }
0x117: {  	v36 =	vsel vm6, v36, v37;
	p3 =	por @p2 !p3, !p3;
	s2 =	simm.s32 $0x0;
	s5 =	sadd.s32 @p2 $0x200, s29  }
0x118: {  	v61 =	vsel vm6, v38, v39;
	s8 =	simm.s32 $0x0;
	[tilespmem:s6+$0x4000] =	vst @p2 v34;
	s1 =	sadd.s32 @p2 $0x200, s1;
	s6 =	simm.s32 $0x20  }
0x119: {  	s2 =	smov.u32 @p2 s0;
	p3 =	por @!p2 p0, p0;
	s0 =	simm.s32 $0x1  }
0x11a: {  	s8 =	smov.u32 @p2 s5;
	v32 =	vld.idx.msk [tilespmem:v32+s21+$0x0], $0xffff;
	s5 =	sadd.s32 @p2 $0x2, s28;
	s6 =	smov.u32 @p2 s1  }
0x11b: {  	v33 =	vld.idx.msk [tilespmem:v33+s21+$0x0], $0xffff;
	s0 =	simm.s32 @!p3 $0x0;
	s2 =	sand.u32 $0x7, s2;
	s22 =	smov.u32 @p2 s5  }
0x11c: {  	s0 =	sshll.u32 s0, $0x6;
	s2 =	sshll.u32 s2, $0x4;
	s5 =	sand.u32 $0x3, s22;
	v36 =	vld.idx.msk [tilespmem:v36+s21+$0x0], $0xffff  }
0x11d: {  	s0 =	sadd.s32 s0, s8;
	s2 =	sadd.s32 s2, s8;
	s5 =	sshll.u32 s5, $0x5;
	v62 =	vld.idx.msk [tilespmem:v61+s21+$0x0], $0xffff  }
.Ltmp19:
0x11e: {  	[tilespmem:s4+$0x4000] =	vst @p2 v35;
	s0 =	sor.u32 $0x300, s0;
	s28 =	sadd.s32 $0x10, s2;
	(pc) =	sbr.rel @!p1 .LBB2_33-.Ltmp19, $4  }
0x11f: {  	v25 =	vadd.s32 v25, v24;
	s1 =	sadd.s32 s5, s6;
	[tilespmem:s0+$0x4000] =	vst v32;
	s29 =	sor.u32 $0x300, s28  }
0x120: {  	v27 =	vadd.s32 v22, v27;
	v63 =	vadd.s32 v29, v24;
	v25 =	vbroadcast v25, $0x0;
	s2 =	sadd.s32 $0x30, s2;
	s30 =	sor.u32 $0x300, s1;
	[tilespmem:s29+$0x4000] =	vst v33  }
0x121: {  	v29 =	vadd.s32 v22, v26;
	v30 =	vadd.s32 v22, v30;
	v31 =	vadd.s32 v31, v24;
	s31 =	sor.u32 $0x300, s2;
	[tilespmem:s30+$0x4000] =	vst v36  }
0x122: {  	v26 =	vsel vm7, v27, v63;
	v25 =	vsel vm7, v23, v25;
	v32 =	vadd.s32 v28, v24;
	[tilespmem:s31+$0x4000] =	vst v62  }
0x123: {  	_ =	sdelay $0x1  }
0x124: {  	s0 =	sadd.s32 $0xFFFFFFD0, s24;
	s1 =	sadd.s32 $0xFFFFFFE0, s24;
	v27 =	vmov s24;
	v28 =	vsel vm7, v29, v32;
	v29 =	vsel vm7, v30, v31  }
0x125: {  	s29 =	sadd.s32 $0xFFFFFFF0, s24;
	v30 =	vmov s0;
	v31 =	vmov s1;
	v61 =	vshll.u32 v27, $0x7  }
0x126: {  	s22 =	simm.s32 $0x4;
	v36 =	vld.idx.msk [tilespmem:v25+s3+$0x0], $0xffff;
	v34 =	vmov s29;
	v63 =	vshll.u32 v27, $0x1;
	v30 =	vshrl.u32 v30, $0x6  }
0x127: {  	s30 =	sand.u32 $0x7, s21;
	p3 =	por $0x1, $0x1;
	s31 =	sshll.u32 s25, $0x6;
	v62 =	vld.idx.msk [tilespmem:v26+s3+$0x0], $0xffff;
	v33 =	vshll.u32 v31, $0x7;
	v35 =	vshll.u32 v34, $0x7;
	v26 =	vshll.u32 v34, $0x1  }
0x128: {  	s2 =	sand.u32 $0x3, s21;
	s26 =	sadd.s32 $0x40, s24;
	p1 =	por $0x1, $0x1;
	v32 =	vor.u32 v0, v61;
	v34 =	vand.u32 $0x1F80, v63;
	v30 =	vshll.u32 v30, $0x7  }
0x129: {  	s24 =	simm.s32 $0x0;
	p2 =	por $0x0, $0x0;
	s0 =	sshll.u32 s30, $0x4;
	v33 =	vor.u32 v0, v33;
	v26 =	vand.u32 $0x1F80, v26;
	v25 =	vadd.s32 v30, v24  }
.Ltmp20:
0x12a: {  	s1 =	sadd.s32 $0x0, s31;
	s0 =	sadd.s32 $0x0, s0;
	v37 =	vand.u32 $0x1F80, v32;
	v30 =	vshll.u32 v31, $0x1;
	v25 =	vbroadcast v25, $0x0;
	(pc) =	sbr.rel @!p3 .LBB2_35-.Ltmp20, $4  }
0x12b: {  	s2 =	sshll.u32 s2, $0x5;
	s1 =	sor.u32 $0x380, s1;
	s4 =	sadd.s32 $0x10, s0;
	v31 =	vor.u32 v0, v35;
	v33 =	vand.u32 $0xF80, v33;
	v32 =	vadd.s32 v26, v24;
	v27 =	vld.idx.msk [tilespmem:v28+s3+$0x0], $0xffff  }
0x12c: {  	s2 =	sadd.s32 $0x20, s2;
	s0 =	sadd.s32 $0x30, s0;
	s5 =	sor.u32 $0x380, s4;
	v31 =	vand.u32 $0x1780, v31;
	v30 =	vand.u32 $0x1F80, v30;
	v28 =	vld.idx.msk [tilespmem:v29+s3+$0x0], $0xffff;
	[tilespmem:s1+$0x4000] =	vst v36;
	v25 =	vsel vm7, v23, v25  }
0x12d: {  	s25 =	simm.s32 $0x0;
	s6 =	sor.u32 $0x380, s2;
	s4 =	sor.u32 $0x380, s0;
	v33 =	vadd.s32 v22, v33;
	[tilespmem:s5+$0x4000] =	vst v62;
	v30 =	vadd.s32 v30, v24;
	v29 =	vadd.s32 v22, v31  }
0x12e: {  	s0 =	simm.s32 $0x0;
	s1 =	simm.s32 $0x20;
	v31 =	vadd.s32 v34, v24;
	s12 =	rddreg [dreg:$0x9];
	v26 =	vsel vm7, v33, v30;
	v30 =	vadd.s32 v22, v37  }
.LBB2_36:
0x12f: {  	s2 =	sadd.s32 $0xFFFFFFD0, s26  }
0x130: {  	s5 =	sadd.s32 $0xFFFFFFE0, s26;
	v33 =	vmov s26;
	s22 =	sadd.s32 $0x4, s22;
	v29 =	vsel vm7, v29, v32;
	v30 =	vsel vm7, v30, v31;
	[tilespmem:s6+$0x4000] =	vst v27;
	p2 =	por !p2, !p2  }
0x131: {  	v27 =	vmov s2;
	v31 =	vmov s5;
	s2 =	sadd.s32 $0xFFFFFFF0, s26;
	v32 =	vshll.u32 v33, $0x7;
	p3 =	slt.u32 s22, $0xFC;
	v34 =	vld.idx.msk [tilespmem:v25+s3+$0x0], $0xffff;
	[tilespmem:s4+$0x4000] =	vst v28;
	s4 =	simm.s32 $0x1  }
0x132: {  	s24 =	sadd.s32 $0x4, s24;
	v25 =	vshrl.u32 v27, $0x6;
	v27 =	vshll.u32 v31, $0x7;
	v28 =	vmov s2;
	s4 =	simm.s32 @!p2 $0x0  }
0x133: {  	s0 =	sadd.s32 $0x200, s0;
	s2 =	sand.u32 $0x7, s24;
	v25 =	vshll.u32 v25, $0x7;
	v35 =	vor.u32 v0, v27;
	v27 =	vshll.u32 v28, $0x7;
	s4 =	sshll.u32 s4, $0x6  }
0x134: {  	v31 =	vshll.u32 v31, $0x1;
	s2 =	sshll.u32 s2, $0x4;
	v25 =	vadd.s32 v25, v24;
	v36 =	vor.u32 v0, v27;
	v37 =	vld.idx.msk [tilespmem:v26+s3+$0x0], $0xffff;
	s4 =	sadd.s32 s4, s0  }
0x135: {  	s25 =	sadd.s32 $0x2, s25;
	v32 =	vor.u32 v0, v32;
	v26 =	vshll.u32 v28, $0x1;
	s2 =	sadd.s32 s2, s0;
	v25 =	vbroadcast v25, $0x0;
	v27 =	vld.idx.msk [tilespmem:v29+s3+$0x0], $0xffff;
	s4 =	sor.u32 $0x380, s4  }
.Ltmp21:
0x136: {  	v33 =	vshll.u32 v33, $0x1;
	v29 =	vand.u32 $0xF80, v35;
	v35 =	vand.u32 $0x1780, v36;
	s5 =	sadd.s32 $0x10, s2;
	s2 =	sadd.s32 $0x30, s2;
	v28 =	vld.idx.msk [tilespmem:v30+s3+$0x0], $0xffff;
	(pc) =	sbr.rel @p3 .LBB2_36-.Ltmp21, $4  }
0x137: {  	s6 =	sand.u32 $0x3, s25;
	v26 =	vand.u32 $0x1F80, v26;
	v30 =	vand.u32 $0x1F80, v31;
	s5 =	sor.u32 $0x380, s5;
	v25 =	vsel vm7, v23, v25;
	[tilespmem:s4+$0x4000] =	vst v34;
	s4 =	sor.u32 $0x380, s2  }
0x138: {  	s1 =	sadd.s32 $0x200, s1;
	v33 =	vand.u32 $0x1F80, v33;
	v31 =	vadd.s32 v22, v29;
	v34 =	vand.u32 $0x1F80, v32;
	s2 =	sshll.u32 s6, $0x5  }
0x139: {  	v29 =	vadd.s32 v22, v35;
	v30 =	vadd.s32 v30, v24;
	v32 =	vadd.s32 v26, v24;
	s2 =	sadd.s32 s2, s1  }
0x13a: {  	s26 =	sadd.s32 $0x40, s26;
	v26 =	vsel vm7, v31, v30;
	v30 =	vadd.s32 v22, v34;
	v31 =	vadd.s32 v33, v24;
	s6 =	sor.u32 $0x380, s2;
	[tilespmem:s5+$0x4000] =	vst v37  }
.LBB2_37:
0x13b: {  	_ = 	snop  }
0x13c: {  	s2 =	sadd.s32 @p1 $0x4, s24;
	s5 =	simm.s32 $0x0;
	v29 =	vsel vm7, v29, v32;
	p2 =	por @p1 !p2, !p2  }
0x13d: {  	v30 =	vsel vm7, v30, v31;
	s0 =	sadd.s32 @p1 $0x200, s0;
	s8 =	simm.s32 $0x0;
	s10 =	simm.s32 $0x0  }
0x13e: {  	s1 =	sadd.s32 @p1 $0x200, s1;
	s5 =	smov.u32 @p1 s2;
	p2 =	por @!p1 p0, p0  }
0x13f: {  	v25 =	vld.idx.msk [tilespmem:v25+s3+$0x0], $0xffff;
	s8 =	smov.u32 @p1 s0;
	s2 =	sand.u32 $0x7, s5;
	s5 =	simm.s32 $0x1  }
0x140: {  	v26 =	vld.idx.msk [tilespmem:v26+s3+$0x0], $0xffff;
	s0 =	sadd.s32 @p1 $0x2, s25;
	s23 =	smov.u32 @p1 s1;
	s5 =	simm.s32 @!p2 $0x0  }
0x141: {  	s10 =	smov.u32 @p1 s0;
	s2 =	sshll.u32 s2, $0x4;
	s5 =	sshll.u32 s5, $0x6;
	v29 =	vld.idx.msk [tilespmem:v29+s3+$0x0], $0xffff  }
0x142: {  	[tilespmem:s6+$0x4000] =	vst @p1 v27;
	s25 =	sand.u32 $0x3, s10;
	s2 =	sadd.s32 s2, s8;
	s5 =	sadd.s32 s5, s8;
	v27 =	vld.idx.msk [tilespmem:v30+s3+$0x0], $0xffff  }
0x143: {  	[tilespmem:s4+$0x4000] =	vst @p1 v28;
	s26 =	sadd.s32 $0x10, s2;
	s24 =	sor.u32 $0x380, s5;
	s5 =	sshll.u32 s25, $0x5  }
0x144: {  	s28 =	sor.u32 $0x380, s26;
	[tilespmem:s24+$0x4000] =	vst v25;
	s1 =	sadd.s32 s5, s23  }
0x145: {  	s2 =	sadd.s32 $0x30, s2;
	[tilespmem:s28+$0x4000] =	vst v26;
	s29 =	sor.u32 $0x380, s1  }
0x146: {  	s30 =	sor.u32 $0x380, s2;
	[tilespmem:s29+$0x4000] =	vst v29  }
0x147: {  	[tilespmem:s30+$0x4000] =	vst v27  }
0x148: {  	s0 =	rddreg [dreg:$0x5]  }
0x149: {  	[tilespmem:s20], [sflag:$0x1] =	stream.linear.gather [hbm4b:s0+s21], $0x8000, $0x38;
	[tilespmem:$0x1C000] =	vst v63  }
0x14a: {  	s31 =	rddreg [dreg:$0x6]  }
0x14b: {  	[tilespmem:s16], [sflag:$0x2] =	stream.linear.gather [hbm4b:s31+s21], $0x8000, $0x38;
	[tilespmem:$0x1C000] =	vst v63  }
.LBB2_38:
0x14c: {  	_ =	swait.ge [sflag:s14], $0x8000  }
0x14d: {  	[sflag:s14] =	ssyncset.done $0x0  }
0x14e: {  	s0 =	simm.s32 $0xC040;
	[sflag:s14] =	ssyncadd.s32 $0xFFFF8000  }
0x14f: {  	s1 =	simm.s32 $0x4040;
	v26 =	vld [tilespmem:s0+$0x30]  }
0x150: {  	v27 =	vld [tilespmem:s1+$0x30]  }
0x151: {  	v25 =	vld [tilespmem:s1+$0xFFFFFFC0]  }
0x152: {  	v28 =	vld [tilespmem:s0+$0xFFFFFFD0]  }
0x153: {  	v29 =	vld [tilespmem:s1+$0xFFFFFFD0]  }
0x154: {  	v30 =	vld [tilespmem:s0+$0xFFFFFFE0]  }
0x155: {  	v31 =	vld [tilespmem:s1+$0xFFFFFFE0]  }
0x156: {  	v32 =	vld [tilespmem:s0+$0xFFFFFFF0]  }
0x157: {  	v33 =	vld [tilespmem:s1+$0xFFFFFFF0]  }
0x158: {  	v34 =	vld [tilespmem:s0+$0x0]  }
0x159: {  	v35 =	vld [tilespmem:s1+$0x0];
	v27 =	vadd.f32 v27, v26  }
0x15a: {  	v29 =	vadd.f32 v29, v28;
	v26 =	vld [tilespmem:s0+$0x10]  }
0x15b: {  	v30 =	vadd.f32 v31, v30;
	v28 =	vld [tilespmem:s1+$0x10];
	[tilespmem:s0+$0x30] =	vst v27  }
0x15c: {  	v31 =	vadd.f32 v33, v32;
	[tilespmem:s0+$0xFFFFFFD0] =	vst v29;
	v27 =	vld [tilespmem:s0+$0x20]  }
0x15d: {  	s4 =	simm.s32 $0x0;
	[tilespmem:s0+$0xFFFFFFE0] =	vst v30;
	v29 =	vld [tilespmem:s1+$0x20]  }
0x15e: {  	s24 =	simm.s32 $0x40F0;
	s22 =	simm.s32 $0xC0F0;
	s6 =	simm.s32 $0xC440;
	v30 =	vld [tilespmem:s0+$0xFFFFFFC0];
	[tilespmem:s0+$0xFFFFFFF0] =	vst v31;
	v31 =	vadd.f32 v35, v34  }
.LBB2_39:
0x15f: {  	v32 =	vld [tilespmem:s6+$0x30];
	s1 =	sadd.s32 $0x400, s1  }
0x160: {  	s4 =	sadd.s32 $0x8, s4;
	v33 =	vld [tilespmem:s1+$0x30];
	[tilespmem:s0+$0x0] =	vst v31;
	v26 =	vadd.f32 v28, v26  }
0x161: {  	p0 =	slt.u32 s4, $0xF8;
	v28 =	vld [tilespmem:s1+$0xFFFFFFC0]  }
0x162: {  	v31 =	vld [tilespmem:s6+$0xFFFFFFD0];
	[tilespmem:s0+$0x10] =	vst v26;
	v26 =	vadd.f32 v29, v27  }
0x163: {  	v27 =	vld [tilespmem:s1+$0xFFFFFFD0];
	v34 =	vadd.f32 v25, v30  }
0x164: {  	v29 =	vld [tilespmem:s6+$0xFFFFFFE0];
	[tilespmem:s0+$0x20] =	vst v26  }
0x165: {  	v26 =	vld [tilespmem:s1+$0xFFFFFFE0];
	v30 =	vadd.f32 v33, v32;
	[tilespmem:s0+$0xFFFFFFC0] =	vst v34;
	s0 =	smov.u32 s6  }
0x166: {  	v32 =	vld [tilespmem:s6+$0xFFFFFFF0];
	v25 =	vmov v28  }
0x167: {  	v33 =	vld [tilespmem:s1+$0xFFFFFFF0];
	[tilespmem:s6+$0x30] =	vst v30  }
0x168: {  	v27 =	vadd.f32 v27, v31;
	v31 =	vld [tilespmem:s6+$0x0]  }
0x169: {  	v34 =	vld [tilespmem:s1+$0x0]  }
.Ltmp22:
0x16a: {  	[tilespmem:s6+$0xFFFFFFD0] =	vst v27;
	v27 =	vadd.f32 v26, v29;
	v26 =	vld [tilespmem:s6+$0x10];
	(pc) =	sbr.rel @p0 .LBB2_39-.Ltmp22, $4  }
0x16b: {  	v28 =	vld [tilespmem:s1+$0x10]  }
0x16c: {  	[tilespmem:s6+$0xFFFFFFE0] =	vst v27;
	v32 =	vadd.f32 v33, v32;
	v27 =	vld [tilespmem:s6+$0x20]  }
0x16d: {  	v29 =	vld [tilespmem:s1+$0x20]  }
0x16e: {  	s6 =	sadd.s32 $0x400, s6;
	v30 =	vld [tilespmem:s0+$0xFFFFFFC0];
	[tilespmem:s0+$0xFFFFFFF0] =	vst v32;
	v31 =	vadd.f32 v34, v31  }
0x16f: {  	_ =	sdelay $0x1  }
0x170: {  	v26 =	vadd.f32 v28, v26  }
0x171: {  	[tilespmem:s0+$0x0] =	vst v31;
	v27 =	vadd.f32 v29, v27  }
0x172: {  	[tilespmem:s0+$0x10] =	vst v26;
	v25 =	vadd.f32 v25, v30  }
0x173: {  	[tilespmem:s0+$0x20] =	vst v27  }
0x174: {  	[tilespmem:s0+$0xFFFFFFC0] =	vst v25  }
0x175: {  	v26 =	vld [tilespmem:s22+$0x0]  }
0x176: {  	v27 =	vld [tilespmem:s24+$0x0]  }
0x177: {  	v25 =	vld [tilespmem:s24+$0xFFFFFF90]  }
0x178: {  	v28 =	vld [tilespmem:s22+$0xFFFFFFA0]  }
0x179: {  	v29 =	vld [tilespmem:s24+$0xFFFFFFA0]  }
0x17a: {  	v30 =	vld [tilespmem:s22+$0xFFFFFFB0]  }
0x17b: {  	v31 =	vld [tilespmem:s24+$0xFFFFFFB0]  }
0x17c: {  	v32 =	vld [tilespmem:s22+$0xFFFFFFC0]  }
0x17d: {  	v33 =	vld [tilespmem:s24+$0xFFFFFFC0]  }
0x17e: {  	v34 =	vld [tilespmem:s22+$0xFFFFFFD0]  }
0x17f: {  	v35 =	vld [tilespmem:s24+$0xFFFFFFD0];
	v27 =	vadd.f32 v27, v26  }
0x180: {  	v29 =	vadd.f32 v29, v28;
	v26 =	vld [tilespmem:s22+$0xFFFFFFE0]  }
0x181: {  	v30 =	vadd.f32 v31, v30;
	v28 =	vld [tilespmem:s24+$0xFFFFFFE0];
	[tilespmem:s22+$0x0] =	vst v27  }
0x182: {  	v31 =	vadd.f32 v33, v32;
	[tilespmem:s22+$0xFFFFFFA0] =	vst v29;
	v27 =	vld [tilespmem:s22+$0xFFFFFFF0]  }
0x183: {  	s25 =	simm.s32 $0x4170;
	[tilespmem:s22+$0xFFFFFFB0] =	vst v30;
	v29 =	vld [tilespmem:s24+$0xFFFFFFF0]  }
0x184: {  	s23 =	simm.s32 $0xC170;
	s1 =	simm.s32 $0xC4F0;
	s0 =	simm.s32 $0x0;
	v30 =	vld [tilespmem:s22+$0xFFFFFF90];
	[tilespmem:s22+$0xFFFFFFC0] =	vst v31;
	v31 =	vadd.f32 v35, v34  }
.LBB2_41:
0x185: {  	v32 =	vld [tilespmem:s1+$0x0];
	s24 =	sadd.s32 $0x400, s24  }
0x186: {  	s0 =	sadd.s32 $0x8, s0;
	v33 =	vld [tilespmem:s24+$0x0];
	[tilespmem:s22+$0xFFFFFFD0] =	vst v31;
	v26 =	vadd.f32 v28, v26  }
0x187: {  	p0 =	slt.u32 s0, $0xF8;
	v28 =	vld [tilespmem:s24+$0xFFFFFF90]  }
0x188: {  	v31 =	vld [tilespmem:s1+$0xFFFFFFA0];
	[tilespmem:s22+$0xFFFFFFE0] =	vst v26;
	v26 =	vadd.f32 v29, v27  }
0x189: {  	v27 =	vld [tilespmem:s24+$0xFFFFFFA0];
	v34 =	vadd.f32 v25, v30  }
0x18a: {  	v29 =	vld [tilespmem:s1+$0xFFFFFFB0];
	[tilespmem:s22+$0xFFFFFFF0] =	vst v26  }
0x18b: {  	v26 =	vld [tilespmem:s24+$0xFFFFFFB0];
	v30 =	vadd.f32 v33, v32;
	[tilespmem:s22+$0xFFFFFF90] =	vst v34;
	s22 =	smov.u32 s1  }
0x18c: {  	v32 =	vld [tilespmem:s1+$0xFFFFFFC0];
	v25 =	vmov v28  }
0x18d: {  	v33 =	vld [tilespmem:s24+$0xFFFFFFC0];
	[tilespmem:s1+$0x0] =	vst v30  }
0x18e: {  	v27 =	vadd.f32 v27, v31;
	v31 =	vld [tilespmem:s1+$0xFFFFFFD0]  }
0x18f: {  	v34 =	vld [tilespmem:s24+$0xFFFFFFD0]  }
.Ltmp23:
0x190: {  	[tilespmem:s1+$0xFFFFFFA0] =	vst v27;
	v27 =	vadd.f32 v26, v29;
	v26 =	vld [tilespmem:s1+$0xFFFFFFE0];
	(pc) =	sbr.rel @p0 .LBB2_41-.Ltmp23, $4  }
0x191: {  	v28 =	vld [tilespmem:s24+$0xFFFFFFE0]  }
0x192: {  	[tilespmem:s1+$0xFFFFFFB0] =	vst v27;
	v32 =	vadd.f32 v33, v32;
	v27 =	vld [tilespmem:s1+$0xFFFFFFF0]  }
0x193: {  	v29 =	vld [tilespmem:s24+$0xFFFFFFF0]  }
0x194: {  	s1 =	sadd.s32 $0x400, s1;
	v30 =	vld [tilespmem:s22+$0xFFFFFF90];
	[tilespmem:s22+$0xFFFFFFC0] =	vst v32;
	v31 =	vadd.f32 v34, v31  }
0x195: {  	_ =	sdelay $0x1  }
0x196: {  	v26 =	vadd.f32 v28, v26  }
0x197: {  	[tilespmem:s22+$0xFFFFFFD0] =	vst v31;
	v27 =	vadd.f32 v29, v27  }
0x198: {  	[tilespmem:s22+$0xFFFFFFE0] =	vst v26;
	v25 =	vadd.f32 v25, v30  }
0x199: {  	[tilespmem:s22+$0xFFFFFFF0] =	vst v27  }
0x19a: {  	[tilespmem:s22+$0xFFFFFF90] =	vst v25  }
0x19b: {  	v26 =	vld [tilespmem:s23+$0x0]  }
0x19c: {  	v27 =	vld [tilespmem:s25+$0x0]  }
0x19d: {  	v25 =	vld [tilespmem:s25+$0xFFFFFF90]  }
0x19e: {  	v28 =	vld [tilespmem:s23+$0xFFFFFFA0]  }
0x19f: {  	v29 =	vld [tilespmem:s25+$0xFFFFFFA0]  }
0x1a0: {  	v30 =	vld [tilespmem:s23+$0xFFFFFFB0]  }
0x1a1: {  	v31 =	vld [tilespmem:s25+$0xFFFFFFB0]  }
0x1a2: {  	v32 =	vld [tilespmem:s23+$0xFFFFFFC0]  }
0x1a3: {  	v33 =	vld [tilespmem:s25+$0xFFFFFFC0]  }
0x1a4: {  	v34 =	vld [tilespmem:s23+$0xFFFFFFD0]  }
0x1a5: {  	v35 =	vld [tilespmem:s25+$0xFFFFFFD0];
	v27 =	vadd.f32 v27, v26  }
0x1a6: {  	v29 =	vadd.f32 v29, v28;
	v26 =	vld [tilespmem:s23+$0xFFFFFFE0]  }
0x1a7: {  	v30 =	vadd.f32 v31, v30;
	v28 =	vld [tilespmem:s25+$0xFFFFFFE0];
	[tilespmem:s23+$0x0] =	vst v27  }
0x1a8: {  	v31 =	vadd.f32 v33, v32;
	[tilespmem:s23+$0xFFFFFFA0] =	vst v29;
	v27 =	vld [tilespmem:s23+$0xFFFFFFF0]  }
0x1a9: {  	s0 =	simm.s32 $0x0;
	[tilespmem:s23+$0xFFFFFFB0] =	vst v30;
	v29 =	vld [tilespmem:s25+$0xFFFFFFF0]  }
0x1aa: {  	s24 =	simm.s32 $0x41F0;
	s1 =	simm.s32 $0xC570;
	s22 =	simm.s32 $0xC1F0;
	v30 =	vld [tilespmem:s23+$0xFFFFFF90];
	[tilespmem:s23+$0xFFFFFFC0] =	vst v31;
	v31 =	vadd.f32 v35, v34  }
.LBB2_43:
0x1ab: {  	v32 =	vld [tilespmem:s1+$0x0];
	s25 =	sadd.s32 $0x400, s25  }
0x1ac: {  	s0 =	sadd.s32 $0x8, s0;
	v33 =	vld [tilespmem:s25+$0x0];
	[tilespmem:s23+$0xFFFFFFD0] =	vst v31;
	v26 =	vadd.f32 v28, v26  }
0x1ad: {  	p0 =	slt.u32 s0, $0xF8;
	v28 =	vld [tilespmem:s25+$0xFFFFFF90]  }
0x1ae: {  	v31 =	vld [tilespmem:s1+$0xFFFFFFA0];
	[tilespmem:s23+$0xFFFFFFE0] =	vst v26;
	v26 =	vadd.f32 v29, v27  }
0x1af: {  	v27 =	vld [tilespmem:s25+$0xFFFFFFA0];
	v34 =	vadd.f32 v25, v30  }
0x1b0: {  	v29 =	vld [tilespmem:s1+$0xFFFFFFB0];
	[tilespmem:s23+$0xFFFFFFF0] =	vst v26  }
0x1b1: {  	v26 =	vld [tilespmem:s25+$0xFFFFFFB0];
	v30 =	vadd.f32 v33, v32;
	[tilespmem:s23+$0xFFFFFF90] =	vst v34;
	s23 =	smov.u32 s1  }
0x1b2: {  	v32 =	vld [tilespmem:s1+$0xFFFFFFC0];
	v25 =	vmov v28  }
0x1b3: {  	v33 =	vld [tilespmem:s25+$0xFFFFFFC0];
	[tilespmem:s1+$0x0] =	vst v30  }
0x1b4: {  	v27 =	vadd.f32 v27, v31;
	v31 =	vld [tilespmem:s1+$0xFFFFFFD0]  }
0x1b5: {  	v34 =	vld [tilespmem:s25+$0xFFFFFFD0]  }
.Ltmp24:
0x1b6: {  	[tilespmem:s1+$0xFFFFFFA0] =	vst v27;
	v27 =	vadd.f32 v26, v29;
	v26 =	vld [tilespmem:s1+$0xFFFFFFE0];
	(pc) =	sbr.rel @p0 .LBB2_43-.Ltmp24, $4  }
0x1b7: {  	v28 =	vld [tilespmem:s25+$0xFFFFFFE0]  }
0x1b8: {  	[tilespmem:s1+$0xFFFFFFB0] =	vst v27;
	v32 =	vadd.f32 v33, v32;
	v27 =	vld [tilespmem:s1+$0xFFFFFFF0]  }
0x1b9: {  	v29 =	vld [tilespmem:s25+$0xFFFFFFF0]  }
0x1ba: {  	s1 =	sadd.s32 $0x400, s1;
	v30 =	vld [tilespmem:s23+$0xFFFFFF90];
	[tilespmem:s23+$0xFFFFFFC0] =	vst v32;
	v31 =	vadd.f32 v34, v31  }
0x1bb: {  	_ =	sdelay $0x1  }
0x1bc: {  	v26 =	vadd.f32 v28, v26  }
0x1bd: {  	[tilespmem:s23+$0xFFFFFFD0] =	vst v31;
	v27 =	vadd.f32 v29, v27  }
0x1be: {  	[tilespmem:s23+$0xFFFFFFE0] =	vst v26;
	v25 =	vadd.f32 v25, v30  }
0x1bf: {  	[tilespmem:s23+$0xFFFFFFF0] =	vst v27  }
0x1c0: {  	[tilespmem:s23+$0xFFFFFF90] =	vst v25  }
0x1c1: {  	v26 =	vld [tilespmem:s22+$0x0]  }
0x1c2: {  	v27 =	vld [tilespmem:s24+$0x0]  }
0x1c3: {  	v25 =	vld [tilespmem:s24+$0xFFFFFF90]  }
0x1c4: {  	v28 =	vld [tilespmem:s22+$0xFFFFFFA0]  }
0x1c5: {  	v29 =	vld [tilespmem:s24+$0xFFFFFFA0]  }
0x1c6: {  	v30 =	vld [tilespmem:s22+$0xFFFFFFB0]  }
0x1c7: {  	v31 =	vld [tilespmem:s24+$0xFFFFFFB0]  }
0x1c8: {  	v32 =	vld [tilespmem:s22+$0xFFFFFFC0]  }
0x1c9: {  	v33 =	vld [tilespmem:s24+$0xFFFFFFC0]  }
0x1ca: {  	v34 =	vld [tilespmem:s22+$0xFFFFFFD0]  }
0x1cb: {  	v35 =	vld [tilespmem:s24+$0xFFFFFFD0];
	v27 =	vadd.f32 v27, v26  }
0x1cc: {  	v29 =	vadd.f32 v29, v28;
	v26 =	vld [tilespmem:s22+$0xFFFFFFE0]  }
0x1cd: {  	v30 =	vadd.f32 v31, v30;
	v28 =	vld [tilespmem:s24+$0xFFFFFFE0];
	[tilespmem:s22+$0x0] =	vst v27  }
0x1ce: {  	v31 =	vadd.f32 v33, v32;
	[tilespmem:s22+$0xFFFFFFA0] =	vst v29;
	v27 =	vld [tilespmem:s22+$0xFFFFFFF0]  }
0x1cf: {  	s0 =	simm.s32 $0x0;
	[tilespmem:s22+$0xFFFFFFB0] =	vst v30;
	v29 =	vld [tilespmem:s24+$0xFFFFFFF0]  }
0x1d0: {  	s25 =	simm.s32 $0x4270;
	s1 =	simm.s32 $0xC5F0;
	s23 =	simm.s32 $0xC270;
	v30 =	vld [tilespmem:s22+$0xFFFFFF90];
	[tilespmem:s22+$0xFFFFFFC0] =	vst v31;
	v31 =	vadd.f32 v35, v34  }
.LBB2_45:
0x1d1: {  	v32 =	vld [tilespmem:s1+$0x0];
	s24 =	sadd.s32 $0x400, s24  }
0x1d2: {  	s0 =	sadd.s32 $0x8, s0;
	v33 =	vld [tilespmem:s24+$0x0];
	[tilespmem:s22+$0xFFFFFFD0] =	vst v31;
	v26 =	vadd.f32 v28, v26  }
0x1d3: {  	p0 =	slt.u32 s0, $0xF8;
	v28 =	vld [tilespmem:s24+$0xFFFFFF90]  }
0x1d4: {  	v31 =	vld [tilespmem:s1+$0xFFFFFFA0];
	[tilespmem:s22+$0xFFFFFFE0] =	vst v26;
	v26 =	vadd.f32 v29, v27  }
0x1d5: {  	v27 =	vld [tilespmem:s24+$0xFFFFFFA0];
	v34 =	vadd.f32 v25, v30  }
0x1d6: {  	v29 =	vld [tilespmem:s1+$0xFFFFFFB0];
	[tilespmem:s22+$0xFFFFFFF0] =	vst v26  }
0x1d7: {  	v26 =	vld [tilespmem:s24+$0xFFFFFFB0];
	v30 =	vadd.f32 v33, v32;
	[tilespmem:s22+$0xFFFFFF90] =	vst v34;
	s22 =	smov.u32 s1  }
0x1d8: {  	v32 =	vld [tilespmem:s1+$0xFFFFFFC0];
	v25 =	vmov v28  }
0x1d9: {  	v33 =	vld [tilespmem:s24+$0xFFFFFFC0];
	[tilespmem:s1+$0x0] =	vst v30  }
0x1da: {  	v27 =	vadd.f32 v27, v31;
	v31 =	vld [tilespmem:s1+$0xFFFFFFD0]  }
0x1db: {  	v34 =	vld [tilespmem:s24+$0xFFFFFFD0]  }
.Ltmp25:
0x1dc: {  	[tilespmem:s1+$0xFFFFFFA0] =	vst v27;
	v27 =	vadd.f32 v26, v29;
	v26 =	vld [tilespmem:s1+$0xFFFFFFE0];
	(pc) =	sbr.rel @p0 .LBB2_45-.Ltmp25, $4  }
0x1dd: {  	v28 =	vld [tilespmem:s24+$0xFFFFFFE0]  }
0x1de: {  	[tilespmem:s1+$0xFFFFFFB0] =	vst v27;
	v32 =	vadd.f32 v33, v32;
	v27 =	vld [tilespmem:s1+$0xFFFFFFF0]  }
0x1df: {  	v29 =	vld [tilespmem:s24+$0xFFFFFFF0]  }
0x1e0: {  	s1 =	sadd.s32 $0x400, s1;
	v30 =	vld [tilespmem:s22+$0xFFFFFF90];
	[tilespmem:s22+$0xFFFFFFC0] =	vst v32;
	v31 =	vadd.f32 v34, v31  }
0x1e1: {  	_ =	sdelay $0x1  }
0x1e2: {  	v26 =	vadd.f32 v28, v26  }
0x1e3: {  	[tilespmem:s22+$0xFFFFFFD0] =	vst v31;
	v27 =	vadd.f32 v29, v27  }
0x1e4: {  	[tilespmem:s22+$0xFFFFFFE0] =	vst v26;
	v25 =	vadd.f32 v25, v30  }
0x1e5: {  	[tilespmem:s22+$0xFFFFFFF0] =	vst v27  }
0x1e6: {  	[tilespmem:s22+$0xFFFFFF90] =	vst v25  }
0x1e7: {  	v26 =	vld [tilespmem:s23+$0x0]  }
0x1e8: {  	v27 =	vld [tilespmem:s25+$0x0]  }
0x1e9: {  	v25 =	vld [tilespmem:s25+$0xFFFFFF90]  }
0x1ea: {  	v28 =	vld [tilespmem:s23+$0xFFFFFFA0]  }
0x1eb: {  	v29 =	vld [tilespmem:s25+$0xFFFFFFA0]  }
0x1ec: {  	v30 =	vld [tilespmem:s23+$0xFFFFFFB0]  }
0x1ed: {  	v31 =	vld [tilespmem:s25+$0xFFFFFFB0]  }
0x1ee: {  	v32 =	vld [tilespmem:s23+$0xFFFFFFC0]  }
0x1ef: {  	v33 =	vld [tilespmem:s25+$0xFFFFFFC0]  }
0x1f0: {  	v34 =	vld [tilespmem:s23+$0xFFFFFFD0]  }
0x1f1: {  	v35 =	vld [tilespmem:s25+$0xFFFFFFD0];
	v27 =	vadd.f32 v27, v26  }
0x1f2: {  	v29 =	vadd.f32 v29, v28;
	v26 =	vld [tilespmem:s23+$0xFFFFFFE0]  }
0x1f3: {  	v30 =	vadd.f32 v31, v30;
	v28 =	vld [tilespmem:s25+$0xFFFFFFE0];
	[tilespmem:s23+$0x0] =	vst v27  }
0x1f4: {  	v31 =	vadd.f32 v33, v32;
	[tilespmem:s23+$0xFFFFFFA0] =	vst v29;
	v27 =	vld [tilespmem:s23+$0xFFFFFFF0]  }
0x1f5: {  	s0 =	simm.s32 $0x0;
	[tilespmem:s23+$0xFFFFFFB0] =	vst v30;
	v29 =	vld [tilespmem:s25+$0xFFFFFFF0]  }
0x1f6: {  	s24 =	simm.s32 $0x42F0;
	s1 =	simm.s32 $0xC670;
	s22 =	simm.s32 $0xC2F0;
	v30 =	vld [tilespmem:s23+$0xFFFFFF90];
	[tilespmem:s23+$0xFFFFFFC0] =	vst v31;
	v31 =	vadd.f32 v35, v34  }
.LBB2_47:
0x1f7: {  	v32 =	vld [tilespmem:s1+$0x0];
	s25 =	sadd.s32 $0x400, s25  }
0x1f8: {  	s0 =	sadd.s32 $0x8, s0;
	v33 =	vld [tilespmem:s25+$0x0];
	[tilespmem:s23+$0xFFFFFFD0] =	vst v31;
	v26 =	vadd.f32 v28, v26  }
0x1f9: {  	p0 =	slt.u32 s0, $0xF8;
	v28 =	vld [tilespmem:s25+$0xFFFFFF90]  }
0x1fa: {  	v31 =	vld [tilespmem:s1+$0xFFFFFFA0];
	[tilespmem:s23+$0xFFFFFFE0] =	vst v26;
	v26 =	vadd.f32 v29, v27  }
0x1fb: {  	v27 =	vld [tilespmem:s25+$0xFFFFFFA0];
	v34 =	vadd.f32 v25, v30  }
0x1fc: {  	v29 =	vld [tilespmem:s1+$0xFFFFFFB0];
	[tilespmem:s23+$0xFFFFFFF0] =	vst v26  }
0x1fd: {  	v26 =	vld [tilespmem:s25+$0xFFFFFFB0];
	v30 =	vadd.f32 v33, v32;
	[tilespmem:s23+$0xFFFFFF90] =	vst v34;
	s23 =	smov.u32 s1  }
0x1fe: {  	v32 =	vld [tilespmem:s1+$0xFFFFFFC0];
	v25 =	vmov v28  }
0x1ff: {  	v33 =	vld [tilespmem:s25+$0xFFFFFFC0];
	[tilespmem:s1+$0x0] =	vst v30  }
0x200: {  	v27 =	vadd.f32 v27, v31;
	v31 =	vld [tilespmem:s1+$0xFFFFFFD0]  }
0x201: {  	v34 =	vld [tilespmem:s25+$0xFFFFFFD0]  }
.Ltmp26:
0x202: {  	[tilespmem:s1+$0xFFFFFFA0] =	vst v27;
	v27 =	vadd.f32 v26, v29;
	v26 =	vld [tilespmem:s1+$0xFFFFFFE0];
	(pc) =	sbr.rel @p0 .LBB2_47-.Ltmp26, $4  }
0x203: {  	v28 =	vld [tilespmem:s25+$0xFFFFFFE0]  }
0x204: {  	[tilespmem:s1+$0xFFFFFFB0] =	vst v27;
	v32 =	vadd.f32 v33, v32;
	v27 =	vld [tilespmem:s1+$0xFFFFFFF0]  }
0x205: {  	v29 =	vld [tilespmem:s25+$0xFFFFFFF0]  }
0x206: {  	s1 =	sadd.s32 $0x400, s1;
	v30 =	vld [tilespmem:s23+$0xFFFFFF90];
	[tilespmem:s23+$0xFFFFFFC0] =	vst v32;
	v31 =	vadd.f32 v34, v31  }
0x207: {  	_ =	sdelay $0x1  }
0x208: {  	v26 =	vadd.f32 v28, v26  }
0x209: {  	[tilespmem:s23+$0xFFFFFFD0] =	vst v31;
	v27 =	vadd.f32 v29, v27  }
0x20a: {  	[tilespmem:s23+$0xFFFFFFE0] =	vst v26;
	v25 =	vadd.f32 v25, v30  }
0x20b: {  	[tilespmem:s23+$0xFFFFFFF0] =	vst v27  }
0x20c: {  	[tilespmem:s23+$0xFFFFFF90] =	vst v25  }
0x20d: {  	v26 =	vld [tilespmem:s22+$0x0]  }
0x20e: {  	v27 =	vld [tilespmem:s24+$0x0]  }
0x20f: {  	v25 =	vld [tilespmem:s24+$0xFFFFFF90]  }
0x210: {  	v28 =	vld [tilespmem:s22+$0xFFFFFFA0]  }
0x211: {  	v29 =	vld [tilespmem:s24+$0xFFFFFFA0]  }
0x212: {  	v30 =	vld [tilespmem:s22+$0xFFFFFFB0]  }
0x213: {  	v31 =	vld [tilespmem:s24+$0xFFFFFFB0]  }
0x214: {  	v32 =	vld [tilespmem:s22+$0xFFFFFFC0]  }
0x215: {  	v33 =	vld [tilespmem:s24+$0xFFFFFFC0]  }
0x216: {  	v34 =	vld [tilespmem:s22+$0xFFFFFFD0]  }
0x217: {  	v35 =	vld [tilespmem:s24+$0xFFFFFFD0];
	v27 =	vadd.f32 v27, v26  }
0x218: {  	v29 =	vadd.f32 v29, v28;
	v26 =	vld [tilespmem:s22+$0xFFFFFFE0]  }
0x219: {  	v30 =	vadd.f32 v31, v30;
	v28 =	vld [tilespmem:s24+$0xFFFFFFE0];
	[tilespmem:s22+$0x0] =	vst v27  }
0x21a: {  	v31 =	vadd.f32 v33, v32;
	[tilespmem:s22+$0xFFFFFFA0] =	vst v29;
	v27 =	vld [tilespmem:s22+$0xFFFFFFF0]  }
0x21b: {  	s0 =	simm.s32 $0x0;
	[tilespmem:s22+$0xFFFFFFB0] =	vst v30;
	v29 =	vld [tilespmem:s24+$0xFFFFFFF0]  }
0x21c: {  	s25 =	simm.s32 $0x4370;
	s1 =	simm.s32 $0xC6F0;
	s23 =	simm.s32 $0xC370;
	v30 =	vld [tilespmem:s22+$0xFFFFFF90];
	[tilespmem:s22+$0xFFFFFFC0] =	vst v31;
	v31 =	vadd.f32 v35, v34  }
.LBB2_49:
0x21d: {  	v32 =	vld [tilespmem:s1+$0x0];
	s24 =	sadd.s32 $0x400, s24  }
0x21e: {  	s0 =	sadd.s32 $0x8, s0;
	v33 =	vld [tilespmem:s24+$0x0];
	[tilespmem:s22+$0xFFFFFFD0] =	vst v31;
	v26 =	vadd.f32 v28, v26  }
0x21f: {  	p0 =	slt.u32 s0, $0xF8;
	v28 =	vld [tilespmem:s24+$0xFFFFFF90]  }
0x220: {  	v31 =	vld [tilespmem:s1+$0xFFFFFFA0];
	[tilespmem:s22+$0xFFFFFFE0] =	vst v26;
	v26 =	vadd.f32 v29, v27  }
0x221: {  	v27 =	vld [tilespmem:s24+$0xFFFFFFA0];
	v34 =	vadd.f32 v25, v30  }
0x222: {  	v29 =	vld [tilespmem:s1+$0xFFFFFFB0];
	[tilespmem:s22+$0xFFFFFFF0] =	vst v26  }
0x223: {  	v26 =	vld [tilespmem:s24+$0xFFFFFFB0];
	v30 =	vadd.f32 v33, v32;
	[tilespmem:s22+$0xFFFFFF90] =	vst v34;
	s22 =	smov.u32 s1  }
0x224: {  	v32 =	vld [tilespmem:s1+$0xFFFFFFC0];
	v25 =	vmov v28  }
0x225: {  	v33 =	vld [tilespmem:s24+$0xFFFFFFC0];
	[tilespmem:s1+$0x0] =	vst v30  }
0x226: {  	v27 =	vadd.f32 v27, v31;
	v31 =	vld [tilespmem:s1+$0xFFFFFFD0]  }
0x227: {  	v34 =	vld [tilespmem:s24+$0xFFFFFFD0]  }
.Ltmp27:
0x228: {  	[tilespmem:s1+$0xFFFFFFA0] =	vst v27;
	v27 =	vadd.f32 v26, v29;
	v26 =	vld [tilespmem:s1+$0xFFFFFFE0];
	(pc) =	sbr.rel @p0 .LBB2_49-.Ltmp27, $4  }
0x229: {  	v28 =	vld [tilespmem:s24+$0xFFFFFFE0]  }
0x22a: {  	[tilespmem:s1+$0xFFFFFFB0] =	vst v27;
	v32 =	vadd.f32 v33, v32;
	v27 =	vld [tilespmem:s1+$0xFFFFFFF0]  }
0x22b: {  	v29 =	vld [tilespmem:s24+$0xFFFFFFF0]  }
0x22c: {  	s1 =	sadd.s32 $0x400, s1;
	v30 =	vld [tilespmem:s22+$0xFFFFFF90];
	[tilespmem:s22+$0xFFFFFFC0] =	vst v32;
	v31 =	vadd.f32 v34, v31  }
0x22d: {  	_ =	sdelay $0x1  }
0x22e: {  	v26 =	vadd.f32 v28, v26  }
0x22f: {  	[tilespmem:s22+$0xFFFFFFD0] =	vst v31;
	v27 =	vadd.f32 v29, v27  }
0x230: {  	[tilespmem:s22+$0xFFFFFFE0] =	vst v26;
	v25 =	vadd.f32 v25, v30  }
0x231: {  	[tilespmem:s22+$0xFFFFFFF0] =	vst v27  }
0x232: {  	[tilespmem:s22+$0xFFFFFF90] =	vst v25  }
0x233: {  	v26 =	vld [tilespmem:s23+$0x0]  }
0x234: {  	v27 =	vld [tilespmem:s25+$0x0]  }
0x235: {  	v25 =	vld [tilespmem:s25+$0xFFFFFF90]  }
0x236: {  	v28 =	vld [tilespmem:s23+$0xFFFFFFA0]  }
0x237: {  	v29 =	vld [tilespmem:s25+$0xFFFFFFA0]  }
0x238: {  	v30 =	vld [tilespmem:s23+$0xFFFFFFB0]  }
0x239: {  	v31 =	vld [tilespmem:s25+$0xFFFFFFB0]  }
0x23a: {  	v32 =	vld [tilespmem:s23+$0xFFFFFFC0]  }
0x23b: {  	v33 =	vld [tilespmem:s25+$0xFFFFFFC0]  }
0x23c: {  	v34 =	vld [tilespmem:s23+$0xFFFFFFD0]  }
0x23d: {  	v35 =	vld [tilespmem:s25+$0xFFFFFFD0];
	v27 =	vadd.f32 v27, v26  }
0x23e: {  	v29 =	vadd.f32 v29, v28;
	v26 =	vld [tilespmem:s23+$0xFFFFFFE0]  }
0x23f: {  	v30 =	vadd.f32 v31, v30;
	v28 =	vld [tilespmem:s25+$0xFFFFFFE0];
	[tilespmem:s23+$0x0] =	vst v27  }
0x240: {  	v31 =	vadd.f32 v33, v32;
	[tilespmem:s23+$0xFFFFFFA0] =	vst v29;
	v27 =	vld [tilespmem:s23+$0xFFFFFFF0]  }
0x241: {  	s0 =	simm.s32 $0x0;
	[tilespmem:s23+$0xFFFFFFB0] =	vst v30;
	v29 =	vld [tilespmem:s25+$0xFFFFFFF0]  }
0x242: {  	s24 =	simm.s32 $0xC3F0;
	s1 =	simm.s32 $0xC770;
	s22 =	simm.s32 $0x43F0;
	v30 =	vld [tilespmem:s23+$0xFFFFFF90];
	[tilespmem:s23+$0xFFFFFFC0] =	vst v31;
	v31 =	vadd.f32 v35, v34  }
.LBB2_51:
0x243: {  	v32 =	vld [tilespmem:s1+$0x0];
	s25 =	sadd.s32 $0x400, s25  }
0x244: {  	s0 =	sadd.s32 $0x8, s0;
	v33 =	vld [tilespmem:s25+$0x0];
	[tilespmem:s23+$0xFFFFFFD0] =	vst v31;
	v26 =	vadd.f32 v28, v26  }
0x245: {  	p0 =	slt.u32 s0, $0xF8;
	v28 =	vld [tilespmem:s25+$0xFFFFFF90]  }
0x246: {  	v31 =	vld [tilespmem:s1+$0xFFFFFFA0];
	[tilespmem:s23+$0xFFFFFFE0] =	vst v26;
	v26 =	vadd.f32 v29, v27  }
0x247: {  	v27 =	vld [tilespmem:s25+$0xFFFFFFA0];
	v34 =	vadd.f32 v25, v30  }
0x248: {  	v29 =	vld [tilespmem:s1+$0xFFFFFFB0];
	[tilespmem:s23+$0xFFFFFFF0] =	vst v26  }
0x249: {  	v26 =	vld [tilespmem:s25+$0xFFFFFFB0];
	v30 =	vadd.f32 v33, v32;
	[tilespmem:s23+$0xFFFFFF90] =	vst v34;
	s23 =	smov.u32 s1  }
0x24a: {  	v32 =	vld [tilespmem:s1+$0xFFFFFFC0];
	v25 =	vmov v28  }
0x24b: {  	v33 =	vld [tilespmem:s25+$0xFFFFFFC0];
	[tilespmem:s1+$0x0] =	vst v30  }
0x24c: {  	v27 =	vadd.f32 v27, v31;
	v31 =	vld [tilespmem:s1+$0xFFFFFFD0]  }
0x24d: {  	v34 =	vld [tilespmem:s25+$0xFFFFFFD0]  }
.Ltmp28:
0x24e: {  	[tilespmem:s1+$0xFFFFFFA0] =	vst v27;
	v27 =	vadd.f32 v26, v29;
	v26 =	vld [tilespmem:s1+$0xFFFFFFE0];
	(pc) =	sbr.rel @p0 .LBB2_51-.Ltmp28, $4  }
0x24f: {  	v28 =	vld [tilespmem:s25+$0xFFFFFFE0]  }
0x250: {  	[tilespmem:s1+$0xFFFFFFB0] =	vst v27;
	v32 =	vadd.f32 v33, v32;
	v27 =	vld [tilespmem:s1+$0xFFFFFFF0]  }
0x251: {  	v29 =	vld [tilespmem:s25+$0xFFFFFFF0]  }
0x252: {  	s1 =	sadd.s32 $0x400, s1;
	v30 =	vld [tilespmem:s23+$0xFFFFFF90];
	[tilespmem:s23+$0xFFFFFFC0] =	vst v32;
	v31 =	vadd.f32 v34, v31  }
0x253: {  	_ =	sdelay $0x1  }
0x254: {  	v26 =	vadd.f32 v28, v26  }
0x255: {  	[tilespmem:s23+$0xFFFFFFD0] =	vst v31;
	v27 =	vadd.f32 v29, v27  }
0x256: {  	[tilespmem:s23+$0xFFFFFFE0] =	vst v26;
	v25 =	vadd.f32 v25, v30  }
0x257: {  	[tilespmem:s23+$0xFFFFFFF0] =	vst v27  }
0x258: {  	[tilespmem:s23+$0xFFFFFF90] =	vst v25  }
0x259: {  	v26 =	vld [tilespmem:s24+$0x0]  }
0x25a: {  	v27 =	vld [tilespmem:s22+$0x0]  }
0x25b: {  	v25 =	vld [tilespmem:s22+$0xFFFFFF90]  }
0x25c: {  	v28 =	vld [tilespmem:s24+$0xFFFFFFA0]  }
0x25d: {  	v29 =	vld [tilespmem:s22+$0xFFFFFFA0]  }
0x25e: {  	v30 =	vld [tilespmem:s24+$0xFFFFFFB0]  }
0x25f: {  	v31 =	vld [tilespmem:s22+$0xFFFFFFB0]  }
0x260: {  	v32 =	vld [tilespmem:s24+$0xFFFFFFC0]  }
0x261: {  	v33 =	vld [tilespmem:s22+$0xFFFFFFC0]  }
0x262: {  	v34 =	vld [tilespmem:s24+$0xFFFFFFD0]  }
0x263: {  	v35 =	vld [tilespmem:s22+$0xFFFFFFD0];
	v27 =	vadd.f32 v27, v26  }
0x264: {  	v29 =	vadd.f32 v29, v28;
	v26 =	vld [tilespmem:s24+$0xFFFFFFE0]  }
0x265: {  	v30 =	vadd.f32 v31, v30;
	v28 =	vld [tilespmem:s22+$0xFFFFFFE0];
	[tilespmem:s24+$0x0] =	vst v27  }
0x266: {  	v31 =	vadd.f32 v33, v32;
	[tilespmem:s24+$0xFFFFFFA0] =	vst v29;
	v27 =	vld [tilespmem:s24+$0xFFFFFFF0]  }
0x267: {  	[tilespmem:s24+$0xFFFFFFB0] =	vst v30;
	v30 =	vld [tilespmem:s22+$0xFFFFFFF0]  }
0x268: {  	s0 =	simm.s32 $0x0;
	s1 =	simm.s32 $0xC7F0;
	v29 =	vld [tilespmem:s24+$0xFFFFFF90];
	[tilespmem:s24+$0xFFFFFFC0] =	vst v31;
	v31 =	vadd.f32 v35, v34  }
.LBB2_53:
0x269: {  	v32 =	vld [tilespmem:s1+$0x0];
	s22 =	sadd.s32 $0x400, s22  }
0x26a: {  	s0 =	sadd.s32 $0x8, s0;
	v33 =	vld [tilespmem:s22+$0x0];
	[tilespmem:s24+$0xFFFFFFD0] =	vst v31;
	v26 =	vadd.f32 v28, v26  }
0x26b: {  	p0 =	slt.u32 s0, $0xF8;
	v28 =	vld [tilespmem:s22+$0xFFFFFF90]  }
0x26c: {  	v31 =	vld [tilespmem:s1+$0xFFFFFFA0];
	[tilespmem:s24+$0xFFFFFFE0] =	vst v26;
	v26 =	vadd.f32 v30, v27  }
0x26d: {  	v27 =	vld [tilespmem:s22+$0xFFFFFFA0];
	v34 =	vadd.f32 v25, v29  }
0x26e: {  	v29 =	vld [tilespmem:s1+$0xFFFFFFB0];
	[tilespmem:s24+$0xFFFFFFF0] =	vst v26  }
0x26f: {  	v26 =	vld [tilespmem:s22+$0xFFFFFFB0];
	v30 =	vadd.f32 v33, v32;
	[tilespmem:s24+$0xFFFFFF90] =	vst v34;
	s24 =	smov.u32 s1  }
0x270: {  	v32 =	vld [tilespmem:s1+$0xFFFFFFC0];
	v25 =	vmov v28  }
0x271: {  	v33 =	vld [tilespmem:s22+$0xFFFFFFC0];
	[tilespmem:s1+$0x0] =	vst v30  }
0x272: {  	v27 =	vadd.f32 v27, v31;
	v31 =	vld [tilespmem:s1+$0xFFFFFFD0]  }
0x273: {  	v34 =	vld [tilespmem:s22+$0xFFFFFFD0]  }
.Ltmp29:
0x274: {  	[tilespmem:s1+$0xFFFFFFA0] =	vst v27;
	v27 =	vadd.f32 v26, v29;
	v26 =	vld [tilespmem:s1+$0xFFFFFFE0];
	(pc) =	sbr.rel @p0 .LBB2_53-.Ltmp29, $4  }
0x275: {  	v28 =	vld [tilespmem:s22+$0xFFFFFFE0]  }
0x276: {  	[tilespmem:s1+$0xFFFFFFB0] =	vst v27;
	v32 =	vadd.f32 v33, v32;
	v27 =	vld [tilespmem:s1+$0xFFFFFFF0]  }
0x277: {  	v30 =	vld [tilespmem:s22+$0xFFFFFFF0]  }
0x278: {  	s1 =	sadd.s32 $0x400, s1;
	v29 =	vld [tilespmem:s24+$0xFFFFFF90];
	[tilespmem:s24+$0xFFFFFFC0] =	vst v32;
	v31 =	vadd.f32 v34, v31  }
0x279: {  	_ =	sdelay $0x1  }
0x27a: {  	v26 =	vadd.f32 v28, v26  }
0x27b: {  	s22 =	sshll.u32 s21, $0x15;
	[tilespmem:s24+$0xFFFFFFD0] =	vst v31;
	v27 =	vadd.f32 v30, v27  }
0x27c: {  	s0 =	sor.u32 s7, s22;
	[tilespmem:s24+$0xFFFFFFE0] =	vst v26;
	v25 =	vadd.f32 v25, v29  }
0x27d: {  	s23 =	sshrl.u32 s0, $0x3;
	[tilespmem:s24+$0xFFFFFFF0] =	vst v27  }
0x27e: {  	p0 =	seq.s32 s21, $0x7;
	s0 =	sadd.s32 s15, s23;
	[tilespmem:s24+$0xFFFFFF90] =	vst v25  }
0x27f: {  	[hbm4b:s0+s3] =	stream.linear.scatter [tilespmem:s20], [sflag:$0x3], $0x8000, $0x38;
	[tilespmem:$0x1C000] =	vst v63  }
0x280: {  	s0 =	simm.s32 @!p0 $0x3  }
0x281: {  	_ =	swait.ge @!p0 [sflag:s0], $0x8000  }
0x282: {  	s1 =	sadd.s32 @!p0 s9, s22;
	[sflag:s0] =	ssyncset.done @!p0 $0x0  }
0x283: {  	[sflag:s0] =	ssyncadd.s32 @!p0 $0xFFFF8000;
	s0 =	sshrl.u32 @!p0 s1, $0x3  }
0x284: {  	s2 =	simm.s32 @!p0 $0xC000;
	s1 =	simm.s32 @!p0 $0x0;
	s0 =	sadd.s32 @!p0 s13, s0  }
0x285: {  	[tilespmem:s2], [sflag:$0x1] =	stream.linear.gather @!p0 [hbm4b:s0+s1], $0x8000, $0x38;
	[tilespmem:$0x1C000] =	vst v63  }
0x286: {  	_ =	swait.ge [sflag:s17], $0x8000  }
0x287: {  	[sflag:s17] =	ssyncset.done $0x0  }
0x288: {  	s0 =	simm.s32 $0x14040;
	[sflag:s17] =	ssyncadd.s32 $0xFFFF8000  }
0x289: {  	s4 =	simm.s32 $0x4040;
	v26 =	vld [tilespmem:s0+$0x30]  }
0x28a: {  	v27 =	vld [tilespmem:s4+$0x30]  }
0x28b: {  	v25 =	vld [tilespmem:s4+$0xFFFFFFC0]  }
0x28c: {  	v28 =	vld [tilespmem:s0+$0xFFFFFFD0]  }
0x28d: {  	v29 =	vld [tilespmem:s4+$0xFFFFFFD0]  }
0x28e: {  	v30 =	vld [tilespmem:s0+$0xFFFFFFE0]  }
0x28f: {  	v31 =	vld [tilespmem:s4+$0xFFFFFFE0]  }
0x290: {  	v32 =	vld [tilespmem:s0+$0xFFFFFFF0]  }
0x291: {  	v33 =	vld [tilespmem:s4+$0xFFFFFFF0]  }
0x292: {  	v34 =	vld [tilespmem:s0+$0x0]  }
0x293: {  	v35 =	vld [tilespmem:s4+$0x0];
	v27 =	vadd.f32 v27, v26  }
0x294: {  	v29 =	vadd.f32 v29, v28;
	v26 =	vld [tilespmem:s0+$0x10]  }
0x295: {  	v30 =	vadd.f32 v31, v30;
	v28 =	vld [tilespmem:s4+$0x10];
	[tilespmem:s0+$0x30] =	vst v27  }
0x296: {  	v31 =	vadd.f32 v33, v32;
	[tilespmem:s0+$0xFFFFFFD0] =	vst v29;
	v27 =	vld [tilespmem:s0+$0x20]  }
0x297: {  	[tilespmem:s0+$0xFFFFFFE0] =	vst v30;
	v29 =	vld [tilespmem:s4+$0x20]  }
0x298: {  	s6 =	simm.s32 $0x0;
	s8 =	simm.s32 $0x14440;
	s24 =	simm.s32 $0x140F0;
	v30 =	vld [tilespmem:s0+$0xFFFFFFC0];
	[tilespmem:s0+$0xFFFFFFF0] =	vst v31;
	v31 =	vadd.f32 v35, v34  }
.LBB2_55:
0x299: {  	v32 =	vld [tilespmem:s8+$0x30];
	s4 =	sadd.s32 $0x400, s4  }
0x29a: {  	s6 =	sadd.s32 $0x8, s6;
	v33 =	vld [tilespmem:s4+$0x30];
	[tilespmem:s0+$0x0] =	vst v31;
	v26 =	vadd.f32 v28, v26  }
0x29b: {  	p1 =	slt.u32 s6, $0xF8;
	v28 =	vld [tilespmem:s4+$0xFFFFFFC0]  }
0x29c: {  	v31 =	vld [tilespmem:s8+$0xFFFFFFD0];
	[tilespmem:s0+$0x10] =	vst v26;
	v26 =	vadd.f32 v29, v27  }
0x29d: {  	v27 =	vld [tilespmem:s4+$0xFFFFFFD0];
	v34 =	vadd.f32 v25, v30  }
0x29e: {  	v29 =	vld [tilespmem:s8+$0xFFFFFFE0];
	[tilespmem:s0+$0x20] =	vst v26  }
0x29f: {  	v26 =	vld [tilespmem:s4+$0xFFFFFFE0];
	v30 =	vadd.f32 v33, v32;
	[tilespmem:s0+$0xFFFFFFC0] =	vst v34;
	s0 =	smov.u32 s8  }
0x2a0: {  	v32 =	vld [tilespmem:s8+$0xFFFFFFF0];
	v25 =	vmov v28  }
0x2a1: {  	s1 =	simm.s32 $0x40F0;
	v33 =	vld [tilespmem:s4+$0xFFFFFFF0];
	[tilespmem:s8+$0x30] =	vst v30  }
0x2a2: {  	v27 =	vadd.f32 v27, v31;
	v31 =	vld [tilespmem:s8+$0x0]  }
0x2a3: {  	v34 =	vld [tilespmem:s4+$0x0]  }
.Ltmp30:
0x2a4: {  	[tilespmem:s8+$0xFFFFFFD0] =	vst v27;
	v27 =	vadd.f32 v26, v29;
	v26 =	vld [tilespmem:s8+$0x10];
	(pc) =	sbr.rel @p1 .LBB2_55-.Ltmp30, $4  }
0x2a5: {  	v28 =	vld [tilespmem:s4+$0x10]  }
0x2a6: {  	[tilespmem:s8+$0xFFFFFFE0] =	vst v27;
	v32 =	vadd.f32 v33, v32;
	v27 =	vld [tilespmem:s8+$0x20]  }
0x2a7: {  	v29 =	vld [tilespmem:s4+$0x20]  }
0x2a8: {  	s8 =	sadd.s32 $0x400, s8;
	v30 =	vld [tilespmem:s0+$0xFFFFFFC0];
	[tilespmem:s0+$0xFFFFFFF0] =	vst v32;
	v31 =	vadd.f32 v34, v31  }
0x2a9: {  	_ =	sdelay $0x1  }
0x2aa: {  	v26 =	vadd.f32 v28, v26  }
0x2ab: {  	[tilespmem:s0+$0x0] =	vst v31;
	v27 =	vadd.f32 v29, v27  }
0x2ac: {  	[tilespmem:s0+$0x10] =	vst v26;
	v25 =	vadd.f32 v25, v30  }
0x2ad: {  	[tilespmem:s0+$0x20] =	vst v27  }
0x2ae: {  	[tilespmem:s0+$0xFFFFFFC0] =	vst v25  }
0x2af: {  	v26 =	vld [tilespmem:s24+$0x0]  }
0x2b0: {  	v27 =	vld [tilespmem:s1+$0x0]  }
0x2b1: {  	v25 =	vld [tilespmem:s1+$0xFFFFFF90]  }
0x2b2: {  	v28 =	vld [tilespmem:s24+$0xFFFFFFA0]  }
0x2b3: {  	v29 =	vld [tilespmem:s1+$0xFFFFFFA0]  }
0x2b4: {  	v30 =	vld [tilespmem:s24+$0xFFFFFFB0]  }
0x2b5: {  	v31 =	vld [tilespmem:s1+$0xFFFFFFB0]  }
0x2b6: {  	v32 =	vld [tilespmem:s24+$0xFFFFFFC0]  }
0x2b7: {  	v33 =	vld [tilespmem:s1+$0xFFFFFFC0]  }
0x2b8: {  	v34 =	vld [tilespmem:s24+$0xFFFFFFD0]  }
0x2b9: {  	v35 =	vld [tilespmem:s1+$0xFFFFFFD0];
	v27 =	vadd.f32 v27, v26  }
0x2ba: {  	v29 =	vadd.f32 v29, v28;
	v26 =	vld [tilespmem:s24+$0xFFFFFFE0]  }
0x2bb: {  	v30 =	vadd.f32 v31, v30;
	v28 =	vld [tilespmem:s1+$0xFFFFFFE0];
	[tilespmem:s24+$0x0] =	vst v27  }
0x2bc: {  	v31 =	vadd.f32 v33, v32;
	[tilespmem:s24+$0xFFFFFFA0] =	vst v29;
	v27 =	vld [tilespmem:s24+$0xFFFFFFF0]  }
0x2bd: {  	[tilespmem:s24+$0xFFFFFFB0] =	vst v30;
	v29 =	vld [tilespmem:s1+$0xFFFFFFF0]  }
0x2be: {  	s25 =	simm.s32 $0x14170;
	s4 =	simm.s32 $0x144F0;
	s0 =	simm.s32 $0x0;
	v30 =	vld [tilespmem:s24+$0xFFFFFF90];
	[tilespmem:s24+$0xFFFFFFC0] =	vst v31;
	v31 =	vadd.f32 v35, v34  }
.LBB2_57:
0x2bf: {  	v32 =	vld [tilespmem:s4+$0x0];
	s1 =	sadd.s32 $0x400, s1  }
0x2c0: {  	s0 =	sadd.s32 $0x8, s0;
	v33 =	vld [tilespmem:s1+$0x0];
	[tilespmem:s24+$0xFFFFFFD0] =	vst v31;
	v26 =	vadd.f32 v28, v26  }
0x2c1: {  	p1 =	slt.u32 s0, $0xF8;
	v28 =	vld [tilespmem:s1+$0xFFFFFF90]  }
0x2c2: {  	v31 =	vld [tilespmem:s4+$0xFFFFFFA0];
	[tilespmem:s24+$0xFFFFFFE0] =	vst v26;
	v26 =	vadd.f32 v29, v27  }
0x2c3: {  	v27 =	vld [tilespmem:s1+$0xFFFFFFA0];
	v34 =	vadd.f32 v25, v30  }
0x2c4: {  	v29 =	vld [tilespmem:s4+$0xFFFFFFB0];
	[tilespmem:s24+$0xFFFFFFF0] =	vst v26  }
0x2c5: {  	v26 =	vld [tilespmem:s1+$0xFFFFFFB0];
	v30 =	vadd.f32 v33, v32;
	[tilespmem:s24+$0xFFFFFF90] =	vst v34;
	s24 =	smov.u32 s4  }
0x2c6: {  	v32 =	vld [tilespmem:s4+$0xFFFFFFC0];
	v25 =	vmov v28  }
0x2c7: {  	s26 =	simm.s32 $0x4170;
	v33 =	vld [tilespmem:s1+$0xFFFFFFC0];
	[tilespmem:s4+$0x0] =	vst v30  }
0x2c8: {  	v27 =	vadd.f32 v27, v31;
	v31 =	vld [tilespmem:s4+$0xFFFFFFD0]  }
0x2c9: {  	v34 =	vld [tilespmem:s1+$0xFFFFFFD0]  }
.Ltmp31:
0x2ca: {  	[tilespmem:s4+$0xFFFFFFA0] =	vst v27;
	v27 =	vadd.f32 v26, v29;
	v26 =	vld [tilespmem:s4+$0xFFFFFFE0];
	(pc) =	sbr.rel @p1 .LBB2_57-.Ltmp31, $4  }
0x2cb: {  	v28 =	vld [tilespmem:s1+$0xFFFFFFE0]  }
0x2cc: {  	[tilespmem:s4+$0xFFFFFFB0] =	vst v27;
	v32 =	vadd.f32 v33, v32;
	v27 =	vld [tilespmem:s4+$0xFFFFFFF0]  }
0x2cd: {  	v29 =	vld [tilespmem:s1+$0xFFFFFFF0]  }
0x2ce: {  	s4 =	sadd.s32 $0x400, s4;
	v30 =	vld [tilespmem:s24+$0xFFFFFF90];
	[tilespmem:s24+$0xFFFFFFC0] =	vst v32;
	v31 =	vadd.f32 v34, v31  }
0x2cf: {  	_ =	sdelay $0x1  }
0x2d0: {  	v26 =	vadd.f32 v28, v26  }
0x2d1: {  	[tilespmem:s24+$0xFFFFFFD0] =	vst v31;
	v27 =	vadd.f32 v29, v27  }
0x2d2: {  	[tilespmem:s24+$0xFFFFFFE0] =	vst v26;
	v25 =	vadd.f32 v25, v30  }
0x2d3: {  	[tilespmem:s24+$0xFFFFFFF0] =	vst v27  }
0x2d4: {  	[tilespmem:s24+$0xFFFFFF90] =	vst v25  }
0x2d5: {  	v26 =	vld [tilespmem:s25+$0x0]  }
0x2d6: {  	v27 =	vld [tilespmem:s26+$0x0]  }
0x2d7: {  	v25 =	vld [tilespmem:s26+$0xFFFFFF90]  }
0x2d8: {  	v28 =	vld [tilespmem:s25+$0xFFFFFFA0]  }
0x2d9: {  	v29 =	vld [tilespmem:s26+$0xFFFFFFA0]  }
0x2da: {  	v30 =	vld [tilespmem:s25+$0xFFFFFFB0]  }
0x2db: {  	v31 =	vld [tilespmem:s26+$0xFFFFFFB0]  }
0x2dc: {  	v32 =	vld [tilespmem:s25+$0xFFFFFFC0]  }
0x2dd: {  	v33 =	vld [tilespmem:s26+$0xFFFFFFC0]  }
0x2de: {  	v34 =	vld [tilespmem:s25+$0xFFFFFFD0]  }
0x2df: {  	v35 =	vld [tilespmem:s26+$0xFFFFFFD0];
	v27 =	vadd.f32 v27, v26  }
0x2e0: {  	v29 =	vadd.f32 v29, v28;
	v26 =	vld [tilespmem:s25+$0xFFFFFFE0]  }
0x2e1: {  	v30 =	vadd.f32 v31, v30;
	v28 =	vld [tilespmem:s26+$0xFFFFFFE0];
	[tilespmem:s25+$0x0] =	vst v27  }
0x2e2: {  	v31 =	vadd.f32 v33, v32;
	[tilespmem:s25+$0xFFFFFFA0] =	vst v29;
	v27 =	vld [tilespmem:s25+$0xFFFFFFF0]  }
0x2e3: {  	[tilespmem:s25+$0xFFFFFFB0] =	vst v30;
	v29 =	vld [tilespmem:s26+$0xFFFFFFF0]  }
0x2e4: {  	s0 =	simm.s32 $0x0;
	s4 =	simm.s32 $0x14570;
	s24 =	simm.s32 $0x141F0;
	v30 =	vld [tilespmem:s25+$0xFFFFFF90];
	[tilespmem:s25+$0xFFFFFFC0] =	vst v31;
	v31 =	vadd.f32 v35, v34  }
.LBB2_59:
0x2e5: {  	v32 =	vld [tilespmem:s4+$0x0];
	s26 =	sadd.s32 $0x400, s26  }
0x2e6: {  	s0 =	sadd.s32 $0x8, s0;
	v33 =	vld [tilespmem:s26+$0x0];
	[tilespmem:s25+$0xFFFFFFD0] =	vst v31;
	v26 =	vadd.f32 v28, v26  }
0x2e7: {  	p1 =	slt.u32 s0, $0xF8;
	v28 =	vld [tilespmem:s26+$0xFFFFFF90]  }
0x2e8: {  	v31 =	vld [tilespmem:s4+$0xFFFFFFA0];
	[tilespmem:s25+$0xFFFFFFE0] =	vst v26;
	v26 =	vadd.f32 v29, v27  }
0x2e9: {  	v27 =	vld [tilespmem:s26+$0xFFFFFFA0];
	v34 =	vadd.f32 v25, v30  }
0x2ea: {  	v29 =	vld [tilespmem:s4+$0xFFFFFFB0];
	[tilespmem:s25+$0xFFFFFFF0] =	vst v26  }
0x2eb: {  	v26 =	vld [tilespmem:s26+$0xFFFFFFB0];
	v30 =	vadd.f32 v33, v32;
	[tilespmem:s25+$0xFFFFFF90] =	vst v34;
	s25 =	smov.u32 s4  }
0x2ec: {  	v32 =	vld [tilespmem:s4+$0xFFFFFFC0];
	v25 =	vmov v28  }
0x2ed: {  	s1 =	simm.s32 $0x41F0;
	v33 =	vld [tilespmem:s26+$0xFFFFFFC0];
	[tilespmem:s4+$0x0] =	vst v30  }
0x2ee: {  	v27 =	vadd.f32 v27, v31;
	v31 =	vld [tilespmem:s4+$0xFFFFFFD0]  }
0x2ef: {  	v34 =	vld [tilespmem:s26+$0xFFFFFFD0]  }
.Ltmp32:
0x2f0: {  	[tilespmem:s4+$0xFFFFFFA0] =	vst v27;
	v27 =	vadd.f32 v26, v29;
	v26 =	vld [tilespmem:s4+$0xFFFFFFE0];
	(pc) =	sbr.rel @p1 .LBB2_59-.Ltmp32, $4  }
0x2f1: {  	v28 =	vld [tilespmem:s26+$0xFFFFFFE0]  }
0x2f2: {  	[tilespmem:s4+$0xFFFFFFB0] =	vst v27;
	v32 =	vadd.f32 v33, v32;
	v27 =	vld [tilespmem:s4+$0xFFFFFFF0]  }
0x2f3: {  	v29 =	vld [tilespmem:s26+$0xFFFFFFF0]  }
0x2f4: {  	s4 =	sadd.s32 $0x400, s4;
	v30 =	vld [tilespmem:s25+$0xFFFFFF90];
	[tilespmem:s25+$0xFFFFFFC0] =	vst v32;
	v31 =	vadd.f32 v34, v31  }
0x2f5: {  	_ =	sdelay $0x1  }
0x2f6: {  	v26 =	vadd.f32 v28, v26  }
0x2f7: {  	[tilespmem:s25+$0xFFFFFFD0] =	vst v31;
	v27 =	vadd.f32 v29, v27  }
0x2f8: {  	[tilespmem:s25+$0xFFFFFFE0] =	vst v26;
	v25 =	vadd.f32 v25, v30  }
0x2f9: {  	[tilespmem:s25+$0xFFFFFFF0] =	vst v27  }
0x2fa: {  	[tilespmem:s25+$0xFFFFFF90] =	vst v25  }
0x2fb: {  	v26 =	vld [tilespmem:s24+$0x0]  }
0x2fc: {  	v27 =	vld [tilespmem:s1+$0x0]  }
0x2fd: {  	v25 =	vld [tilespmem:s1+$0xFFFFFF90]  }
0x2fe: {  	v28 =	vld [tilespmem:s24+$0xFFFFFFA0]  }
0x2ff: {  	v29 =	vld [tilespmem:s1+$0xFFFFFFA0]  }
0x300: {  	v30 =	vld [tilespmem:s24+$0xFFFFFFB0]  }
0x301: {  	v31 =	vld [tilespmem:s1+$0xFFFFFFB0]  }
0x302: {  	v32 =	vld [tilespmem:s24+$0xFFFFFFC0]  }
0x303: {  	v33 =	vld [tilespmem:s1+$0xFFFFFFC0]  }
0x304: {  	v34 =	vld [tilespmem:s24+$0xFFFFFFD0]  }
0x305: {  	v35 =	vld [tilespmem:s1+$0xFFFFFFD0];
	v27 =	vadd.f32 v27, v26  }
0x306: {  	v29 =	vadd.f32 v29, v28;
	v26 =	vld [tilespmem:s24+$0xFFFFFFE0]  }
0x307: {  	v30 =	vadd.f32 v31, v30;
	v28 =	vld [tilespmem:s1+$0xFFFFFFE0];
	[tilespmem:s24+$0x0] =	vst v27  }
0x308: {  	v31 =	vadd.f32 v33, v32;
	[tilespmem:s24+$0xFFFFFFA0] =	vst v29;
	v27 =	vld [tilespmem:s24+$0xFFFFFFF0]  }
0x309: {  	[tilespmem:s24+$0xFFFFFFB0] =	vst v30;
	v29 =	vld [tilespmem:s1+$0xFFFFFFF0]  }
0x30a: {  	s0 =	simm.s32 $0x0;
	s4 =	simm.s32 $0x145F0;
	s25 =	simm.s32 $0x14270;
	v30 =	vld [tilespmem:s24+$0xFFFFFF90];
	[tilespmem:s24+$0xFFFFFFC0] =	vst v31;
	v31 =	vadd.f32 v35, v34  }
.LBB2_61:
0x30b: {  	v32 =	vld [tilespmem:s4+$0x0];
	s1 =	sadd.s32 $0x400, s1  }
0x30c: {  	s0 =	sadd.s32 $0x8, s0;
	v33 =	vld [tilespmem:s1+$0x0];
	[tilespmem:s24+$0xFFFFFFD0] =	vst v31;
	v26 =	vadd.f32 v28, v26  }
0x30d: {  	p1 =	slt.u32 s0, $0xF8;
	v28 =	vld [tilespmem:s1+$0xFFFFFF90]  }
0x30e: {  	v31 =	vld [tilespmem:s4+$0xFFFFFFA0];
	[tilespmem:s24+$0xFFFFFFE0] =	vst v26;
	v26 =	vadd.f32 v29, v27  }
0x30f: {  	v27 =	vld [tilespmem:s1+$0xFFFFFFA0];
	v34 =	vadd.f32 v25, v30  }
0x310: {  	v29 =	vld [tilespmem:s4+$0xFFFFFFB0];
	[tilespmem:s24+$0xFFFFFFF0] =	vst v26  }
0x311: {  	v26 =	vld [tilespmem:s1+$0xFFFFFFB0];
	v30 =	vadd.f32 v33, v32;
	[tilespmem:s24+$0xFFFFFF90] =	vst v34;
	s24 =	smov.u32 s4  }
0x312: {  	v32 =	vld [tilespmem:s4+$0xFFFFFFC0];
	v25 =	vmov v28  }
0x313: {  	s26 =	simm.s32 $0x4270;
	v33 =	vld [tilespmem:s1+$0xFFFFFFC0];
	[tilespmem:s4+$0x0] =	vst v30  }
0x314: {  	v27 =	vadd.f32 v27, v31;
	v31 =	vld [tilespmem:s4+$0xFFFFFFD0]  }
0x315: {  	v34 =	vld [tilespmem:s1+$0xFFFFFFD0]  }
.Ltmp33:
0x316: {  	[tilespmem:s4+$0xFFFFFFA0] =	vst v27;
	v27 =	vadd.f32 v26, v29;
	v26 =	vld [tilespmem:s4+$0xFFFFFFE0];
	(pc) =	sbr.rel @p1 .LBB2_61-.Ltmp33, $4  }
0x317: {  	v28 =	vld [tilespmem:s1+$0xFFFFFFE0]  }
0x318: {  	[tilespmem:s4+$0xFFFFFFB0] =	vst v27;
	v32 =	vadd.f32 v33, v32;
	v27 =	vld [tilespmem:s4+$0xFFFFFFF0]  }
0x319: {  	v29 =	vld [tilespmem:s1+$0xFFFFFFF0]  }
0x31a: {  	s4 =	sadd.s32 $0x400, s4;
	v30 =	vld [tilespmem:s24+$0xFFFFFF90];
	[tilespmem:s24+$0xFFFFFFC0] =	vst v32;
	v31 =	vadd.f32 v34, v31  }
0x31b: {  	_ =	sdelay $0x1  }
0x31c: {  	v26 =	vadd.f32 v28, v26  }
0x31d: {  	[tilespmem:s24+$0xFFFFFFD0] =	vst v31;
	v27 =	vadd.f32 v29, v27  }
0x31e: {  	[tilespmem:s24+$0xFFFFFFE0] =	vst v26;
	v25 =	vadd.f32 v25, v30  }
0x31f: {  	[tilespmem:s24+$0xFFFFFFF0] =	vst v27  }
0x320: {  	[tilespmem:s24+$0xFFFFFF90] =	vst v25  }
0x321: {  	v26 =	vld [tilespmem:s25+$0x0]  }
0x322: {  	v27 =	vld [tilespmem:s26+$0x0]  }
0x323: {  	v25 =	vld [tilespmem:s26+$0xFFFFFF90]  }
0x324: {  	v28 =	vld [tilespmem:s25+$0xFFFFFFA0]  }
0x325: {  	v29 =	vld [tilespmem:s26+$0xFFFFFFA0]  }
0x326: {  	v30 =	vld [tilespmem:s25+$0xFFFFFFB0]  }
0x327: {  	v31 =	vld [tilespmem:s26+$0xFFFFFFB0]  }
0x328: {  	v32 =	vld [tilespmem:s25+$0xFFFFFFC0]  }
0x329: {  	v33 =	vld [tilespmem:s26+$0xFFFFFFC0]  }
0x32a: {  	v34 =	vld [tilespmem:s25+$0xFFFFFFD0]  }
0x32b: {  	v35 =	vld [tilespmem:s26+$0xFFFFFFD0];
	v27 =	vadd.f32 v27, v26  }
0x32c: {  	v29 =	vadd.f32 v29, v28;
	v26 =	vld [tilespmem:s25+$0xFFFFFFE0]  }
0x32d: {  	v30 =	vadd.f32 v31, v30;
	v28 =	vld [tilespmem:s26+$0xFFFFFFE0];
	[tilespmem:s25+$0x0] =	vst v27  }
0x32e: {  	v31 =	vadd.f32 v33, v32;
	[tilespmem:s25+$0xFFFFFFA0] =	vst v29;
	v27 =	vld [tilespmem:s25+$0xFFFFFFF0]  }
0x32f: {  	[tilespmem:s25+$0xFFFFFFB0] =	vst v30;
	v29 =	vld [tilespmem:s26+$0xFFFFFFF0]  }
0x330: {  	s0 =	simm.s32 $0x0;
	s4 =	simm.s32 $0x14670;
	s24 =	simm.s32 $0x142F0;
	v30 =	vld [tilespmem:s25+$0xFFFFFF90];
	[tilespmem:s25+$0xFFFFFFC0] =	vst v31;
	v31 =	vadd.f32 v35, v34  }
.LBB2_63:
0x331: {  	v32 =	vld [tilespmem:s4+$0x0];
	s26 =	sadd.s32 $0x400, s26  }
0x332: {  	s0 =	sadd.s32 $0x8, s0;
	v33 =	vld [tilespmem:s26+$0x0];
	[tilespmem:s25+$0xFFFFFFD0] =	vst v31;
	v26 =	vadd.f32 v28, v26  }
0x333: {  	p1 =	slt.u32 s0, $0xF8;
	v28 =	vld [tilespmem:s26+$0xFFFFFF90]  }
0x334: {  	v31 =	vld [tilespmem:s4+$0xFFFFFFA0];
	[tilespmem:s25+$0xFFFFFFE0] =	vst v26;
	v26 =	vadd.f32 v29, v27  }
0x335: {  	v27 =	vld [tilespmem:s26+$0xFFFFFFA0];
	v34 =	vadd.f32 v25, v30  }
0x336: {  	v29 =	vld [tilespmem:s4+$0xFFFFFFB0];
	[tilespmem:s25+$0xFFFFFFF0] =	vst v26  }
0x337: {  	v26 =	vld [tilespmem:s26+$0xFFFFFFB0];
	v30 =	vadd.f32 v33, v32;
	[tilespmem:s25+$0xFFFFFF90] =	vst v34;
	s25 =	smov.u32 s4  }
0x338: {  	v32 =	vld [tilespmem:s4+$0xFFFFFFC0];
	v25 =	vmov v28  }
0x339: {  	s1 =	simm.s32 $0x42F0;
	v33 =	vld [tilespmem:s26+$0xFFFFFFC0];
	[tilespmem:s4+$0x0] =	vst v30  }
0x33a: {  	v27 =	vadd.f32 v27, v31;
	v31 =	vld [tilespmem:s4+$0xFFFFFFD0]  }
0x33b: {  	v34 =	vld [tilespmem:s26+$0xFFFFFFD0]  }
.Ltmp34:
0x33c: {  	[tilespmem:s4+$0xFFFFFFA0] =	vst v27;
	v27 =	vadd.f32 v26, v29;
	v26 =	vld [tilespmem:s4+$0xFFFFFFE0];
	(pc) =	sbr.rel @p1 .LBB2_63-.Ltmp34, $4  }
0x33d: {  	v28 =	vld [tilespmem:s26+$0xFFFFFFE0]  }
0x33e: {  	[tilespmem:s4+$0xFFFFFFB0] =	vst v27;
	v32 =	vadd.f32 v33, v32;
	v27 =	vld [tilespmem:s4+$0xFFFFFFF0]  }
0x33f: {  	v29 =	vld [tilespmem:s26+$0xFFFFFFF0]  }
0x340: {  	s4 =	sadd.s32 $0x400, s4;
	v30 =	vld [tilespmem:s25+$0xFFFFFF90];
	[tilespmem:s25+$0xFFFFFFC0] =	vst v32;
	v31 =	vadd.f32 v34, v31  }
0x341: {  	_ =	sdelay $0x1  }
0x342: {  	v26 =	vadd.f32 v28, v26  }
0x343: {  	[tilespmem:s25+$0xFFFFFFD0] =	vst v31;
	v27 =	vadd.f32 v29, v27  }
0x344: {  	[tilespmem:s25+$0xFFFFFFE0] =	vst v26;
	v25 =	vadd.f32 v25, v30  }
0x345: {  	[tilespmem:s25+$0xFFFFFFF0] =	vst v27  }
0x346: {  	[tilespmem:s25+$0xFFFFFF90] =	vst v25  }
0x347: {  	v26 =	vld [tilespmem:s24+$0x0]  }
0x348: {  	v27 =	vld [tilespmem:s1+$0x0]  }
0x349: {  	v25 =	vld [tilespmem:s1+$0xFFFFFF90]  }
0x34a: {  	v28 =	vld [tilespmem:s24+$0xFFFFFFA0]  }
0x34b: {  	v29 =	vld [tilespmem:s1+$0xFFFFFFA0]  }
0x34c: {  	v30 =	vld [tilespmem:s24+$0xFFFFFFB0]  }
0x34d: {  	v31 =	vld [tilespmem:s1+$0xFFFFFFB0]  }
0x34e: {  	v32 =	vld [tilespmem:s24+$0xFFFFFFC0]  }
0x34f: {  	v33 =	vld [tilespmem:s1+$0xFFFFFFC0]  }
0x350: {  	v34 =	vld [tilespmem:s24+$0xFFFFFFD0]  }
0x351: {  	v35 =	vld [tilespmem:s1+$0xFFFFFFD0];
	v27 =	vadd.f32 v27, v26  }
0x352: {  	v29 =	vadd.f32 v29, v28;
	v26 =	vld [tilespmem:s24+$0xFFFFFFE0]  }
0x353: {  	v30 =	vadd.f32 v31, v30;
	v28 =	vld [tilespmem:s1+$0xFFFFFFE0];
	[tilespmem:s24+$0x0] =	vst v27  }
0x354: {  	v31 =	vadd.f32 v33, v32;
	[tilespmem:s24+$0xFFFFFFA0] =	vst v29;
	v27 =	vld [tilespmem:s24+$0xFFFFFFF0]  }
0x355: {  	[tilespmem:s24+$0xFFFFFFB0] =	vst v30;
	v29 =	vld [tilespmem:s1+$0xFFFFFFF0]  }
0x356: {  	s0 =	simm.s32 $0x0;
	s4 =	simm.s32 $0x146F0;
	s25 =	simm.s32 $0x14370;
	v30 =	vld [tilespmem:s24+$0xFFFFFF90];
	[tilespmem:s24+$0xFFFFFFC0] =	vst v31;
	v31 =	vadd.f32 v35, v34  }
.LBB2_65:
0x357: {  	v32 =	vld [tilespmem:s4+$0x0];
	s1 =	sadd.s32 $0x400, s1  }
0x358: {  	s0 =	sadd.s32 $0x8, s0;
	v33 =	vld [tilespmem:s1+$0x0];
	[tilespmem:s24+$0xFFFFFFD0] =	vst v31;
	v26 =	vadd.f32 v28, v26  }
0x359: {  	p1 =	slt.u32 s0, $0xF8;
	v28 =	vld [tilespmem:s1+$0xFFFFFF90]  }
0x35a: {  	v31 =	vld [tilespmem:s4+$0xFFFFFFA0];
	[tilespmem:s24+$0xFFFFFFE0] =	vst v26;
	v26 =	vadd.f32 v29, v27  }
0x35b: {  	v27 =	vld [tilespmem:s1+$0xFFFFFFA0];
	v34 =	vadd.f32 v25, v30  }
0x35c: {  	v29 =	vld [tilespmem:s4+$0xFFFFFFB0];
	[tilespmem:s24+$0xFFFFFFF0] =	vst v26  }
0x35d: {  	v26 =	vld [tilespmem:s1+$0xFFFFFFB0];
	v30 =	vadd.f32 v33, v32;
	[tilespmem:s24+$0xFFFFFF90] =	vst v34;
	s24 =	smov.u32 s4  }
0x35e: {  	v32 =	vld [tilespmem:s4+$0xFFFFFFC0];
	v25 =	vmov v28  }
0x35f: {  	s26 =	simm.s32 $0x4370;
	v33 =	vld [tilespmem:s1+$0xFFFFFFC0];
	[tilespmem:s4+$0x0] =	vst v30  }
0x360: {  	v27 =	vadd.f32 v27, v31;
	v31 =	vld [tilespmem:s4+$0xFFFFFFD0]  }
0x361: {  	v34 =	vld [tilespmem:s1+$0xFFFFFFD0]  }
.Ltmp35:
0x362: {  	[tilespmem:s4+$0xFFFFFFA0] =	vst v27;
	v27 =	vadd.f32 v26, v29;
	v26 =	vld [tilespmem:s4+$0xFFFFFFE0];
	(pc) =	sbr.rel @p1 .LBB2_65-.Ltmp35, $4  }
0x363: {  	v28 =	vld [tilespmem:s1+$0xFFFFFFE0]  }
0x364: {  	[tilespmem:s4+$0xFFFFFFB0] =	vst v27;
	v32 =	vadd.f32 v33, v32;
	v27 =	vld [tilespmem:s4+$0xFFFFFFF0]  }
0x365: {  	v29 =	vld [tilespmem:s1+$0xFFFFFFF0]  }
0x366: {  	s4 =	sadd.s32 $0x400, s4;
	v30 =	vld [tilespmem:s24+$0xFFFFFF90];
	[tilespmem:s24+$0xFFFFFFC0] =	vst v32;
	v31 =	vadd.f32 v34, v31  }
0x367: {  	_ =	sdelay $0x1  }
0x368: {  	v26 =	vadd.f32 v28, v26  }
0x369: {  	[tilespmem:s24+$0xFFFFFFD0] =	vst v31;
	v27 =	vadd.f32 v29, v27  }
0x36a: {  	[tilespmem:s24+$0xFFFFFFE0] =	vst v26;
	v25 =	vadd.f32 v25, v30  }
0x36b: {  	[tilespmem:s24+$0xFFFFFFF0] =	vst v27  }
0x36c: {  	[tilespmem:s24+$0xFFFFFF90] =	vst v25  }
0x36d: {  	v26 =	vld [tilespmem:s25+$0x0]  }
0x36e: {  	v27 =	vld [tilespmem:s26+$0x0]  }
0x36f: {  	v25 =	vld [tilespmem:s26+$0xFFFFFF90]  }
0x370: {  	v28 =	vld [tilespmem:s25+$0xFFFFFFA0]  }
0x371: {  	v29 =	vld [tilespmem:s26+$0xFFFFFFA0]  }
0x372: {  	v30 =	vld [tilespmem:s25+$0xFFFFFFB0]  }
0x373: {  	v31 =	vld [tilespmem:s26+$0xFFFFFFB0]  }
0x374: {  	v32 =	vld [tilespmem:s25+$0xFFFFFFC0]  }
0x375: {  	v33 =	vld [tilespmem:s26+$0xFFFFFFC0]  }
0x376: {  	v34 =	vld [tilespmem:s25+$0xFFFFFFD0]  }
0x377: {  	v35 =	vld [tilespmem:s26+$0xFFFFFFD0];
	v27 =	vadd.f32 v27, v26  }
0x378: {  	v29 =	vadd.f32 v29, v28;
	v26 =	vld [tilespmem:s25+$0xFFFFFFE0]  }
0x379: {  	v30 =	vadd.f32 v31, v30;
	v28 =	vld [tilespmem:s26+$0xFFFFFFE0];
	[tilespmem:s25+$0x0] =	vst v27  }
0x37a: {  	v31 =	vadd.f32 v33, v32;
	[tilespmem:s25+$0xFFFFFFA0] =	vst v29;
	v27 =	vld [tilespmem:s25+$0xFFFFFFF0]  }
0x37b: {  	[tilespmem:s25+$0xFFFFFFB0] =	vst v30;
	v29 =	vld [tilespmem:s26+$0xFFFFFFF0]  }
0x37c: {  	s0 =	simm.s32 $0x0;
	s4 =	simm.s32 $0x14770;
	s24 =	simm.s32 $0x143F0;
	v30 =	vld [tilespmem:s25+$0xFFFFFF90];
	[tilespmem:s25+$0xFFFFFFC0] =	vst v31;
	v31 =	vadd.f32 v35, v34  }
.LBB2_67:
0x37d: {  	v32 =	vld [tilespmem:s4+$0x0];
	s26 =	sadd.s32 $0x400, s26  }
0x37e: {  	s0 =	sadd.s32 $0x8, s0;
	v33 =	vld [tilespmem:s26+$0x0];
	[tilespmem:s25+$0xFFFFFFD0] =	vst v31;
	v26 =	vadd.f32 v28, v26  }
0x37f: {  	p1 =	slt.u32 s0, $0xF8;
	v28 =	vld [tilespmem:s26+$0xFFFFFF90]  }
0x380: {  	v31 =	vld [tilespmem:s4+$0xFFFFFFA0];
	[tilespmem:s25+$0xFFFFFFE0] =	vst v26;
	v26 =	vadd.f32 v29, v27  }
0x381: {  	v27 =	vld [tilespmem:s26+$0xFFFFFFA0];
	v34 =	vadd.f32 v25, v30  }
0x382: {  	v29 =	vld [tilespmem:s4+$0xFFFFFFB0];
	[tilespmem:s25+$0xFFFFFFF0] =	vst v26  }
0x383: {  	v26 =	vld [tilespmem:s26+$0xFFFFFFB0];
	v30 =	vadd.f32 v33, v32;
	[tilespmem:s25+$0xFFFFFF90] =	vst v34;
	s25 =	smov.u32 s4  }
0x384: {  	v32 =	vld [tilespmem:s4+$0xFFFFFFC0];
	v25 =	vmov v28  }
0x385: {  	s1 =	simm.s32 $0x43F0;
	v33 =	vld [tilespmem:s26+$0xFFFFFFC0];
	[tilespmem:s4+$0x0] =	vst v30  }
0x386: {  	v27 =	vadd.f32 v27, v31;
	v31 =	vld [tilespmem:s4+$0xFFFFFFD0]  }
0x387: {  	v34 =	vld [tilespmem:s26+$0xFFFFFFD0]  }
.Ltmp36:
0x388: {  	[tilespmem:s4+$0xFFFFFFA0] =	vst v27;
	v27 =	vadd.f32 v26, v29;
	v26 =	vld [tilespmem:s4+$0xFFFFFFE0];
	(pc) =	sbr.rel @p1 .LBB2_67-.Ltmp36, $4  }
0x389: {  	v28 =	vld [tilespmem:s26+$0xFFFFFFE0]  }
0x38a: {  	[tilespmem:s4+$0xFFFFFFB0] =	vst v27;
	v32 =	vadd.f32 v33, v32;
	v27 =	vld [tilespmem:s4+$0xFFFFFFF0]  }
0x38b: {  	v29 =	vld [tilespmem:s26+$0xFFFFFFF0]  }
0x38c: {  	s4 =	sadd.s32 $0x400, s4;
	v30 =	vld [tilespmem:s25+$0xFFFFFF90];
	[tilespmem:s25+$0xFFFFFFC0] =	vst v32;
	v31 =	vadd.f32 v34, v31  }
0x38d: {  	_ =	sdelay $0x1  }
0x38e: {  	v26 =	vadd.f32 v28, v26  }
0x38f: {  	[tilespmem:s25+$0xFFFFFFD0] =	vst v31;
	v27 =	vadd.f32 v29, v27  }
0x390: {  	[tilespmem:s25+$0xFFFFFFE0] =	vst v26;
	v25 =	vadd.f32 v25, v30  }
0x391: {  	[tilespmem:s25+$0xFFFFFFF0] =	vst v27  }
0x392: {  	[tilespmem:s25+$0xFFFFFF90] =	vst v25  }
0x393: {  	v26 =	vld [tilespmem:s24+$0x0]  }
0x394: {  	v27 =	vld [tilespmem:s1+$0x0]  }
0x395: {  	v25 =	vld [tilespmem:s1+$0xFFFFFF90]  }
0x396: {  	v28 =	vld [tilespmem:s24+$0xFFFFFFA0]  }
0x397: {  	v29 =	vld [tilespmem:s1+$0xFFFFFFA0]  }
0x398: {  	v30 =	vld [tilespmem:s24+$0xFFFFFFB0]  }
0x399: {  	v31 =	vld [tilespmem:s1+$0xFFFFFFB0]  }
0x39a: {  	v32 =	vld [tilespmem:s24+$0xFFFFFFC0]  }
0x39b: {  	v33 =	vld [tilespmem:s1+$0xFFFFFFC0]  }
0x39c: {  	v34 =	vld [tilespmem:s24+$0xFFFFFFD0]  }
0x39d: {  	v35 =	vld [tilespmem:s1+$0xFFFFFFD0];
	v27 =	vadd.f32 v27, v26  }
0x39e: {  	v29 =	vadd.f32 v29, v28;
	v26 =	vld [tilespmem:s24+$0xFFFFFFE0]  }
0x39f: {  	v30 =	vadd.f32 v31, v30;
	v28 =	vld [tilespmem:s1+$0xFFFFFFE0];
	[tilespmem:s24+$0x0] =	vst v27  }
0x3a0: {  	v31 =	vadd.f32 v33, v32;
	[tilespmem:s24+$0xFFFFFFA0] =	vst v29;
	v27 =	vld [tilespmem:s24+$0xFFFFFFF0]  }
0x3a1: {  	[tilespmem:s24+$0xFFFFFFB0] =	vst v30;
	v30 =	vld [tilespmem:s1+$0xFFFFFFF0]  }
0x3a2: {  	s0 =	simm.s32 $0x0;
	s4 =	simm.s32 $0x147F0;
	v29 =	vld [tilespmem:s24+$0xFFFFFF90];
	[tilespmem:s24+$0xFFFFFFC0] =	vst v31;
	v31 =	vadd.f32 v35, v34  }
.LBB2_69:
0x3a3: {  	v32 =	vld [tilespmem:s4+$0x0];
	s1 =	sadd.s32 $0x400, s1  }
0x3a4: {  	s0 =	sadd.s32 $0x8, s0;
	v33 =	vld [tilespmem:s1+$0x0];
	[tilespmem:s24+$0xFFFFFFD0] =	vst v31;
	v26 =	vadd.f32 v28, v26  }
0x3a5: {  	p1 =	slt.u32 s0, $0xF8;
	v28 =	vld [tilespmem:s1+$0xFFFFFF90]  }
0x3a6: {  	v31 =	vld [tilespmem:s4+$0xFFFFFFA0];
	[tilespmem:s24+$0xFFFFFFE0] =	vst v26;
	v26 =	vadd.f32 v30, v27  }
0x3a7: {  	v27 =	vld [tilespmem:s1+$0xFFFFFFA0];
	v34 =	vadd.f32 v25, v29  }
0x3a8: {  	v29 =	vld [tilespmem:s4+$0xFFFFFFB0];
	[tilespmem:s24+$0xFFFFFFF0] =	vst v26  }
0x3a9: {  	v26 =	vld [tilespmem:s1+$0xFFFFFFB0];
	v30 =	vadd.f32 v33, v32;
	[tilespmem:s24+$0xFFFFFF90] =	vst v34;
	s24 =	smov.u32 s4  }
0x3aa: {  	v32 =	vld [tilespmem:s4+$0xFFFFFFC0];
	v25 =	vmov v28  }
0x3ab: {  	v33 =	vld [tilespmem:s1+$0xFFFFFFC0];
	[tilespmem:s4+$0x0] =	vst v30  }
0x3ac: {  	v27 =	vadd.f32 v27, v31;
	v31 =	vld [tilespmem:s4+$0xFFFFFFD0]  }
0x3ad: {  	v34 =	vld [tilespmem:s1+$0xFFFFFFD0]  }
.Ltmp37:
0x3ae: {  	[tilespmem:s4+$0xFFFFFFA0] =	vst v27;
	v27 =	vadd.f32 v26, v29;
	v26 =	vld [tilespmem:s4+$0xFFFFFFE0];
	(pc) =	sbr.rel @p1 .LBB2_69-.Ltmp37, $4  }
0x3af: {  	v28 =	vld [tilespmem:s1+$0xFFFFFFE0]  }
0x3b0: {  	[tilespmem:s4+$0xFFFFFFB0] =	vst v27;
	v32 =	vadd.f32 v33, v32;
	v27 =	vld [tilespmem:s4+$0xFFFFFFF0]  }
0x3b1: {  	v30 =	vld [tilespmem:s1+$0xFFFFFFF0]  }
0x3b2: {  	s4 =	sadd.s32 $0x400, s4;
	v29 =	vld [tilespmem:s24+$0xFFFFFF90];
	[tilespmem:s24+$0xFFFFFFC0] =	vst v32;
	v31 =	vadd.f32 v34, v31  }
0x3b3: {  	_ =	sdelay $0x1  }
0x3b4: {  	v26 =	vadd.f32 v28, v26  }
.Ltmp38:
0x3b5: {  	[tilespmem:s24+$0xFFFFFFD0] =	vst v31;
	v27 =	vadd.f32 v30, v27;
	(pc) =	sbr.rel @p0 .LBB2_72-.Ltmp38, $4  }
0x3b6: {  	[tilespmem:s24+$0xFFFFFFE0] =	vst v26;
	v25 =	vadd.f32 v25, v29  }
0x3b7: {  	[tilespmem:s24+$0xFFFFFFF0] =	vst v27  }
0x3b8: {  	s0 =	sadd.s32 s23, s11;
	[tilespmem:s24+$0xFFFFFF90] =	vst v25  }
0x3b9: {  	[hbm4b:s0+s3] =	stream.linear.scatter [tilespmem:s16], [sflag:$0x4], $0x8000, $0x38;
	[tilespmem:$0x1C000] =	vst v63  }
.Ltmp39:
0x3ba: {  	(pc) =	sbr.rel .LBB2_38-.Ltmp39, $4  }
0x3bb: {  	_ =	swait.ge [sflag:s19], $0x8000;
	s0 =	sadd.s32 s18, s22  }
0x3bc: {  	[sflag:s19] =	ssyncset.done $0x0;
	s0 =	sshrl.u32 s0, $0x3  }
0x3bd: {  	s21 =	sadd.s32 $0x1, s21;
	[sflag:s19] =	ssyncadd.s32 $0xFFFF8000;
	s0 =	sadd.s32 s13, s0  }
0x3be: {  	[tilespmem:s16], [sflag:$0x2] =	stream.linear.gather [hbm4b:s0+s3], $0x8000, $0x38;
	[tilespmem:$0x1C000] =	vst v63  }
.LBB2_6:
.Ltmp40:
0x3bf: {  	(pc) =	sbr.rel .LBB2_11-.Ltmp40, $4  }
0x3c0: {  	s29 =	simm.s32 $0x0  }
0x3c1: {  	s30 =	simm.s32 $0x0;
	s31 =	smov.u32 s26;
	s13 =	rddreg [dreg:$0x0]  }
0x3c2: {  	s23 =	smov.u32 s0;
	s25 =	smov.u32 s1;
	s15 =	rddreg [dreg:$0x4]  }
0x3c3: {  	p2 =	por $0x0, $0x0;
	s18 =	rddreg [dreg:$0x7];
	s20 =	simm.s32 $0xC000  }
.LBB2_12:
.Ltmp41:
0x3c4: {  	(pc) =	sbr.rel .LBB2_17-.Ltmp41, $2  }
0x3c5: {  	_ =	sdelay $0x2  }
0x3c6: {  	s4 =	simm.s32 $0x0  }
.LBB2_18:
.Ltmp42:
0x3c7: {  	(pc) =	sbr.rel .LBB2_22-.Ltmp42, $3  }
0x3c8: {  	_ =	sdelay $0x1  }
0x3c9: {  	s0 =	simm.s32 $0x0;
	p3 =	por $0x0, $0x0;
	s30 =	simm.s32 $0x0  }
0x3ca: {  	s29 =	simm.s32 $0x0;
	s1 =	simm.s32 $0x20;
	p2 =	por $0x0, $0x0  }
.LBB2_23:
.Ltmp43:
0x3cb: {  	(pc) =	sbr.rel .LBB2_27-.Ltmp43, $3  }
0x3cc: {  	_ =	sdelay $0x1  }
0x3cd: {  	s0 =	simm.s32 $0x0;
	p2 =	por $0x0, $0x0;
	s1 =	simm.s32 $0x0  }
0x3ce: {  	s26 =	simm.s32 $0x0;
	s25 =	simm.s32 $0x20;
	p1 =	por $0x0, $0x0  }
.LBB2_28:
.Ltmp44:
0x3cf: {  	(pc) =	sbr.rel .LBB2_32-.Ltmp44, $3  }
0x3d0: {  	_ =	sdelay $0x1  }
0x3d1: {  	s0 =	simm.s32 $0x0;
	p3 =	por $0x0, $0x0;
	s29 =	simm.s32 $0x0  }
0x3d2: {  	s28 =	simm.s32 $0x0;
	s1 =	simm.s32 $0x20;
	p2 =	por $0x0, $0x0  }
.LBB2_33:
.Ltmp45:
0x3d3: {  	(pc) =	sbr.rel .LBB2_37-.Ltmp45, $4  }
0x3d4: {  	_ = 	snop  }
0x3d5: {  	s24 =	simm.s32 $0x0  }
0x3d6: {  	p2 =	por $0x0, $0x0;
	s0 =	simm.s32 $0x0;
	s25 =	simm.s32 $0x0  }
0x3d7: {  	s1 =	simm.s32 $0x20;
	p1 =	por $0x0, $0x0;
	s12 =	rddreg [dreg:$0x9]  }
.LBB2_8:
.Ltmp46:
0x3d8: {  	(pc) =	sbr.rel .LBB2_11-.Ltmp46, $4  }
0x3d9: {  	_ = 	snop  }
0x3da: {  	s13 =	rddreg [dreg:$0x0]  }
0x3db: {  	s15 =	rddreg [dreg:$0x4]  }
0x3dc: {  	s29 =	simm.s32 $0x0;
	s18 =	rddreg [dreg:$0x7];
	s20 =	simm.s32 $0xC000  }
.LBB2_14:
.Ltmp47:
0x3dd: {  	(pc) =	sbr.rel .LBB2_17-.Ltmp47, $3  }
0x3de: {  	_ =	sdelay $0x1  }
0x3df: {  	s4 =	simm.s32 $0x0;
	s22 =	simm.s32 $0x40  }
0x3e0: {  	s26 =	smov.u32 s25;
	s0 =	smov.u32 s31;
	s1 =	smov.u32 s29  }
.LBB2_20:
.Ltmp48:
0x3e1: {  	(pc) =	sbr.rel .LBB2_22-.Ltmp48, $3  }
0x3e2: {  	_ =	sdelay $0x1  }
0x3e3: {  	s0 =	simm.s32 $0x0;
	p3 =	por $0x0, $0x0  }
0x3e4: {  	s30 =	simm.s32 $0x0;
	s29 =	simm.s32 $0x0;
	s1 =	simm.s32 $0x20  }
.LBB2_25:
.Ltmp49:
0x3e5: {  	(pc) =	sbr.rel .LBB2_27-.Ltmp49, $3  }
0x3e6: {  	_ =	sdelay $0x1  }
0x3e7: {  	s0 =	simm.s32 $0x0;
	p2 =	por $0x0, $0x0  }
0x3e8: {  	s1 =	simm.s32 $0x0;
	s26 =	simm.s32 $0x0;
	s25 =	simm.s32 $0x20  }
.LBB2_30:
.Ltmp50:
0x3e9: {  	(pc) =	sbr.rel .LBB2_32-.Ltmp50, $3  }
0x3ea: {  	_ =	sdelay $0x1  }
0x3eb: {  	s0 =	simm.s32 $0x0;
	p3 =	por $0x0, $0x0  }
0x3ec: {  	s29 =	simm.s32 $0x0;
	s28 =	simm.s32 $0x0;
	s1 =	simm.s32 $0x20  }
.LBB2_35:
.Ltmp51:
0x3ed: {  	(pc) =	sbr.rel .LBB2_37-.Ltmp51, $3  }
0x3ee: {  	_ =	sdelay $0x1  }
0x3ef: {  	s24 =	simm.s32 $0x0;
	p2 =	por $0x0, $0x0  }
0x3f0: {  	s0 =	simm.s32 $0x0;
	s25 =	simm.s32 $0x0;
	s1 =	simm.s32 $0x20  }
.LBB2_73:
0x3f1: {  	_ =	sfence.sel $0x180000  }
0x3f2: {  	[bflag:$0x0] =	sbarrier.arrive $0xFFFF  }
0x3f3: {  	_ =	strace $0x90000047  }
0x3f4: {  	s0 =	stileid.u32;
	[bflag:$0x2] =	sbarrier.arrive $0xFFFF  }
0x3f5: {  	p0 =	sne.s32 s0, $0x0;
	s0 =	rddreg [dreg:$0x2]  }
0x3f6: {  	s0 =	sadd.s32 @!p0 $0x100000, s0  }
0x3f7: {  	[sflag:s0] =	ssyncadd.tile.s32 @!p0 $0x1;
	_ =	shalt  }
.Lfunc_end2:
_tile_overlayer_lowered:
.L_overlay_start_2:
0x3f8: {  	(tag) =	ssettag $0x2  }
0x3f9: {  	s0 =	rddreg [dreg:$0x0];
	s2 =	stileid.u32  }
0x3fa: {  	s1 =	rddreg [dreg:$0x1];
	p0 =	sne.s32 s2, $0x0  }
0x3fb: {  	s3 =	rddreg [dreg:$0x2];
	[bflag:$0x3] =	sbarrier.arrive $0xFFFF;
	s2 =	simm.s32 @!p0 $0x1C05  }
0x3fc: {  	[timem:s3], [sflag:s2] =	dma.local @!p0 [hbm:s0], s1  }
0x3fd: {  	s0 =	simm.s32 @!p0 $0x5  }
0x3fe: {  	_ =	swait.ge @!p0 [sflag:s0], s1  }
0x3ff: {  	s1 =	ssub.s32 @!p0 $0x0, s1;
	[sflag:s0] =	ssyncset.done @!p0 $0x0  }
0x400: {  	[sflag:s0] =	ssyncadd.s32 @!p0 s1  }
0x401: {  	[bflag:$0x3] =	sbarrier.arrive $0xFFFF  }
0x402: {  	_ =	shalt  }

</sc_bundles>
